<compile_context>
chip_gen: v7x
topology: tpu7x:2x2x1
jax: 0.10.2.dev20260603
libtpu: 0.0.44.dev20260713+nightly
codegen_flags: <defaults>
</compile_context>

<pallas_src>
import functools

import jax
import jax.numpy as jnp
from jax import lax
from jax.experimental import pallas as pl
from jax.experimental.pallas import tpu as pltpu
from jax.experimental.pallas import tpu_sc as plsc

B = 16384
DIM = 16
NN = 8
N_ENTITY = 1000000
N_USER = 100000
N_RELATION = 64

_info = plsc.get_sparse_core_info()
NC = _info.num_cores
NS = _info.num_subcores
L = _info.num_lanes
NW = NC * NS
BPW = B // NW
HALF = BPW // 2
NBR = HALF * NN
CH = 128

_mesh = plsc.VectorSubcoreMesh(core_axis_name="c", subcore_axis_name="s")

NBRW = BPW * NN
NBRH = NBRW // 2


@functools.partial(
    pl.kernel,
    mesh=_mesh,
    out_type=(
        jax.ShapeDtypeStruct((B, 128), jnp.float32),
        jax.ShapeDtypeStruct((B, NN), jnp.int32),
        jax.ShapeDtypeStruct((B, NN), jnp.int32),
    ),
    scratch_types=[
        pltpu.VMEM((BPW,), jnp.int32),
        pltpu.VMEM((BPW,), jnp.int32),
        pltpu.VMEM((BPW, NN), jnp.int32),
        pltpu.VMEM((BPW, NN), jnp.int32),
        pltpu.VMEM((BPW, DIM), jnp.float32),
        pltpu.VMEM((BPW, DIM), jnp.float32),
        pltpu.SemaphoreType.DMA,
    ],
    compiler_params=pltpu.CompilerParams(use_tc_tiling_on_sc=False),
)
def _sc_gather_a(user_idx_hbm, item_idx_hbm, adj_ent_hbm, adj_rel_hbm,
                 ent_hbm, user_hbm,
                 me_out, adje_out, adjr_out,
                 item_v, user_v, adje_v, adjr_v, u_v, e0_v, sem):
    wid = lax.axis_index("s") * NC + lax.axis_index("c")
    base = wid * BPW
    pltpu.sync_copy(item_idx_hbm.at[pl.ds(base, BPW)], item_v)
    pltpu.sync_copy(user_idx_hbm.at[pl.ds(base, BPW)], user_v)
    copies = []
    for j in range(BPW // CH):
        sl = pl.ds(CH * j, CH)
        copies.append(pltpu.async_copy(
            adj_ent_hbm.at[item_v.at[sl]], adje_v.at[sl], sem))
        copies.append(pltpu.async_copy(
            adj_rel_hbm.at[item_v.at[sl]], adjr_v.at[sl], sem))
        copies.append(pltpu.async_copy(
            ent_hbm.at[item_v.at[sl]], e0_v.at[sl], sem))
        copies.append(pltpu.async_copy(
            user_hbm.at[user_v.at[sl]], u_v.at[sl], sem))
    for c in copies:
        c.wait()
    pltpu.sync_copy(u_v, me_out.at[pl.ds(base, BPW), pl.ds(0, DIM)])
    pltpu.sync_copy(e0_v, me_out.at[pl.ds(base, BPW), pl.ds(DIM, DIM)])
    pltpu.sync_copy(adje_v, adje_out.at[pl.ds(base, BPW)])
    pltpu.sync_copy(adjr_v, adjr_out.at[pl.ds(base, BPW)])


@functools.partial(
    pl.kernel,
    mesh=_mesh,
    out_type=jax.ShapeDtypeStruct((B * NN, DIM), jnp.float32),
    scratch_types=[
        pltpu.VMEM((NBRW,), jnp.int32),
        pltpu.VMEM((NBRW, DIM), jnp.float32),
        pltpu.SemaphoreType.DMA,
    ],
    compiler_params=pltpu.CompilerParams(use_tc_tiling_on_sc=False),
)
def _sc_gather_b(adje_flat_hbm, ent_hbm, e1_out, idxe_v, e1_v, sem):
    wid = lax.axis_index("s") * NC + lax.axis_index("c")
    base = wid * NBRW
    pltpu.sync_copy(adje_flat_hbm.at[pl.ds(base, NBRW)], idxe_v)
    copies = []
    for j in range(NBRW // CH):
        sl = pl.ds(CH * j, CH)
        copies.append(pltpu.async_copy(
            ent_hbm.at[idxe_v.at[sl]], e1_v.at[sl], sem))
    for c in copies:
        c.wait()
    pltpu.sync_copy(e1_v, e1_out.at[pl.ds(base, NBRW)])



_ENT_STEPS = 125
_ENT_ROWS = N_ENTITY // _ENT_STEPS
_USR_ROWS = N_USER // _ENT_STEPS


def _l2_body(ent_ref, usr_ref, rel_ref, out_ref, acc_ref):
    i = pl.program_id(0)

    @pl.when(i == 0)
    def _init():
        acc_ref[...] = jnp.zeros_like(acc_ref)

    x = ent_ref[...].astype(jnp.bfloat16)
    y = usr_ref[...].astype(jnp.bfloat16)
    dn = (((0,), (0,)), ((), ()))
    acc_ref[...] += (
        lax.dot_general(x, x, dn, preferred_element_type=jnp.float32)
        + lax.dot_general(y, y, dn, preferred_element_type=jnp.float32))

    @pl.when(i == _ENT_STEPS - 1)
    def _fin():
        r = rel_ref[...]
        acc = acc_ref[...] + lax.dot_general(
            r, r, (((0,), (0,)), ((), ())),
            preferred_element_type=jnp.float32)
        row = lax.broadcasted_iota(jnp.int32, (DIM, DIM), 0)
        col = lax.broadcasted_iota(jnp.int32, (DIM, DIM), 1)
        out_ref[0, 0] = 0.5 * jnp.sum(jnp.where(row == col, acc, 0.0))


def _l2_sum(ent, usr, rel):
    return pl.pallas_call(
        _l2_body,
        grid=(_ENT_STEPS,),
        in_specs=[
            pl.BlockSpec((_ENT_ROWS, DIM), lambda i: (i, 0)),
            pl.BlockSpec((_USR_ROWS, DIM), lambda i: (i, 0)),
            pl.BlockSpec((N_RELATION, DIM), lambda i: (0, 0)),
        ],
        out_specs=pl.BlockSpec(memory_space=pltpu.SMEM),
        out_shape=jax.ShapeDtypeStruct((1, 1), jnp.float32),
        scratch_shapes=[pltpu.VMEM((DIM, DIM), jnp.float32)],
    )(ent, usr, rel)



_C = 1024
_BSTEPS = B // _C


def _softplus(t):
    return jnp.maximum(t, 0.0) + jnp.log1p(jnp.exp(-jnp.abs(t)))


def _batch_body(me_ref, e1p_ref, adjr_ref, rel_ref, lab_ref, w_ref, b_ref,
                out_ref, acc_ref):
    i = pl.program_id(0)

    @pl.when(i == 0)
    def _init():
        acc_ref[...] = jnp.zeros_like(acc_ref)

    me = me_ref[...]
    u = me[:, 0:DIM]
    e0 = me[:, DIM:2 * DIM]
    e1 = e1p_ref[...]

    t = lax.dot_general(u, rel_ref[...], (((1,), (1,)), ((), ())),
                        preferred_element_type=jnp.float32)
    adjr = adjr_ref[...]
    parts = []
    for k in range(NN):
        oh = adjr[:, k:k + 1] == lax.broadcasted_iota(
            jnp.int32, (_C, N_RELATION), 1)
        parts.append(jnp.sum(jnp.where(oh, t, 0.0), axis=1, keepdims=True))
    sc = jnp.concatenate(parts, axis=1) * (1.0 / DIM)
    m = jnp.max(sc, axis=1, keepdims=True)
    ex = jnp.exp(sc - m)
    wgt = ex / jnp.sum(ex, axis=1, keepdims=True)

    agg = e0
    for k in range(NN):
        agg = agg + wgt[:, k:k + 1] * e1[:, k * DIM:(k + 1) * DIM]

    h = lax.dot_general(agg, w_ref[...], (((1,), (1,)), ((), ())),
                        preferred_element_type=jnp.float32) + b_ref[...]
    h = jnp.tanh(h)
    s = jnp.sum(u * h, axis=1)
    y = lab_ref[...]
    bce = y * _softplus(-s) + (1.0 - y) * _softplus(s)
    acc_ref[...] += bce

    @pl.when(i == _BSTEPS - 1)
    def _fin():
        out_ref[0, 0] = jnp.sum(acc_ref[...])


def _batch_loss(me, e1p, adjr, rel, labels, W, b2):
    return pl.pallas_call(
        _batch_body,
        grid=(_BSTEPS,),
        in_specs=[
            pl.BlockSpec((_C, 128), lambda i: (i, 0)),
            pl.BlockSpec((_C, 128), lambda i: (i, 0)),
            pl.BlockSpec((_C, NN), lambda i: (i, 0)),
            pl.BlockSpec((N_RELATION, DIM), lambda i: (0, 0)),
            pl.BlockSpec((_C,), lambda i: (i,)),
            pl.BlockSpec((DIM, DIM), lambda i: (0, 0)),
            pl.BlockSpec((1, DIM), lambda i: (0, 0)),
        ],
        out_specs=pl.BlockSpec(memory_space=pltpu.SMEM),
        out_shape=jax.ShapeDtypeStruct((1, 1), jnp.float32),
        scratch_shapes=[pltpu.VMEM((_C,), jnp.float32)],
    )(me, e1p, adjr, rel, labels, W, b2)


def kernel(user_indices, item_indices, labels, user_emb_matrix,
           entity_emb_matrix, relation_emb_matrix, adj_entity, adj_relation,
           W, b):
    me, adje, adjr = _sc_gather_a(
        user_indices, item_indices, adj_entity, adj_relation,
        entity_emb_matrix, user_emb_matrix)
    e1 = _sc_gather_b(adje.reshape(-1), entity_emb_matrix)

    l2 = _l2_sum(entity_emb_matrix, user_emb_matrix, relation_emb_matrix)

    e1p = e1.reshape(B, NN * DIM)
    bce = _batch_loss(me, e1p, adjr, relation_emb_matrix, labels, W,
                      b.reshape(1, DIM))

    return bce[0, 0] / B + 1e-4 * l2[0, 0]

# --- scband reference (transcript-rebuilt; emitter-appended) ---
"""Pipeline reference for scband-kgcn-33122787786944 (READ-ONLY COPY).

The authoritative reference and input builder live on the scoring server;
editing this copy changes nothing except your own understanding.
"""

import jax, jax.numpy as jnp
import numpy as np

N_USER = 100000
N_ENTITY = 1000000
N_RELATION = 64
B = 16384
DIM = 16
N_NEIGHBOR = 8


def setup_inputs(seed: int = 0) -> dict:
    key = jax.random.key(seed)
    ks = jax.random.split(key, 10)
    user_indices = jax.random.randint(ks[0], (B,), 0, N_USER, dtype=jnp.int64 if jax.config.jax_enable_x64 else jnp.int32).astype(jnp.int32)
    item_indices = jax.random.randint(ks[1], (B,), 0, N_ENTITY).astype(jnp.int32)
    labels = jnp.round(jax.random.uniform(ks[2], (B,), dtype=jnp.float32))
    user_emb_matrix = jax.random.uniform(ks[3], (N_USER, DIM), dtype=jnp.float32) * 2.0 - 1.0
    entity_emb_matrix = jax.random.uniform(ks[4], (N_ENTITY, DIM), dtype=jnp.float32) * 2.0 - 1.0
    relation_emb_matrix = jax.random.uniform(ks[5], (N_RELATION, DIM), dtype=jnp.float32) * 2.0 - 1.0
    adj_entity = jax.random.randint(ks[6], (N_ENTITY, N_NEIGHBOR), 0, N_ENTITY).astype(jnp.int32)
    adj_relation = jax.random.randint(ks[7], (N_ENTITY, N_NEIGHBOR), 0, N_RELATION).astype(jnp.int32)
    bound = 1.0 / np.sqrt(DIM)
    W = jax.random.uniform(ks[8], (DIM, DIM), dtype=jnp.float32, minval=-bound, maxval=bound)
    b = jax.random.uniform(ks[9], (DIM,), dtype=jnp.float32, minval=-bound, maxval=bound)
    return {
        "user_indices": user_indices,
        "item_indices": item_indices,
        "labels": labels,
        "user_emb_matrix": user_emb_matrix,
        "entity_emb_matrix": entity_emb_matrix,
        "relation_emb_matrix": relation_emb_matrix,
        "adj_entity": adj_entity,
        "adj_relation": adj_relation,
        "W": W,
        "b": b,
    }


def reference(user_indices, item_indices, labels, user_emb_matrix, entity_emb_matrix,
              relation_emb_matrix, adj_entity, adj_relation, W, b):
    # user embedding lookup
    user_embeddings = user_emb_matrix[user_indices]  # [B, DIM]

    # get_neighbors: 1-hop neighbor sampling via precomputed adjacency
    seeds = item_indices[:, None]                    # [B, 1]
    neighbor_entities = adj_entity[seeds]            # [B, 1, 8]
    neighbor_relations_idx = adj_relation[seeds]     # [B, 1, 8]

    e0 = entity_emb_matrix[seeds]                    # [B, 1, DIM]
    e1 = entity_emb_matrix[neighbor_entities]        # [B, 1, 8, DIM]
    r0 = relation_emb_matrix[neighbor_relations_idx] # [B, 1, 8, DIM]

    # SumAggregator with act=tanh (n_iter=1, last layer)
    neighbor_vectors = e1.reshape(B, -1, N_NEIGHBOR, DIM)
    neighbor_relations = r0.reshape(B, -1, N_NEIGHBOR, DIM)
    u = user_embeddings.reshape(B, 1, 1, DIM)
    user_rel_scores = jnp.mean(u * neighbor_relations, axis=-1)       # [B, 1, 8]
    user_rel_scores_norm = jax.nn.softmax(user_rel_scores, axis=-1)   # [B, 1, 8]
    neighbors_agg = jnp.sum(user_rel_scores_norm[..., None] * neighbor_vectors, axis=2)  # [B, 1, DIM]
    out = (e0 + neighbors_agg).reshape(-1, DIM)
    out = out @ W.T + b                              # shared agg1 Linear
    out = jnp.tanh(out).reshape(B, -1, DIM)

    item_embeddings = out.reshape(B, DIM)
    scores = jnp.sum(user_embeddings * item_embeddings, axis=1)
    sig = jax.nn.sigmoid(scores)

    # _build_train: BCE + L2 on embedding tables
    output = -labels * jnp.log(sig) - (1.0 - labels) * jnp.log(1.0 - sig)
    base_loss = jnp.mean(output)
    l2_loss = (jnp.sum(user_emb_matrix ** 2) / 2.0
               + jnp.sum(entity_emb_matrix ** 2) / 2.0
               + jnp.sum(relation_emb_matrix ** 2) / 2.0)
    loss = base_loss + 0.0001 * l2_loss
    return loss

if __name__ == "__main__":
    import jax
    _d = setup_inputs()
    print(jax.jit(kernel)(*tuple(_d.values())))

</pallas_src>

<mosaic_0001>
#map = affine_map<(d0, d1) -> (0)>
#map1 = affine_map<(d0, d1) -> (0, 0)>
module attributes {stable_mosaic.version = 14 : i64} {
  func.func @_sc_gather_b(%arg0: i32, %arg1: i32, %arg2: memref<131072xi32, #tpu.memory_space<hbm>>, %arg3: memref<1000000x16xf32, #tpu.memory_space<hbm>>, %arg4: memref<131072x16xf32, #tpu.memory_space<hbm>>, %arg5: memref<4096xi32, #tpu.memory_space<vmem>>, %arg6: memref<4096x16xf32, #tpu.memory_space<vmem>>, %arg7: memref<!tpu.dma_semaphore, #tpu.memory_space<semaphore_mem>>) attributes {dimension_semantics = [#tpu.dimension_semantics<core_parallel>, #tpu.dimension_semantics<subcore_parallel>], iteration_bounds = array<i64: 2, 16>, scalar_prefetch = 0 : i64, scratch_operands = 3 : i64, tpu.core_type = #tpu.core_type<sc_vector_subcore>, window_params = [{transform_indices = #map}, {transform_indices = #map1}, {transform_indices = #map1}]} {
    %mul3A = arith.constant 2 : i32
    %mul3A_0 = arith.muli %arg1, %mul3A : i32
    %add3A = arith.addi %mul3A_0, %arg0 : i32
    %mul3A_1 = arith.constant 4096 : i32
    %mul3A_2 = arith.muli %add3A, %mul3A_1 : i32
    "tpu.region"() ({
      %run_scoped3A = tpu.sem_alloc : memref<!tpu.dma_semaphore, #tpu.memory_space<semaphore_mem>>
      %dma_start3A_513 = tpu.memref_slice %arg2[%mul3A_2] : memref<131072xi32, #tpu.memory_space<hbm>> -> memref<4096xi32, #tpu.memory_space<hbm>>
      %dma_start3A_514 = tpu.memref_slice %arg2[%mul3A_2] : memref<131072xi32, #tpu.memory_space<hbm>> -> memref<4096xi32, #tpu.memory_space<hbm>>
      tpu.enqueue_dma source(%dma_start3A_514 : memref<4096xi32, #tpu.memory_space<hbm>>) target(%arg5 : memref<4096xi32, #tpu.memory_space<vmem>>) target_semaphore(%run_scoped3A : memref<!tpu.dma_semaphore, #tpu.memory_space<semaphore_mem>>)
      %dma_wait3A_515 = tpu.memref_slice %arg2[%mul3A_2] : memref<131072xi32, #tpu.memory_space<hbm>> -> memref<4096xi32, #tpu.memory_space<hbm>>
      %dma_wait3A_516 = tpu.memref_slice %arg2[%mul3A_2] : memref<131072xi32, #tpu.memory_space<hbm>> -> memref<4096xi32, #tpu.memory_space<hbm>>
      tpu.wait_dma2 semaphore(%run_scoped3A : memref<!tpu.dma_semaphore, #tpu.memory_space<semaphore_mem>>) src(%dma_wait3A_516 : memref<4096xi32, #tpu.memory_space<hbm>>) dst(%arg5 : memref<4096xi32, #tpu.memory_space<vmem>>)
      tpu.yield
    }) : () -> ()
    %dma_start3A = arith.constant 0 : i32
    %dma_start3A_3 = arith.constant 0 : i32
    %dma_start3A_4 = tpu.memref_slice %arg6[%dma_start3A, %dma_start3A_3] : memref<4096x16xf32, #tpu.memory_space<vmem>> -> memref<128x16xf32, #tpu.memory_space<vmem>>
    %dma_start3A_5 = arith.constant 0 : i32
    %dma_start3A_6 = tpu.memref_slice %arg5[%dma_start3A_5] : memref<4096xi32, #tpu.memory_space<vmem>> -> memref<128xi32, #tpu.memory_space<vmem>>
    %dma_start3A_7 = arith.constant 0 : i32
    %dma_start3A_8 = arith.constant 0 : i32
    %dma_start3A_9 = tpu.memref_slice %arg3[%dma_start3A_7, %dma_start3A_8] : memref<1000000x16xf32, #tpu.memory_space<hbm>> -> memref<1000000x16xf32, #tpu.memory_space<hbm>>
    tpu.enqueue_indirect_dma source(%dma_start3A_9 : memref<1000000x16xf32, #tpu.memory_space<hbm>>) target(%dma_start3A_4 : memref<128x16xf32, #tpu.memory_space<vmem>>) offsets(%dma_start3A_6 : memref<128xi32, #tpu.memory_space<vmem>>) semaphore(%arg7 : memref<!tpu.dma_semaphore, #tpu.memory_space<semaphore_mem>>)
    %dma_start3A_10 = arith.constant 128 : i32
    %dma_start3A_11 = arith.constant 0 : i32
    %dma_start3A_12 = tpu.memref_slice %arg6[%dma_start3A_10, %dma_start3A_11] : memref<4096x16xf32, #tpu.memory_space<vmem>> -> memref<128x16xf32, #tpu.memory_space<vmem>>
    %dma_start3A_13 = arith.constant 128 : i32
    %dma_start3A_14 = tpu.memref_slice %arg5[%dma_start3A_13] : memref<4096xi32, #tpu.memory_space<vmem>> -> memref<128xi32, #tpu.memory_space<vmem>>
    %dma_start3A_15 = arith.constant 0 : i32
    %dma_start3A_16 = arith.constant 0 : i32
    %dma_start3A_17 = tpu.memref_slice %arg3[%dma_start3A_15, %dma_start3A_16] : memref<1000000x16xf32, #tpu.memory_space<hbm>> -> memref<1000000x16xf32, #tpu.memory_space<hbm>>
    tpu.enqueue_indirect_dma source(%dma_start3A_17 : memref<1000000x16xf32, #tpu.memory_space<hbm>>) target(%dma_start3A_12 : memref<128x16xf32, #tpu.memory_space<vmem>>) offsets(%dma_start3A_14 : memref<128xi32, #tpu.memory_space<vmem>>) semaphore(%arg7 : memref<!tpu.dma_semaphore, #tpu.memory_space<semaphore_mem>>)
    %dma_start3A_18 = arith.constant 256 : i32
    %dma_start3A_19 = arith.constant 0 : i32
    %dma_start3A_20 = tpu.memref_slice %arg6[%dma_start3A_18, %dma_start3A_19] : memref<4096x16xf32, #tpu.memory_space<vmem>> -> memref<128x16xf32, #tpu.memory_space<vmem>>
    %dma_start3A_21 = arith.constant 256 : i32
    %dma_start3A_22 = tpu.memref_slice %arg5[%dma_start3A_21] : memref<4096xi32, #tpu.memory_space<vmem>> -> memref<128xi32, #tpu.memory_space<vmem>>
    %dma_start3A_23 = arith.constant 0 : i32
    %dma_start3A_24 = arith.constant 0 : i32
    %dma_start3A_25 = tpu.memref_slice %arg3[%dma_start3A_23, %dma_start3A_24] : memref<1000000x16xf32, #tpu.memory_space<hbm>> -> memref<1000000x16xf32, #tpu.memory_space<hbm>>
    tpu.enqueue_indirect_dma source(%dma_start3A_25 : memref<1000000x16xf32, #tpu.memory_space<hbm>>) target(%dma_start3A_20 : memref<128x16xf32, #tpu.memory_space<vmem>>) offsets(%dma_start3A_22 : memref<128xi32, #tpu.memory_space<vmem>>) semaphore(%arg7 : memref<!tpu.dma_semaphore, #tpu.memory_space<semaphore_mem>>)
    %dma_start3A_26 = arith.constant 384 : i32
    %dma_start3A_27 = arith.constant 0 : i32
    %dma_start3A_28 = tpu.memref_slice %arg6[%dma_start3A_26, %dma_start3A_27] : memref<4096x16xf32, #tpu.memory_space<vmem>> -> memref<128x16xf32, #tpu.memory_space<vmem>>
    %dma_start3A_29 = arith.constant 384 : i32
    %dma_start3A_30 = tpu.memref_slice %arg5[%dma_start3A_29] : memref<4096xi32, #tpu.memory_space<vmem>> -> memref<128xi32, #tpu.memory_space<vmem>>
    %dma_start3A_31 = arith.constant 0 : i32
    %dma_start3A_32 = arith.constant 0 : i32
    %dma_start3A_33 = tpu.memref_slice %arg3[%dma_start3A_31, %dma_start3A_32] : memref<1000000x16xf32, #tpu.memory_space<hbm>> -> memref<1000000x16xf32, #tpu.memory_space<hbm>>
    tpu.enqueue_indirect_dma source(%dma_start3A_33 : memref<1000000x16xf32, #tpu.memory_space<hbm>>) target(%dma_start3A_28 : memref<128x16xf32, #tpu.memory_space<vmem>>) offsets(%dma_start3A_30 : memref<128xi32, #tpu.memory_space<vmem>>) semaphore(%arg7 : memref<!tpu.dma_semaphore, #tpu.memory_space<semaphore_mem>>)
    %dma_start3A_34 = arith.constant 512 : i32
    %dma_start3A_35 = arith.constant 0 : i32
    %dma_start3A_36 = tpu.memref_slice %arg6[%dma_start3A_34, %dma_start3A_35] : memref<4096x16xf32, #tpu.memory_space<vmem>> -> memref<128x16xf32, #tpu.memory_space<vmem>>
    %dma_start3A_37 = arith.constant 512 : i32
    %dma_start3A_38 = tpu.memref_slice %arg5[%dma_start3A_37] : memref<4096xi32, #tpu.memory_space<vmem>> -> memref<128xi32, #tpu.memory_space<vmem>>
    %dma_start3A_39 = arith.constant 0 : i32
    %dma_start3A_40 = arith.constant 0 : i32
    %dma_start3A_41 = tpu.memref_slice %arg3[%dma_start3A_39, %dma_start3A_40] : memref<1000000x16xf32, #tpu.memory_space<hbm>> -> memref<1000000x16xf32, #tpu.memory_space<hbm>>
    tpu.enqueue_indirect_dma source(%dma_start3A_41 : memref<1000000x16xf32, #tpu.memory_space<hbm>>) target(%dma_start3A_36 : memref<128x16xf32, #tpu.memory_space<vmem>>) offsets(%dma_start3A_38 : memref<128xi32, #tpu.memory_space<vmem>>) semaphore(%arg7 : memref<!tpu.dma_semaphore, #tpu.memory_space<semaphore_mem>>)
    %dma_start3A_42 = arith.constant 640 : i32
    %dma_start3A_43 = arith.constant 0 : i32
    %dma_start3A_44 = tpu.memref_slice %arg6[%dma_start3A_42, %dma_start3A_43] : memref<4096x16xf32, #tpu.memory_space<vmem>> -> memref<128x16xf32, #tpu.memory_space<vmem>>
    %dma_start3A_45 = arith.constant 640 : i32
    %dma_start3A_46 = tpu.memref_slice %arg5[%dma_start3A_45] : memref<4096xi32, #tpu.memory_space<vmem>> -> memref<128xi32, #tpu.memory_space<vmem>>
    %dma_start3A_47 = arith.constant 0 : i32
    %dma_start3A_48 = arith.constant 0 : i32
    %dma_start3A_49 = tpu.memref_slice %arg3[%dma_start3A_47, %dma_start3A_48] : memref<1000000x16xf32, #tpu.memory_space<hbm>> -> memref<1000000x16xf32, #tpu.memory_space<hbm>>
    tpu.enqueue_indirect_dma source(%dma_start3A_49 : memref<1000000x16xf32, #tpu.memory_space<hbm>>) target(%dma_start3A_44 : memref<128x16xf32, #tpu.memory_space<vmem>>) offsets(%dma_start3A_46 : memref<128xi32, #tpu.memory_space<vmem>>) semaphore(%arg7 : memref<!tpu.dma_semaphore, #tpu.memory_space<semaphore_mem>>)
    %dma_start3A_50 = arith.constant 768 : i32
    %dma_start3A_51 = arith.constant 0 : i32
    %dma_start3A_52 = tpu.memref_slice %arg6[%dma_start3A_50, %dma_start3A_51] : memref<4096x16xf32, #tpu.memory_space<vmem>> -> memref<128x16xf32, #tpu.memory_space<vmem>>
    %dma_start3A_53 = arith.constant 768 : i32
    %dma_start3A_54 = tpu.memref_slice %arg5[%dma_start3A_53] : memref<4096xi32, #tpu.memory_space<vmem>> -> memref<128xi32, #tpu.memory_space<vmem>>
    %dma_start3A_55 = arith.constant 0 : i32
    %dma_start3A_56 = arith.constant 0 : i32
    %dma_start3A_57 = tpu.memref_slice %arg3[%dma_start3A_55, %dma_start3A_56] : memref<1000000x16xf32, #tpu.memory_space<hbm>> -> memref<1000000x16xf32, #tpu.memory_space<hbm>>
    tpu.enqueue_indirect_dma source(%dma_start3A_57 : memref<1000000x16xf32, #tpu.memory_space<hbm>>) target(%dma_start3A_52 : memref<128x16xf32, #tpu.memory_space<vmem>>) offsets(%dma_start3A_54 : memref<128xi32, #tpu.memory_space<vmem>>) semaphore(%arg7 : memref<!tpu.dma_semaphore, #tpu.memory_space<semaphore_mem>>)
    %dma_start3A_58 = arith.constant 896 : i32
    %dma_start3A_59 = arith.constant 0 : i32
    %dma_start3A_60 = tpu.memref_slice %arg6[%dma_start3A_58, %dma_start3A_59] : memref<4096x16xf32, #tpu.memory_space<vmem>> -> memref<128x16xf32, #tpu.memory_space<vmem>>
    %dma_start3A_61 = arith.constant 896 : i32
    %dma_start3A_62 = tpu.memref_slice %arg5[%dma_start3A_61] : memref<4096xi32, #tpu.memory_space<vmem>> -> memref<128xi32, #tpu.memory_space<vmem>>
    %dma_start3A_63 = arith.constant 0 : i32
    %dma_start3A_64 = arith.constant 0 : i32
    %dma_start3A_65 = tpu.memref_slice %arg3[%dma_start3A_63, %dma_start3A_64] : memref<1000000x16xf32, #tpu.memory_space<hbm>> -> memref<1000000x16xf32, #tpu.memory_space<hbm>>
    tpu.enqueue_indirect_dma source(%dma_start3A_65 : memref<1000000x16xf32, #tpu.memory_space<hbm>>) target(%dma_start3A_60 : memref<128x16xf32, #tpu.memory_space<vmem>>) offsets(%dma_start3A_62 : memref<128xi32, #tpu.memory_space<vmem>>) semaphore(%arg7 : memref<!tpu.dma_semaphore, #tpu.memory_space<semaphore_mem>>)
    %dma_start3A_66 = arith.constant 1024 : i32
    %dma_start3A_67 = arith.constant 0 : i32
    %dma_start3A_68 = tpu.memref_slice %arg6[%dma_start3A_66, %dma_start3A_67] : memref<4096x16xf32, #tpu.memory_space<vmem>> -> memref<128x16xf32, #tpu.memory_space<vmem>>
    %dma_start3A_69 = arith.constant 1024 : i32
    %dma_start3A_70 = tpu.memref_slice %arg5[%dma_start3A_69] : memref<4096xi32, #tpu.memory_space<vmem>> -> memref<128xi32, #tpu.memory_space<vmem>>
    %dma_start3A_71 = arith.constant 0 : i32
    %dma_start3A_72 = arith.constant 0 : i32
    %dma_start3A_73 = tpu.memref_slice %arg3[%dma_start3A_71, %dma_start3A_72] : memref<1000000x16xf32, #tpu.memory_space<hbm>> -> memref<1000000x16xf32, #tpu.memory_space<hbm>>
    tpu.enqueue_indirect_dma source(%dma_start3A_73 : memref<1000000x16xf32, #tpu.memory_space<hbm>>) target(%dma_start3A_68 : memref<128x16xf32, #tpu.memory_space<vmem>>) offsets(%dma_start3A_70 : memref<128xi32, #tpu.memory_space<vmem>>) semaphore(%arg7 : memref<!tpu.dma_semaphore, #tpu.memory_space<semaphore_mem>>)
    %dma_start3A_74 = arith.constant 1152 : i32
    %dma_start3A_75 = arith.constant 0 : i32
    %dma_start3A_76 = tpu.memref_slice %arg6[%dma_start3A_74, %dma_start3A_75] : memref<4096x16xf32, #tpu.memory_space<vmem>> -> memref<128x16xf32, #tpu.memory_space<vmem>>
    %dma_start3A_77 = arith.constant 1152 : i32
    %dma_start3A_78 = tpu.memref_slice %arg5[%dma_start3A_77] : memref<4096xi32, #tpu.memory_space<vmem>> -> memref<128xi32, #tpu.memory_space<vmem>>
    %dma_start3A_79 = arith.constant 0 : i32
    %dma_start3A_80 = arith.constant 0 : i32
    %dma_start3A_81 = tpu.memref_slice %arg3[%dma_start3A_79, %dma_start3A_80] : memref<1000000x16xf32, #tpu.memory_space<hbm>> -> memref<1000000x16xf32, #tpu.memory_space<hbm>>
    tpu.enqueue_indirect_dma source(%dma_start3A_81 : memref<1000000x16xf32, #tpu.memory_space<hbm>>) target(%dma_start3A_76 : memref<128x16xf32, #tpu.memory_space<vmem>>) offsets(%dma_start3A_78 : memref<128xi32, #tpu.memory_space<vmem>>) semaphore(%arg7 : memref<!tpu.dma_semaphore, #tpu.memory_space<semaphore_mem>>)
    %dma_start3A_82 = arith.constant 1280 : i32
    %dma_start3A_83 = arith.constant 0 : i32
    %dma_start3A_84 = tpu.memref_slice %arg6[%dma_start3A_82, %dma_start3A_83] : memref<4096x16xf32, #tpu.memory_space<vmem>> -> memref<128x16xf32, #tpu.memory_space<vmem>>
    %dma_start3A_85 = arith.constant 1280 : i32
    %dma_start3A_86 = tpu.memref_slice %arg5[%dma_start3A_85] : memref<4096xi32, #tpu.memory_space<vmem>> -> memref<128xi32, #tpu.memory_space<vmem>>
    %dma_start3A_87 = arith.constant 0 : i32
    %dma_start3A_88 = arith.constant 0 : i32
    %dma_start3A_89 = tpu.memref_slice %arg3[%dma_start3A_87, %dma_start3A_88] : memref<1000000x16xf32, #tpu.memory_space<hbm>> -> memref<1000000x16xf32, #tpu.memory_space<hbm>>
    tpu.enqueue_indirect_dma source(%dma_start3A_89 : memref<1000000x16xf32, #tpu.memory_space<hbm>>) target(%dma_start3A_84 : memref<128x16xf32, #tpu.memory_space<vmem>>) offsets(%dma_start3A_86 : memref<128xi32, #tpu.memory_space<vmem>>) semaphore(%arg7 : memref<!tpu.dma_semaphore, #tpu.memory_space<semaphore_mem>>)
    %dma_start3A_90 = arith.constant 1408 : i32
    %dma_start3A_91 = arith.constant 0 : i32
    %dma_start3A_92 = tpu.memref_slice %arg6[%dma_start3A_90, %dma_start3A_91] : memref<4096x16xf32, #tpu.memory_space<vmem>> -> memref<128x16xf32, #tpu.memory_space<vmem>>
    %dma_start3A_93 = arith.constant 1408 : i32
    %dma_start3A_94 = tpu.memref_slice %arg5[%dma_start3A_93] : memref<4096xi32, #tpu.memory_space<vmem>> -> memref<128xi32, #tpu.memory_space<vmem>>
    %dma_start3A_95 = arith.constant 0 : i32
    %dma_start3A_96 = arith.constant 0 : i32
    %dma_start3A_97 = tpu.memref_slice %arg3[%dma_start3A_95, %dma_start3A_96] : memref<1000000x16xf32, #tpu.memory_space<hbm>> -> memref<1000000x16xf32, #tpu.memory_space<hbm>>
    tpu.enqueue_indirect_dma source(%dma_start3A_97 : memref<1000000x16xf32, #tpu.memory_space<hbm>>) target(%dma_start3A_92 : memref<128x16xf32, #tpu.memory_space<vmem>>) offsets(%dma_start3A_94 : memref<128xi32, #tpu.memory_space<vmem>>) semaphore(%arg7 : memref<!tpu.dma_semaphore, #tpu.memory_space<semaphore_mem>>)
    %dma_start3A_98 = arith.constant 1536 : i32
    %dma_start3A_99 = arith.constant 0 : i32
    %dma_start3A_100 = tpu.memref_slice %arg6[%dma_start3A_98, %dma_start3A_99] : memref<4096x16xf32, #tpu.memory_space<vmem>> -> memref<128x16xf32, #tpu.memory_space<vmem>>
    %dma_start3A_101 = arith.constant 1536 : i32
    %dma_start3A_102 = tpu.memref_slice %arg5[%dma_start3A_101] : memref<4096xi32, #tpu.memory_space<vmem>> -> memref<128xi32, #tpu.memory_space<vmem>>
    %dma_start3A_103 = arith.constant 0 : i32
    %dma_start3A_104 = arith.constant 0 : i32
    %dma_start3A_105 = tpu.memref_slice %arg3[%dma_start3A_103, %dma_start3A_104] : memref<1000000x16xf32, #tpu.memory_space<hbm>> -> memref<1000000x16xf32, #tpu.memory_space<hbm>>
    tpu.enqueue_indirect_dma source(%dma_start3A_105 : memref<1000000x16xf32, #tpu.memory_space<hbm>>) target(%dma_start3A_100 : memref<128x16xf32, #tpu.memory_space<vmem>>) offsets(%dma_start3A_102 : memref<128xi32, #tpu.memory_space<vmem>>) semaphore(%arg7 : memref<!tpu.dma_semaphore, #tpu.memory_space<semaphore_mem>>)
    %dma_start3A_106 = arith.constant 1664 : i32
    %dma_start3A_107 = arith.constant 0 : i32
    %dma_start3A_108 = tpu.memref_slice %arg6[%dma_start3A_106, %dma_start3A_107] : memref<4096x16xf32, #tpu.memory_space<vmem>> -> memref<128x16xf32, #tpu.memory_space<vmem>>
    %dma_start3A_109 = arith.constant 1664 : i32
    %dma_start3A_110 = tpu.memref_slice %arg5[%dma_start3A_109] : memref<4096xi32, #tpu.memory_space<vmem>> -> memref<128xi32, #tpu.memory_space<vmem>>
    %dma_start3A_111 = arith.constant 0 : i32
    %dma_start3A_112 = arith.constant 0 : i32
    %dma_start3A_113 = tpu.memref_slice %arg3[%dma_start3A_111, %dma_start3A_112] : memref<1000000x16xf32, #tpu.memory_space<hbm>> -> memref<1000000x16xf32, #tpu.memory_space<hbm>>
    tpu.enqueue_indirect_dma source(%dma_start3A_113 : memref<1000000x16xf32, #tpu.memory_space<hbm>>) target(%dma_start3A_108 : memref<128x16xf32, #tpu.memory_space<vmem>>) offsets(%dma_start3A_110 : memref<128xi32, #tpu.memory_space<vmem>>) semaphore(%arg7 : memref<!tpu.dma_semaphore, #tpu.memory_space<semaphore_mem>>)
    %dma_start3A_114 = arith.constant 1792 : i32
    %dma_start3A_115 = arith.constant 0 : i32
    %dma_start3A_116 = tpu.memref_slice %arg6[%dma_start3A_114, %dma_start3A_115] : memref<4096x16xf32, #tpu.memory_space<vmem>> -> memref<128x16xf32, #tpu.memory_space<vmem>>
    %dma_start3A_117 = arith.constant 1792 : i32
    %dma_start3A_118 = tpu.memref_slice %arg5[%dma_start3A_117] : memref<4096xi32, #tpu.memory_space<vmem>> -> memref<128xi32, #tpu.memory_space<vmem>>
    %dma_start3A_119 = arith.constant 0 : i32
    %dma_start3A_120 = arith.constant 0 : i32
    %dma_start3A_121 = tpu.memref_slice %arg3[%dma_start3A_119, %dma_start3A_120] : memref<1000000x16xf32, #tpu.memory_space<hbm>> -> memref<1000000x16xf32, #tpu.memory_space<hbm>>
    tpu.enqueue_indirect_dma source(%dma_start3A_121 : memref<1000000x16xf32, #tpu.memory_space<hbm>>) target(%dma_start3A_116 : memref<128x16xf32, #tpu.memory_space<vmem>>) offsets(%dma_start3A_118 : memref<128xi32, #tpu.memory_space<vmem>>) semaphore(%arg7 : memref<!tpu.dma_semaphore, #tpu.memory_space<semaphore_mem>>)
    %dma_start3A_122 = arith.constant 1920 : i32
    %dma_start3A_123 = arith.constant 0 : i32
    %dma_start3A_124 = tpu.memref_slice %arg6[%dma_start3A_122, %dma_start3A_123] : memref<4096x16xf32, #tpu.memory_space<vmem>> -> memref<128x16xf32, #tpu.memory_space<vmem>>
    %dma_start3A_125 = arith.constant 1920 : i32
    %dma_start3A_126 = tpu.memref_slice %arg5[%dma_start3A_125] : memref<4096xi32, #tpu.memory_space<vmem>> -> memref<128xi32, #tpu.memory_space<vmem>>
    %dma_start3A_127 = arith.constant 0 : i32
    %dma_start3A_128 = arith.constant 0 : i32
    %dma_start3A_129 = tpu.memref_slice %arg3[%dma_start3A_127, %dma_start3A_128] : memref<1000000x16xf32, #tpu.memory_space<hbm>> -> memref<1000000x16xf32, #tpu.memory_space<hbm>>
    tpu.enqueue_indirect_dma source(%dma_start3A_129 : memref<1000000x16xf32, #tpu.memory_space<hbm>>) target(%dma_start3A_124 : memref<128x16xf32, #tpu.memory_space<vmem>>) offsets(%dma_start3A_126 : memref<128xi32, #tpu.memory_space<vmem>>) semaphore(%arg7 : memref<!tpu.dma_semaphore, #tpu.memory_space<semaphore_mem>>)
    %dma_start3A_130 = arith.constant 2048 : i32
    %dma_start3A_131 = arith.constant 0 : i32
    %dma_start3A_132 = tpu.memref_slice %arg6[%dma_start3A_130, %dma_start3A_131] : memref<4096x16xf32, #tpu.memory_space<vmem>> -> memref<128x16xf32, #tpu.memory_space<vmem>>
    %dma_start3A_133 = arith.constant 2048 : i32
    %dma_start3A_134 = tpu.memref_slice %arg5[%dma_start3A_133] : memref<4096xi32, #tpu.memory_space<vmem>> -> memref<128xi32, #tpu.memory_space<vmem>>
    %dma_start3A_135 = arith.constant 0 : i32
    %dma_start3A_136 = arith.constant 0 : i32
    %dma_start3A_137 = tpu.memref_slice %arg3[%dma_start3A_135, %dma_start3A_136] : memref<1000000x16xf32, #tpu.memory_space<hbm>> -> memref<1000000x16xf32, #tpu.memory_space<hbm>>
    tpu.enqueue_indirect_dma source(%dma_start3A_137 : memref<1000000x16xf32, #tpu.memory_space<hbm>>) target(%dma_start3A_132 : memref<128x16xf32, #tpu.memory_space<vmem>>) offsets(%dma_start3A_134 : memref<128xi32, #tpu.memory_space<vmem>>) semaphore(%arg7 : memref<!tpu.dma_semaphore, #tpu.memory_space<semaphore_mem>>)
    %dma_start3A_138 = arith.constant 2176 : i32
    %dma_start3A_139 = arith.constant 0 : i32
    %dma_start3A_140 = tpu.memref_slice %arg6[%dma_start3A_138, %dma_start3A_139] : memref<4096x16xf32, #tpu.memory_space<vmem>> -> memref<128x16xf32, #tpu.memory_space<vmem>>
    %dma_start3A_141 = arith.constant 2176 : i32
    %dma_start3A_142 = tpu.memref_slice %arg5[%dma_start3A_141] : memref<4096xi32, #tpu.memory_space<vmem>> -> memref<128xi32, #tpu.memory_space<vmem>>
    %dma_start3A_143 = arith.constant 0 : i32
    %dma_start3A_144 = arith.constant 0 : i32
    %dma_start3A_145 = tpu.memref_slice %arg3[%dma_start3A_143, %dma_start3A_144] : memref<1000000x16xf32, #tpu.memory_space<hbm>> -> memref<1000000x16xf32, #tpu.memory_space<hbm>>
    tpu.enqueue_indirect_dma source(%dma_start3A_145 : memref<1000000x16xf32, #tpu.memory_space<hbm>>) target(%dma_start3A_140 : memref<128x16xf32, #tpu.memory_space<vmem>>) offsets(%dma_start3A_142 : memref<128xi32, #tpu.memory_space<vmem>>) semaphore(%arg7 : memref<!tpu.dma_semaphore, #tpu.memory_space<semaphore_mem>>)
    %dma_start3A_146 = arith.constant 2304 : i32
    %dma_start3A_147 = arith.constant 0 : i32
    %dma_start3A_148 = tpu.memref_slice %arg6[%dma_start3A_146, %dma_start3A_147] : memref<4096x16xf32, #tpu.memory_space<vmem>> -> memref<128x16xf32, #tpu.memory_space<vmem>>
    %dma_start3A_149 = arith.constant 2304 : i32
    %dma_start3A_150 = tpu.memref_slice %arg5[%dma_start3A_149] : memref<4096xi32, #tpu.memory_space<vmem>> -> memref<128xi32, #tpu.memory_space<vmem>>
    %dma_start3A_151 = arith.constant 0 : i32
    %dma_start3A_152 = arith.constant 0 : i32
    %dma_start3A_153 = tpu.memref_slice %arg3[%dma_start3A_151, %dma_start3A_152] : memref<1000000x16xf32, #tpu.memory_space<hbm>> -> memref<1000000x16xf32, #tpu.memory_space<hbm>>
    tpu.enqueue_indirect_dma source(%dma_start3A_153 : memref<1000000x16xf32, #tpu.memory_space<hbm>>) target(%dma_start3A_148 : memref<128x16xf32, #tpu.memory_space<vmem>>) offsets(%dma_start3A_150 : memref<128xi32, #tpu.memory_space<vmem>>) semaphore(%arg7 : memref<!tpu.dma_semaphore, #tpu.memory_space<semaphore_mem>>)
    %dma_start3A_154 = arith.constant 2432 : i32
    %dma_start3A_155 = arith.constant 0 : i32
    %dma_start3A_156 = tpu.memref_slice %arg6[%dma_start3A_154, %dma_start3A_155] : memref<4096x16xf32, #tpu.memory_space<vmem>> -> memref<128x16xf32, #tpu.memory_space<vmem>>
    %dma_start3A_157 = arith.constant 2432 : i32
    %dma_start3A_158 = tpu.memref_slice %arg5[%dma_start3A_157] : memref<4096xi32, #tpu.memory_space<vmem>> -> memref<128xi32, #tpu.memory_space<vmem>>
    %dma_start3A_159 = arith.constant 0 : i32
    %dma_start3A_160 = arith.constant 0 : i32
    %dma_start3A_161 = tpu.memref_slice %arg3[%dma_start3A_159, %dma_start3A_160] : memref<1000000x16xf32, #tpu.memory_space<hbm>> -> memref<1000000x16xf32, #tpu.memory_space<hbm>>
    tpu.enqueue_indirect_dma source(%dma_start3A_161 : memref<1000000x16xf32, #tpu.memory_space<hbm>>) target(%dma_start3A_156 : memref<128x16xf32, #tpu.memory_space<vmem>>) offsets(%dma_start3A_158 : memref<128xi32, #tpu.memory_space<vmem>>) semaphore(%arg7 : memref<!tpu.dma_semaphore, #tpu.memory_space<semaphore_mem>>)
    %dma_start3A_162 = arith.constant 2560 : i32
    %dma_start3A_163 = arith.constant 0 : i32
    %dma_start3A_164 = tpu.memref_slice %arg6[%dma_start3A_162, %dma_start3A_163] : memref<4096x16xf32, #tpu.memory_space<vmem>> -> memref<128x16xf32, #tpu.memory_space<vmem>>
    %dma_start3A_165 = arith.constant 2560 : i32
    %dma_start3A_166 = tpu.memref_slice %arg5[%dma_start3A_165] : memref<4096xi32, #tpu.memory_space<vmem>> -> memref<128xi32, #tpu.memory_space<vmem>>
    %dma_start3A_167 = arith.constant 0 : i32
    %dma_start3A_168 = arith.constant 0 : i32
    %dma_start3A_169 = tpu.memref_slice %arg3[%dma_start3A_167, %dma_start3A_168] : memref<1000000x16xf32, #tpu.memory_space<hbm>> -> memref<1000000x16xf32, #tpu.memory_space<hbm>>
    tpu.enqueue_indirect_dma source(%dma_start3A_169 : memref<1000000x16xf32, #tpu.memory_space<hbm>>) target(%dma_start3A_164 : memref<128x16xf32, #tpu.memory_space<vmem>>) offsets(%dma_start3A_166 : memref<128xi32, #tpu.memory_space<vmem>>) semaphore(%arg7 : memref<!tpu.dma_semaphore, #tpu.memory_space<semaphore_mem>>)
    %dma_start3A_170 = arith.constant 2688 : i32
    %dma_start3A_171 = arith.constant 0 : i32
    %dma_start3A_172 = tpu.memref_slice %arg6[%dma_start3A_170, %dma_start3A_171] : memref<4096x16xf32, #tpu.memory_space<vmem>> -> memref<128x16xf32, #tpu.memory_space<vmem>>
    %dma_start3A_173 = arith.constant 2688 : i32
    %dma_start3A_174 = tpu.memref_slice %arg5[%dma_start3A_173] : memref<4096xi32, #tpu.memory_space<vmem>> -> memref<128xi32, #tpu.memory_space<vmem>>
    %dma_start3A_175 = arith.constant 0 : i32
    %dma_start3A_176 = arith.constant 0 : i32
    %dma_start3A_177 = tpu.memref_slice %arg3[%dma_start3A_175, %dma_start3A_176] : memref<1000000x16xf32, #tpu.memory_space<hbm>> -> memref<1000000x16xf32, #tpu.memory_space<hbm>>
    tpu.enqueue_indirect_dma source(%dma_start3A_177 : memref<1000000x16xf32, #tpu.memory_space<hbm>>) target(%dma_start3A_172 : memref<128x16xf32, #tpu.memory_space<vmem>>) offsets(%dma_start3A_174 : memref<128xi32, #tpu.memory_space<vmem>>) semaphore(%arg7 : memref<!tpu.dma_semaphore, #tpu.memory_space<semaphore_mem>>)
    %dma_start3A_178 = arith.constant 2816 : i32
    %dma_start3A_179 = arith.constant 0 : i32
    %dma_start3A_180 = tpu.memref_slice %arg6[%dma_start3A_178, %dma_start3A_179] : memref<4096x16xf32, #tpu.memory_space<vmem>> -> memref<128x16xf32, #tpu.memory_space<vmem>>
    %dma_start3A_181 = arith.constant 2816 : i32
    %dma_start3A_182 = tpu.memref_slice %arg5[%dma_start3A_181] : memref<4096xi32, #tpu.memory_space<vmem>> -> memref<128xi32, #tpu.memory_space<vmem>>
    %dma_start3A_183 = arith.constant 0 : i32
    %dma_start3A_184 = arith.constant 0 : i32
    %dma_start3A_185 = tpu.memref_slice %arg3[%dma_start3A_183, %dma_start3A_184] : memref<1000000x16xf32, #tpu.memory_space<hbm>> -> memref<1000000x16xf32, #tpu.memory_space<hbm>>
    tpu.enqueue_indirect_dma source(%dma_start3A_185 : memref<1000000x16xf32, #tpu.memory_space<hbm>>) target(%dma_start3A_180 : memref<128x16xf32, #tpu.memory_space<vmem>>) offsets(%dma_start3A_182 : memref<128xi32, #tpu.memory_space<vmem>>) semaphore(%arg7 : memref<!tpu.dma_semaphore, #tpu.memory_space<semaphore_mem>>)
    %dma_start3A_186 = arith.constant 2944 : i32
    %dma_start3A_187 = arith.constant 0 : i32
    %dma_start3A_188 = tpu.memref_slice %arg6[%dma_start3A_186, %dma_start3A_187] : memref<4096x16xf32, #tpu.memory_space<vmem>> -> memref<128x16xf32, #tpu.memory_space<vmem>>
    %dma_start3A_189 = arith.constant 2944 : i32
    %dma_start3A_190 = tpu.memref_slice %arg5[%dma_start3A_189] : memref<4096xi32, #tpu.memory_space<vmem>> -> memref<128xi32, #tpu.memory_space<vmem>>
    %dma_start3A_191 = arith.constant 0 : i32
    %dma_start3A_192 = arith.constant 0 : i32
    %dma_start3A_193 = tpu.memref_slice %arg3[%dma_start3A_191, %dma_start3A_192] : memref<1000000x16xf32, #tpu.memory_space<hbm>> -> memref<1000000x16xf32, #tpu.memory_space<hbm>>
    tpu.enqueue_indirect_dma source(%dma_start3A_193 : memref<1000000x16xf32, #tpu.memory_space<hbm>>) target(%dma_start3A_188 : memref<128x16xf32, #tpu.memory_space<vmem>>) offsets(%dma_start3A_190 : memref<128xi32, #tpu.memory_space<vmem>>) semaphore(%arg7 : memref<!tpu.dma_semaphore, #tpu.memory_space<semaphore_mem>>)
    %dma_start3A_194 = arith.constant 3072 : i32
    %dma_start3A_195 = arith.constant 0 : i32
    %dma_start3A_196 = tpu.memref_slice %arg6[%dma_start3A_194, %dma_start3A_195] : memref<4096x16xf32, #tpu.memory_space<vmem>> -> memref<128x16xf32, #tpu.memory_space<vmem>>
    %dma_start3A_197 = arith.constant 3072 : i32
    %dma_start3A_198 = tpu.memref_slice %arg5[%dma_start3A_197] : memref<4096xi32, #tpu.memory_space<vmem>> -> memref<128xi32, #tpu.memory_space<vmem>>
    %dma_start3A_199 = arith.constant 0 : i32
    %dma_start3A_200 = arith.constant 0 : i32
    %dma_start3A_201 = tpu.memref_slice %arg3[%dma_start3A_199, %dma_start3A_200] : memref<1000000x16xf32, #tpu.memory_space<hbm>> -> memref<1000000x16xf32, #tpu.memory_space<hbm>>
    tpu.enqueue_indirect_dma source(%dma_start3A_201 : memref<1000000x16xf32, #tpu.memory_space<hbm>>) target(%dma_start3A_196 : memref<128x16xf32, #tpu.memory_space<vmem>>) offsets(%dma_start3A_198 : memref<128xi32, #tpu.memory_space<vmem>>) semaphore(%arg7 : memref<!tpu.dma_semaphore, #tpu.memory_space<semaphore_mem>>)
    %dma_start3A_202 = arith.constant 3200 : i32
    %dma_start3A_203 = arith.constant 0 : i32
    %dma_start3A_204 = tpu.memref_slice %arg6[%dma_start3A_202, %dma_start3A_203] : memref<4096x16xf32, #tpu.memory_space<vmem>> -> memref<128x16xf32, #tpu.memory_space<vmem>>
    %dma_start3A_205 = arith.constant 3200 : i32
    %dma_start3A_206 = tpu.memref_slice %arg5[%dma_start3A_205] : memref<4096xi32, #tpu.memory_space<vmem>> -> memref<128xi32, #tpu.memory_space<vmem>>
    %dma_start3A_207 = arith.constant 0 : i32
    %dma_start3A_208 = arith.constant 0 : i32
    %dma_start3A_209 = tpu.memref_slice %arg3[%dma_start3A_207, %dma_start3A_208] : memref<1000000x16xf32, #tpu.memory_space<hbm>> -> memref<1000000x16xf32, #tpu.memory_space<hbm>>
    tpu.enqueue_indirect_dma source(%dma_start3A_209 : memref<1000000x16xf32, #tpu.memory_space<hbm>>) target(%dma_start3A_204 : memref<128x16xf32, #tpu.memory_space<vmem>>) offsets(%dma_start3A_206 : memref<128xi32, #tpu.memory_space<vmem>>) semaphore(%arg7 : memref<!tpu.dma_semaphore, #tpu.memory_space<semaphore_mem>>)
    %dma_start3A_210 = arith.constant 3328 : i32
    %dma_start3A_211 = arith.constant 0 : i32
    %dma_start3A_212 = tpu.memref_slice %arg6[%dma_start3A_210, %dma_start3A_211] : memref<4096x16xf32, #tpu.memory_space<vmem>> -> memref<128x16xf32, #tpu.memory_space<vmem>>
    %dma_start3A_213 = arith.constant 3328 : i32
    %dma_start3A_214 = tpu.memref_slice %arg5[%dma_start3A_213] : memref<4096xi32, #tpu.memory_space<vmem>> -> memref<128xi32, #tpu.memory_space<vmem>>
    %dma_start3A_215 = arith.constant 0 : i32
    %dma_start3A_216 = arith.constant 0 : i32
    %dma_start3A_217 = tpu.memref_slice %arg3[%dma_start3A_215, %dma_start3A_216] : memref<1000000x16xf32, #tpu.memory_space<hbm>> -> memref<1000000x16xf32, #tpu.memory_space<hbm>>
    tpu.enqueue_indirect_dma source(%dma_start3A_217 : memref<1000000x16xf32, #tpu.memory_space<hbm>>) target(%dma_start3A_212 : memref<128x16xf32, #tpu.memory_space<vmem>>) offsets(%dma_start3A_214 : memref<128xi32, #tpu.memory_space<vmem>>) semaphore(%arg7 : memref<!tpu.dma_semaphore, #tpu.memory_space<semaphore_mem>>)
    %dma_start3A_218 = arith.constant 3456 : i32
    %dma_start3A_219 = arith.constant 0 : i32
    %dma_start3A_220 = tpu.memref_slice %arg6[%dma_start3A_218, %dma_start3A_219] : memref<4096x16xf32, #tpu.memory_space<vmem>> -> memref<128x16xf32, #tpu.memory_space<vmem>>
    %dma_start3A_221 = arith.constant 3456 : i32
    %dma_start3A_222 = tpu.memref_slice %arg5[%dma_start3A_221] : memref<4096xi32, #tpu.memory_space<vmem>> -> memref<128xi32, #tpu.memory_space<vmem>>
    %dma_start3A_223 = arith.constant 0 : i32
    %dma_start3A_224 = arith.constant 0 : i32
    %dma_start3A_225 = tpu.memref_slice %arg3[%dma_start3A_223, %dma_start3A_224] : memref<1000000x16xf32, #tpu.memory_space<hbm>> -> memref<1000000x16xf32, #tpu.memory_space<hbm>>
    tpu.enqueue_indirect_dma source(%dma_start3A_225 : memref<1000000x16xf32, #tpu.memory_space<hbm>>) target(%dma_start3A_220 : memref<128x16xf32, #tpu.memory_space<vmem>>) offsets(%dma_start3A_222 : memref<128xi32, #tpu.memory_space<vmem>>) semaphore(%arg7 : memref<!tpu.dma_semaphore, #tpu.memory_space<semaphore_mem>>)
    %dma_start3A_226 = arith.constant 3584 : i32
    %dma_start3A_227 = arith.constant 0 : i32
    %dma_start3A_228 = tpu.memref_slice %arg6[%dma_start3A_226, %dma_start3A_227] : memref<4096x16xf32, #tpu.memory_space<vmem>> -> memref<128x16xf32, #tpu.memory_space<vmem>>
    %dma_start3A_229 = arith.constant 3584 : i32
    %dma_start3A_230 = tpu.memref_slice %arg5[%dma_start3A_229] : memref<4096xi32, #tpu.memory_space<vmem>> -> memref<128xi32, #tpu.memory_space<vmem>>
    %dma_start3A_231 = arith.constant 0 : i32
    %dma_start3A_232 = arith.constant 0 : i32
    %dma_start3A_233 = tpu.memref_slice %arg3[%dma_start3A_231, %dma_start3A_232] : memref<1000000x16xf32, #tpu.memory_space<hbm>> -> memref<1000000x16xf32, #tpu.memory_space<hbm>>
    tpu.enqueue_indirect_dma source(%dma_start3A_233 : memref<1000000x16xf32, #tpu.memory_space<hbm>>) target(%dma_start3A_228 : memref<128x16xf32, #tpu.memory_space<vmem>>) offsets(%dma_start3A_230 : memref<128xi32, #tpu.memory_space<vmem>>) semaphore(%arg7 : memref<!tpu.dma_semaphore, #tpu.memory_space<semaphore_mem>>)
    %dma_start3A_234 = arith.constant 3712 : i32
    %dma_start3A_235 = arith.constant 0 : i32
    %dma_start3A_236 = tpu.memref_slice %arg6[%dma_start3A_234, %dma_start3A_235] : memref<4096x16xf32, #tpu.memory_space<vmem>> -> memref<128x16xf32, #tpu.memory_space<vmem>>
    %dma_start3A_237 = arith.constant 3712 : i32
    %dma_start3A_238 = tpu.memref_slice %arg5[%dma_start3A_237] : memref<4096xi32, #tpu.memory_space<vmem>> -> memref<128xi32, #tpu.memory_space<vmem>>
    %dma_start3A_239 = arith.constant 0 : i32
    %dma_start3A_240 = arith.constant 0 : i32
    %dma_start3A_241 = tpu.memref_slice %arg3[%dma_start3A_239, %dma_start3A_240] : memref<1000000x16xf32, #tpu.memory_space<hbm>> -> memref<1000000x16xf32, #tpu.memory_space<hbm>>
    tpu.enqueue_indirect_dma source(%dma_start3A_241 : memref<1000000x16xf32, #tpu.memory_space<hbm>>) target(%dma_start3A_236 : memref<128x16xf32, #tpu.memory_space<vmem>>) offsets(%dma_start3A_238 : memref<128xi32, #tpu.memory_space<vmem>>) semaphore(%arg7 : memref<!tpu.dma_semaphore, #tpu.memory_space<semaphore_mem>>)
    %dma_start3A_242 = arith.constant 3840 : i32
    %dma_start3A_243 = arith.constant 0 : i32
    %dma_start3A_244 = tpu.memref_slice %arg6[%dma_start3A_242, %dma_start3A_243] : memref<4096x16xf32, #tpu.memory_space<vmem>> -> memref<128x16xf32, #tpu.memory_space<vmem>>
    %dma_start3A_245 = arith.constant 3840 : i32
    %dma_start3A_246 = tpu.memref_slice %arg5[%dma_start3A_245] : memref<4096xi32, #tpu.memory_space<vmem>> -> memref<128xi32, #tpu.memory_space<vmem>>
    %dma_start3A_247 = arith.constant 0 : i32
    %dma_start3A_248 = arith.constant 0 : i32
    %dma_start3A_249 = tpu.memref_slice %arg3[%dma_start3A_247, %dma_start3A_248] : memref<1000000x16xf32, #tpu.memory_space<hbm>> -> memref<1000000x16xf32, #tpu.memory_space<hbm>>
    tpu.enqueue_indirect_dma source(%dma_start3A_249 : memref<1000000x16xf32, #tpu.memory_space<hbm>>) target(%dma_start3A_244 : memref<128x16xf32, #tpu.memory_space<vmem>>) offsets(%dma_start3A_246 : memref<128xi32, #tpu.memory_space<vmem>>) semaphore(%arg7 : memref<!tpu.dma_semaphore, #tpu.memory_space<semaphore_mem>>)
    %dma_start3A_250 = arith.constant 3968 : i32
    %dma_start3A_251 = arith.constant 0 : i32
    %dma_start3A_252 = tpu.memref_slice %arg6[%dma_start3A_250, %dma_start3A_251] : memref<4096x16xf32, #tpu.memory_space<vmem>> -> memref<128x16xf32, #tpu.memory_space<vmem>>
    %dma_start3A_253 = arith.constant 3968 : i32
    %dma_start3A_254 = tpu.memref_slice %arg5[%dma_start3A_253] : memref<4096xi32, #tpu.memory_space<vmem>> -> memref<128xi32, #tpu.memory_space<vmem>>
    %dma_start3A_255 = arith.constant 0 : i32
    %dma_start3A_256 = arith.constant 0 : i32
    %dma_start3A_257 = tpu.memref_slice %arg3[%dma_start3A_255, %dma_start3A_256] : memref<1000000x16xf32, #tpu.memory_space<hbm>> -> memref<1000000x16xf32, #tpu.memory_space<hbm>>
    tpu.enqueue_indirect_dma source(%dma_start3A_257 : memref<1000000x16xf32, #tpu.memory_space<hbm>>) target(%dma_start3A_252 : memref<128x16xf32, #tpu.memory_space<vmem>>) offsets(%dma_start3A_254 : memref<128xi32, #tpu.memory_space<vmem>>) semaphore(%arg7 : memref<!tpu.dma_semaphore, #tpu.memory_space<semaphore_mem>>)
    %dma_wait3A = arith.constant 0 : i32
    %dma_wait3A_258 = arith.constant 0 : i32
    %dma_wait3A_259 = tpu.memref_slice %arg6[%dma_wait3A, %dma_wait3A_258] : memref<4096x16xf32, #tpu.memory_space<vmem>> -> memref<128x16xf32, #tpu.memory_space<vmem>>
    %dma_wait3A_260 = arith.constant 0 : i32
    %dma_wait3A_261 = tpu.memref_slice %arg5[%dma_wait3A_260] : memref<4096xi32, #tpu.memory_space<vmem>> -> memref<128xi32, #tpu.memory_space<vmem>>
    %dma_wait3A_262 = arith.constant 0 : i32
    %dma_wait3A_263 = arith.constant 0 : i32
    %dma_wait3A_264 = tpu.memref_slice %arg3[%dma_wait3A_262, %dma_wait3A_263] : memref<1000000x16xf32, #tpu.memory_space<hbm>> -> memref<1000000x16xf32, #tpu.memory_space<hbm>>
    tpu.wait_indirect_dma semaphore(%arg7 : memref<!tpu.dma_semaphore, #tpu.memory_space<semaphore_mem>>) src(%dma_wait3A_264 : memref<1000000x16xf32, #tpu.memory_space<hbm>>) dst(%dma_wait3A_259 : memref<128x16xf32, #tpu.memory_space<vmem>>)
    %dma_wait3A_265 = arith.constant 128 : i32
    %dma_wait3A_266 = arith.constant 0 : i32
    %dma_wait3A_267 = tpu.memref_slice %arg6[%dma_wait3A_265, %dma_wait3A_266] : memref<4096x16xf32, #tpu.memory_space<vmem>> -> memref<128x16xf32, #tpu.memory_space<vmem>>
    %dma_wait3A_268 = arith.constant 128 : i32
    %dma_wait3A_269 = tpu.memref_slice %arg5[%dma_wait3A_268] : memref<4096xi32, #tpu.memory_space<vmem>> -> memref<128xi32, #tpu.memory_space<vmem>>
    %dma_wait3A_270 = arith.constant 0 : i32
    %dma_wait3A_271 = arith.constant 0 : i32
    %dma_wait3A_272 = tpu.memref_slice %arg3[%dma_wait3A_270, %dma_wait3A_271] : memref<1000000x16xf32, #tpu.memory_space<hbm>> -> memref<1000000x16xf32, #tpu.memory_space<hbm>>
    tpu.wait_indirect_dma semaphore(%arg7 : memref<!tpu.dma_semaphore, #tpu.memory_space<semaphore_mem>>) src(%dma_wait3A_272 : memref<1000000x16xf32, #tpu.memory_space<hbm>>) dst(%dma_wait3A_267 : memref<128x16xf32, #tpu.memory_space<vmem>>)
    %dma_wait3A_273 = arith.constant 256 : i32
    %dma_wait3A_274 = arith.constant 0 : i32
    %dma_wait3A_275 = tpu.memref_slice %arg6[%dma_wait3A_273, %dma_wait3A_274] : memref<4096x16xf32, #tpu.memory_space<vmem>> -> memref<128x16xf32, #tpu.memory_space<vmem>>
    %dma_wait3A_276 = arith.constant 256 : i32
    %dma_wait3A_277 = tpu.memref_slice %arg5[%dma_wait3A_276] : memref<4096xi32, #tpu.memory_space<vmem>> -> memref<128xi32, #tpu.memory_space<vmem>>
    %dma_wait3A_278 = arith.constant 0 : i32
    %dma_wait3A_279 = arith.constant 0 : i32
    %dma_wait3A_280 = tpu.memref_slice %arg3[%dma_wait3A_278, %dma_wait3A_279] : memref<1000000x16xf32, #tpu.memory_space<hbm>> -> memref<1000000x16xf32, #tpu.memory_space<hbm>>
    tpu.wait_indirect_dma semaphore(%arg7 : memref<!tpu.dma_semaphore, #tpu.memory_space<semaphore_mem>>) src(%dma_wait3A_280 : memref<1000000x16xf32, #tpu.memory_space<hbm>>) dst(%dma_wait3A_275 : memref<128x16xf32, #tpu.memory_space<vmem>>)
    %dma_wait3A_281 = arith.constant 384 : i32
    %dma_wait3A_282 = arith.constant 0 : i32
    %dma_wait3A_283 = tpu.memref_slice %arg6[%dma_wait3A_281, %dma_wait3A_282] : memref<4096x16xf32, #tpu.memory_space<vmem>> -> memref<128x16xf32, #tpu.memory_space<vmem>>
    %dma_wait3A_284 = arith.constant 384 : i32
    %dma_wait3A_285 = tpu.memref_slice %arg5[%dma_wait3A_284] : memref<4096xi32, #tpu.memory_space<vmem>> -> memref<128xi32, #tpu.memory_space<vmem>>
    %dma_wait3A_286 = arith.constant 0 : i32
    %dma_wait3A_287 = arith.constant 0 : i32
    %dma_wait3A_288 = tpu.memref_slice %arg3[%dma_wait3A_286, %dma_wait3A_287] : memref<1000000x16xf32, #tpu.memory_space<hbm>> -> memref<1000000x16xf32, #tpu.memory_space<hbm>>
    tpu.wait_indirect_dma semaphore(%arg7 : memref<!tpu.dma_semaphore, #tpu.memory_space<semaphore_mem>>) src(%dma_wait3A_288 : memref<1000000x16xf32, #tpu.memory_space<hbm>>) dst(%dma_wait3A_283 : memref<128x16xf32, #tpu.memory_space<vmem>>)
    %dma_wait3A_289 = arith.constant 512 : i32
    %dma_wait3A_290 = arith.constant 0 : i32
    %dma_wait3A_291 = tpu.memref_slice %arg6[%dma_wait3A_289, %dma_wait3A_290] : memref<4096x16xf32, #tpu.memory_space<vmem>> -> memref<128x16xf32, #tpu.memory_space<vmem>>
    %dma_wait3A_292 = arith.constant 512 : i32
    %dma_wait3A_293 = tpu.memref_slice %arg5[%dma_wait3A_292] : memref<4096xi32, #tpu.memory_space<vmem>> -> memref<128xi32, #tpu.memory_space<vmem>>
    %dma_wait3A_294 = arith.constant 0 : i32
    %dma_wait3A_295 = arith.constant 0 : i32
    %dma_wait3A_296 = tpu.memref_slice %arg3[%dma_wait3A_294, %dma_wait3A_295] : memref<1000000x16xf32, #tpu.memory_space<hbm>> -> memref<1000000x16xf32, #tpu.memory_space<hbm>>
    tpu.wait_indirect_dma semaphore(%arg7 : memref<!tpu.dma_semaphore, #tpu.memory_space<semaphore_mem>>) src(%dma_wait3A_296 : memref<1000000x16xf32, #tpu.memory_space<hbm>>) dst(%dma_wait3A_291 : memref<128x16xf32, #tpu.memory_space<vmem>>)
    %dma_wait3A_297 = arith.constant 640 : i32
    %dma_wait3A_298 = arith.constant 0 : i32
    %dma_wait3A_299 = tpu.memref_slice %arg6[%dma_wait3A_297, %dma_wait3A_298] : memref<4096x16xf32, #tpu.memory_space<vmem>> -> memref<128x16xf32, #tpu.memory_space<vmem>>
    %dma_wait3A_300 = arith.constant 640 : i32
    %dma_wait3A_301 = tpu.memref_slice %arg5[%dma_wait3A_300] : memref<4096xi32, #tpu.memory_space<vmem>> -> memref<128xi32, #tpu.memory_space<vmem>>
    %dma_wait3A_302 = arith.constant 0 : i32
    %dma_wait3A_303 = arith.constant 0 : i32
    %dma_wait3A_304 = tpu.memref_slice %arg3[%dma_wait3A_302, %dma_wait3A_303] : memref<1000000x16xf32, #tpu.memory_space<hbm>> -> memref<1000000x16xf32, #tpu.memory_space<hbm>>
    tpu.wait_indirect_dma semaphore(%arg7 : memref<!tpu.dma_semaphore, #tpu.memory_space<semaphore_mem>>) src(%dma_wait3A_304 : memref<1000000x16xf32, #tpu.memory_space<hbm>>) dst(%dma_wait3A_299 : memref<128x16xf32, #tpu.memory_space<vmem>>)
    %dma_wait3A_305 = arith.constant 768 : i32
    %dma_wait3A_306 = arith.constant 0 : i32
    %dma_wait3A_307 = tpu.memref_slice %arg6[%dma_wait3A_305, %dma_wait3A_306] : memref<4096x16xf32, #tpu.memory_space<vmem>> -> memref<128x16xf32, #tpu.memory_space<vmem>>
    %dma_wait3A_308 = arith.constant 768 : i32
    %dma_wait3A_309 = tpu.memref_slice %arg5[%dma_wait3A_308] : memref<4096xi32, #tpu.memory_space<vmem>> -> memref<128xi32, #tpu.memory_space<vmem>>
    %dma_wait3A_310 = arith.constant 0 : i32
    %dma_wait3A_311 = arith.constant 0 : i32
    %dma_wait3A_312 = tpu.memref_slice %arg3[%dma_wait3A_310, %dma_wait3A_311] : memref<1000000x16xf32, #tpu.memory_space<hbm>> -> memref<1000000x16xf32, #tpu.memory_space<hbm>>
    tpu.wait_indirect_dma semaphore(%arg7 : memref<!tpu.dma_semaphore, #tpu.memory_space<semaphore_mem>>) src(%dma_wait3A_312 : memref<1000000x16xf32, #tpu.memory_space<hbm>>) dst(%dma_wait3A_307 : memref<128x16xf32, #tpu.memory_space<vmem>>)
    %dma_wait3A_313 = arith.constant 896 : i32
    %dma_wait3A_314 = arith.constant 0 : i32
    %dma_wait3A_315 = tpu.memref_slice %arg6[%dma_wait3A_313, %dma_wait3A_314] : memref<4096x16xf32, #tpu.memory_space<vmem>> -> memref<128x16xf32, #tpu.memory_space<vmem>>
    %dma_wait3A_316 = arith.constant 896 : i32
    %dma_wait3A_317 = tpu.memref_slice %arg5[%dma_wait3A_316] : memref<4096xi32, #tpu.memory_space<vmem>> -> memref<128xi32, #tpu.memory_space<vmem>>
    %dma_wait3A_318 = arith.constant 0 : i32
    %dma_wait3A_319 = arith.constant 0 : i32
    %dma_wait3A_320 = tpu.memref_slice %arg3[%dma_wait3A_318, %dma_wait3A_319] : memref<1000000x16xf32, #tpu.memory_space<hbm>> -> memref<1000000x16xf32, #tpu.memory_space<hbm>>
    tpu.wait_indirect_dma semaphore(%arg7 : memref<!tpu.dma_semaphore, #tpu.memory_space<semaphore_mem>>) src(%dma_wait3A_320 : memref<1000000x16xf32, #tpu.memory_space<hbm>>) dst(%dma_wait3A_315 : memref<128x16xf32, #tpu.memory_space<vmem>>)
    %dma_wait3A_321 = arith.constant 1024 : i32
    %dma_wait3A_322 = arith.constant 0 : i32
    %dma_wait3A_323 = tpu.memref_slice %arg6[%dma_wait3A_321, %dma_wait3A_322] : memref<4096x16xf32, #tpu.memory_space<vmem>> -> memref<128x16xf32, #tpu.memory_space<vmem>>
    %dma_wait3A_324 = arith.constant 1024 : i32
    %dma_wait3A_325 = tpu.memref_slice %arg5[%dma_wait3A_324] : memref<4096xi32, #tpu.memory_space<vmem>> -> memref<128xi32, #tpu.memory_space<vmem>>
    %dma_wait3A_326 = arith.constant 0 : i32
    %dma_wait3A_327 = arith.constant 0 : i32
    %dma_wait3A_328 = tpu.memref_slice %arg3[%dma_wait3A_326, %dma_wait3A_327] : memref<1000000x16xf32, #tpu.memory_space<hbm>> -> memref<1000000x16xf32, #tpu.memory_space<hbm>>
    tpu.wait_indirect_dma semaphore(%arg7 : memref<!tpu.dma_semaphore, #tpu.memory_space<semaphore_mem>>) src(%dma_wait3A_328 : memref<1000000x16xf32, #tpu.memory_space<hbm>>) dst(%dma_wait3A_323 : memref<128x16xf32, #tpu.memory_space<vmem>>)
    %dma_wait3A_329 = arith.constant 1152 : i32
    %dma_wait3A_330 = arith.constant 0 : i32
    %dma_wait3A_331 = tpu.memref_slice %arg6[%dma_wait3A_329, %dma_wait3A_330] : memref<4096x16xf32, #tpu.memory_space<vmem>> -> memref<128x16xf32, #tpu.memory_space<vmem>>
    %dma_wait3A_332 = arith.constant 1152 : i32
    %dma_wait3A_333 = tpu.memref_slice %arg5[%dma_wait3A_332] : memref<4096xi32, #tpu.memory_space<vmem>> -> memref<128xi32, #tpu.memory_space<vmem>>
    %dma_wait3A_334 = arith.constant 0 : i32
    %dma_wait3A_335 = arith.constant 0 : i32
    %dma_wait3A_336 = tpu.memref_slice %arg3[%dma_wait3A_334, %dma_wait3A_335] : memref<1000000x16xf32, #tpu.memory_space<hbm>> -> memref<1000000x16xf32, #tpu.memory_space<hbm>>
    tpu.wait_indirect_dma semaphore(%arg7 : memref<!tpu.dma_semaphore, #tpu.memory_space<semaphore_mem>>) src(%dma_wait3A_336 : memref<1000000x16xf32, #tpu.memory_space<hbm>>) dst(%dma_wait3A_331 : memref<128x16xf32, #tpu.memory_space<vmem>>)
    %dma_wait3A_337 = arith.constant 1280 : i32
    %dma_wait3A_338 = arith.constant 0 : i32
    %dma_wait3A_339 = tpu.memref_slice %arg6[%dma_wait3A_337, %dma_wait3A_338] : memref<4096x16xf32, #tpu.memory_space<vmem>> -> memref<128x16xf32, #tpu.memory_space<vmem>>
    %dma_wait3A_340 = arith.constant 1280 : i32
    %dma_wait3A_341 = tpu.memref_slice %arg5[%dma_wait3A_340] : memref<4096xi32, #tpu.memory_space<vmem>> -> memref<128xi32, #tpu.memory_space<vmem>>
    %dma_wait3A_342 = arith.constant 0 : i32
    %dma_wait3A_343 = arith.constant 0 : i32
    %dma_wait3A_344 = tpu.memref_slice %arg3[%dma_wait3A_342, %dma_wait3A_343] : memref<1000000x16xf32, #tpu.memory_space<hbm>> -> memref<1000000x16xf32, #tpu.memory_space<hbm>>
    tpu.wait_indirect_dma semaphore(%arg7 : memref<!tpu.dma_semaphore, #tpu.memory_space<semaphore_mem>>) src(%dma_wait3A_344 : memref<1000000x16xf32, #tpu.memory_space<hbm>>) dst(%dma_wait3A_339 : memref<128x16xf32, #tpu.memory_space<vmem>>)
    %dma_wait3A_345 = arith.constant 1408 : i32
    %dma_wait3A_346 = arith.constant 0 : i32
    %dma_wait3A_347 = tpu.memref_slice %arg6[%dma_wait3A_345, %dma_wait3A_346] : memref<4096x16xf32, #tpu.memory_space<vmem>> -> memref<128x16xf32, #tpu.memory_space<vmem>>
    %dma_wait3A_348 = arith.constant 1408 : i32
    %dma_wait3A_349 = tpu.memref_slice %arg5[%dma_wait3A_348] : memref<4096xi32, #tpu.memory_space<vmem>> -> memref<128xi32, #tpu.memory_space<vmem>>
    %dma_wait3A_350 = arith.constant 0 : i32
    %dma_wait3A_351 = arith.constant 0 : i32
    %dma_wait3A_352 = tpu.memref_slice %arg3[%dma_wait3A_350, %dma_wait3A_351] : memref<1000000x16xf32, #tpu.memory_space<hbm>> -> memref<1000000x16xf32, #tpu.memory_space<hbm>>
    tpu.wait_indirect_dma semaphore(%arg7 : memref<!tpu.dma_semaphore, #tpu.memory_space<semaphore_mem>>) src(%dma_wait3A_352 : memref<1000000x16xf32, #tpu.memory_space<hbm>>) dst(%dma_wait3A_347 : memref<128x16xf32, #tpu.memory_space<vmem>>)
    %dma_wait3A_353 = arith.constant 1536 : i32
    %dma_wait3A_354 = arith.constant 0 : i32
    %dma_wait3A_355 = tpu.memref_slice %arg6[%dma_wait3A_353, %dma_wait3A_354] : memref<4096x16xf32, #tpu.memory_space<vmem>> -> memref<128x16xf32, #tpu.memory_space<vmem>>
    %dma_wait3A_356 = arith.constant 1536 : i32
    %dma_wait3A_357 = tpu.memref_slice %arg5[%dma_wait3A_356] : memref<4096xi32, #tpu.memory_space<vmem>> -> memref<128xi32, #tpu.memory_space<vmem>>
    %dma_wait3A_358 = arith.constant 0 : i32
    %dma_wait3A_359 = arith.constant 0 : i32
    %dma_wait3A_360 = tpu.memref_slice %arg3[%dma_wait3A_358, %dma_wait3A_359] : memref<1000000x16xf32, #tpu.memory_space<hbm>> -> memref<1000000x16xf32, #tpu.memory_space<hbm>>
    tpu.wait_indirect_dma semaphore(%arg7 : memref<!tpu.dma_semaphore, #tpu.memory_space<semaphore_mem>>) src(%dma_wait3A_360 : memref<1000000x16xf32, #tpu.memory_space<hbm>>) dst(%dma_wait3A_355 : memref<128x16xf32, #tpu.memory_space<vmem>>)
    %dma_wait3A_361 = arith.constant 1664 : i32
    %dma_wait3A_362 = arith.constant 0 : i32
    %dma_wait3A_363 = tpu.memref_slice %arg6[%dma_wait3A_361, %dma_wait3A_362] : memref<4096x16xf32, #tpu.memory_space<vmem>> -> memref<128x16xf32, #tpu.memory_space<vmem>>
    %dma_wait3A_364 = arith.constant 1664 : i32
    %dma_wait3A_365 = tpu.memref_slice %arg5[%dma_wait3A_364] : memref<4096xi32, #tpu.memory_space<vmem>> -> memref<128xi32, #tpu.memory_space<vmem>>
    %dma_wait3A_366 = arith.constant 0 : i32
    %dma_wait3A_367 = arith.constant 0 : i32
    %dma_wait3A_368 = tpu.memref_slice %arg3[%dma_wait3A_366, %dma_wait3A_367] : memref<1000000x16xf32, #tpu.memory_space<hbm>> -> memref<1000000x16xf32, #tpu.memory_space<hbm>>
    tpu.wait_indirect_dma semaphore(%arg7 : memref<!tpu.dma_semaphore, #tpu.memory_space<semaphore_mem>>) src(%dma_wait3A_368 : memref<1000000x16xf32, #tpu.memory_space<hbm>>) dst(%dma_wait3A_363 : memref<128x16xf32, #tpu.memory_space<vmem>>)
    %dma_wait3A_369 = arith.constant 1792 : i32
    %dma_wait3A_370 = arith.constant 0 : i32
    %dma_wait3A_371 = tpu.memref_slice %arg6[%dma_wait3A_369, %dma_wait3A_370] : memref<4096x16xf32, #tpu.memory_space<vmem>> -> memref<128x16xf32, #tpu.memory_space<vmem>>
    %dma_wait3A_372 = arith.constant 1792 : i32
    %dma_wait3A_373 = tpu.memref_slice %arg5[%dma_wait3A_372] : memref<4096xi32, #tpu.memory_space<vmem>> -> memref<128xi32, #tpu.memory_space<vmem>>
    %dma_wait3A_374 = arith.constant 0 : i32
    %dma_wait3A_375 = arith.constant 0 : i32
    %dma_wait3A_376 = tpu.memref_slice %arg3[%dma_wait3A_374, %dma_wait3A_375] : memref<1000000x16xf32, #tpu.memory_space<hbm>> -> memref<1000000x16xf32, #tpu.memory_space<hbm>>
    tpu.wait_indirect_dma semaphore(%arg7 : memref<!tpu.dma_semaphore, #tpu.memory_space<semaphore_mem>>) src(%dma_wait3A_376 : memref<1000000x16xf32, #tpu.memory_space<hbm>>) dst(%dma_wait3A_371 : memref<128x16xf32, #tpu.memory_space<vmem>>)
    %dma_wait3A_377 = arith.constant 1920 : i32
    %dma_wait3A_378 = arith.constant 0 : i32
    %dma_wait3A_379 = tpu.memref_slice %arg6[%dma_wait3A_377, %dma_wait3A_378] : memref<4096x16xf32, #tpu.memory_space<vmem>> -> memref<128x16xf32, #tpu.memory_space<vmem>>
    %dma_wait3A_380 = arith.constant 1920 : i32
    %dma_wait3A_381 = tpu.memref_slice %arg5[%dma_wait3A_380] : memref<4096xi32, #tpu.memory_space<vmem>> -> memref<128xi32, #tpu.memory_space<vmem>>
    %dma_wait3A_382 = arith.constant 0 : i32
    %dma_wait3A_383 = arith.constant 0 : i32
    %dma_wait3A_384 = tpu.memref_slice %arg3[%dma_wait3A_382, %dma_wait3A_383] : memref<1000000x16xf32, #tpu.memory_space<hbm>> -> memref<1000000x16xf32, #tpu.memory_space<hbm>>
    tpu.wait_indirect_dma semaphore(%arg7 : memref<!tpu.dma_semaphore, #tpu.memory_space<semaphore_mem>>) src(%dma_wait3A_384 : memref<1000000x16xf32, #tpu.memory_space<hbm>>) dst(%dma_wait3A_379 : memref<128x16xf32, #tpu.memory_space<vmem>>)
    %dma_wait3A_385 = arith.constant 2048 : i32
    %dma_wait3A_386 = arith.constant 0 : i32
    %dma_wait3A_387 = tpu.memref_slice %arg6[%dma_wait3A_385, %dma_wait3A_386] : memref<4096x16xf32, #tpu.memory_space<vmem>> -> memref<128x16xf32, #tpu.memory_space<vmem>>
    %dma_wait3A_388 = arith.constant 2048 : i32
    %dma_wait3A_389 = tpu.memref_slice %arg5[%dma_wait3A_388] : memref<4096xi32, #tpu.memory_space<vmem>> -> memref<128xi32, #tpu.memory_space<vmem>>
    %dma_wait3A_390 = arith.constant 0 : i32
    %dma_wait3A_391 = arith.constant 0 : i32
    %dma_wait3A_392 = tpu.memref_slice %arg3[%dma_wait3A_390, %dma_wait3A_391] : memref<1000000x16xf32, #tpu.memory_space<hbm>> -> memref<1000000x16xf32, #tpu.memory_space<hbm>>
    tpu.wait_indirect_dma semaphore(%arg7 : memref<!tpu.dma_semaphore, #tpu.memory_space<semaphore_mem>>) src(%dma_wait3A_392 : memref<1000000x16xf32, #tpu.memory_space<hbm>>) dst(%dma_wait3A_387 : memref<128x16xf32, #tpu.memory_space<vmem>>)
    %dma_wait3A_393 = arith.constant 2176 : i32
    %dma_wait3A_394 = arith.constant 0 : i32
    %dma_wait3A_395 = tpu.memref_slice %arg6[%dma_wait3A_393, %dma_wait3A_394] : memref<4096x16xf32, #tpu.memory_space<vmem>> -> memref<128x16xf32, #tpu.memory_space<vmem>>
    %dma_wait3A_396 = arith.constant 2176 : i32
    %dma_wait3A_397 = tpu.memref_slice %arg5[%dma_wait3A_396] : memref<4096xi32, #tpu.memory_space<vmem>> -> memref<128xi32, #tpu.memory_space<vmem>>
    %dma_wait3A_398 = arith.constant 0 : i32
    %dma_wait3A_399 = arith.constant 0 : i32
    %dma_wait3A_400 = tpu.memref_slice %arg3[%dma_wait3A_398, %dma_wait3A_399] : memref<1000000x16xf32, #tpu.memory_space<hbm>> -> memref<1000000x16xf32, #tpu.memory_space<hbm>>
    tpu.wait_indirect_dma semaphore(%arg7 : memref<!tpu.dma_semaphore, #tpu.memory_space<semaphore_mem>>) src(%dma_wait3A_400 : memref<1000000x16xf32, #tpu.memory_space<hbm>>) dst(%dma_wait3A_395 : memref<128x16xf32, #tpu.memory_space<vmem>>)
    %dma_wait3A_401 = arith.constant 2304 : i32
    %dma_wait3A_402 = arith.constant 0 : i32
    %dma_wait3A_403 = tpu.memref_slice %arg6[%dma_wait3A_401, %dma_wait3A_402] : memref<4096x16xf32, #tpu.memory_space<vmem>> -> memref<128x16xf32, #tpu.memory_space<vmem>>
    %dma_wait3A_404 = arith.constant 2304 : i32
    %dma_wait3A_405 = tpu.memref_slice %arg5[%dma_wait3A_404] : memref<4096xi32, #tpu.memory_space<vmem>> -> memref<128xi32, #tpu.memory_space<vmem>>
    %dma_wait3A_406 = arith.constant 0 : i32
    %dma_wait3A_407 = arith.constant 0 : i32
    %dma_wait3A_408 = tpu.memref_slice %arg3[%dma_wait3A_406, %dma_wait3A_407] : memref<1000000x16xf32, #tpu.memory_space<hbm>> -> memref<1000000x16xf32, #tpu.memory_space<hbm>>
    tpu.wait_indirect_dma semaphore(%arg7 : memref<!tpu.dma_semaphore, #tpu.memory_space<semaphore_mem>>) src(%dma_wait3A_408 : memref<1000000x16xf32, #tpu.memory_space<hbm>>) dst(%dma_wait3A_403 : memref<128x16xf32, #tpu.memory_space<vmem>>)
    %dma_wait3A_409 = arith.constant 2432 : i32
    %dma_wait3A_410 = arith.constant 0 : i32
    %dma_wait3A_411 = tpu.memref_slice %arg6[%dma_wait3A_409, %dma_wait3A_410] : memref<4096x16xf32, #tpu.memory_space<vmem>> -> memref<128x16xf32, #tpu.memory_space<vmem>>
    %dma_wait3A_412 = arith.constant 2432 : i32
    %dma_wait3A_413 = tpu.memref_slice %arg5[%dma_wait3A_412] : memref<4096xi32, #tpu.memory_space<vmem>> -> memref<128xi32, #tpu.memory_space<vmem>>
    %dma_wait3A_414 = arith.constant 0 : i32
    %dma_wait3A_415 = arith.constant 0 : i32
    %dma_wait3A_416 = tpu.memref_slice %arg3[%dma_wait3A_414, %dma_wait3A_415] : memref<1000000x16xf32, #tpu.memory_space<hbm>> -> memref<1000000x16xf32, #tpu.memory_space<hbm>>
    tpu.wait_indirect_dma semaphore(%arg7 : memref<!tpu.dma_semaphore, #tpu.memory_space<semaphore_mem>>) src(%dma_wait3A_416 : memref<1000000x16xf32, #tpu.memory_space<hbm>>) dst(%dma_wait3A_411 : memref<128x16xf32, #tpu.memory_space<vmem>>)
    %dma_wait3A_417 = arith.constant 2560 : i32
    %dma_wait3A_418 = arith.constant 0 : i32
    %dma_wait3A_419 = tpu.memref_slice %arg6[%dma_wait3A_417, %dma_wait3A_418] : memref<4096x16xf32, #tpu.memory_space<vmem>> -> memref<128x16xf32, #tpu.memory_space<vmem>>
    %dma_wait3A_420 = arith.constant 2560 : i32
    %dma_wait3A_421 = tpu.memref_slice %arg5[%dma_wait3A_420] : memref<4096xi32, #tpu.memory_space<vmem>> -> memref<128xi32, #tpu.memory_space<vmem>>
    %dma_wait3A_422 = arith.constant 0 : i32
    %dma_wait3A_423 = arith.constant 0 : i32
    %dma_wait3A_424 = tpu.memref_slice %arg3[%dma_wait3A_422, %dma_wait3A_423] : memref<1000000x16xf32, #tpu.memory_space<hbm>> -> memref<1000000x16xf32, #tpu.memory_space<hbm>>
    tpu.wait_indirect_dma semaphore(%arg7 : memref<!tpu.dma_semaphore, #tpu.memory_space<semaphore_mem>>) src(%dma_wait3A_424 : memref<1000000x16xf32, #tpu.memory_space<hbm>>) dst(%dma_wait3A_419 : memref<128x16xf32, #tpu.memory_space<vmem>>)
    %dma_wait3A_425 = arith.constant 2688 : i32
    %dma_wait3A_426 = arith.constant 0 : i32
    %dma_wait3A_427 = tpu.memref_slice %arg6[%dma_wait3A_425, %dma_wait3A_426] : memref<4096x16xf32, #tpu.memory_space<vmem>> -> memref<128x16xf32, #tpu.memory_space<vmem>>
    %dma_wait3A_428 = arith.constant 2688 : i32
    %dma_wait3A_429 = tpu.memref_slice %arg5[%dma_wait3A_428] : memref<4096xi32, #tpu.memory_space<vmem>> -> memref<128xi32, #tpu.memory_space<vmem>>
    %dma_wait3A_430 = arith.constant 0 : i32
    %dma_wait3A_431 = arith.constant 0 : i32
    %dma_wait3A_432 = tpu.memref_slice %arg3[%dma_wait3A_430, %dma_wait3A_431] : memref<1000000x16xf32, #tpu.memory_space<hbm>> -> memref<1000000x16xf32, #tpu.memory_space<hbm>>
    tpu.wait_indirect_dma semaphore(%arg7 : memref<!tpu.dma_semaphore, #tpu.memory_space<semaphore_mem>>) src(%dma_wait3A_432 : memref<1000000x16xf32, #tpu.memory_space<hbm>>) dst(%dma_wait3A_427 : memref<128x16xf32, #tpu.memory_space<vmem>>)
    %dma_wait3A_433 = arith.constant 2816 : i32
    %dma_wait3A_434 = arith.constant 0 : i32
    %dma_wait3A_435 = tpu.memref_slice %arg6[%dma_wait3A_433, %dma_wait3A_434] : memref<4096x16xf32, #tpu.memory_space<vmem>> -> memref<128x16xf32, #tpu.memory_space<vmem>>
    %dma_wait3A_436 = arith.constant 2816 : i32
    %dma_wait3A_437 = tpu.memref_slice %arg5[%dma_wait3A_436] : memref<4096xi32, #tpu.memory_space<vmem>> -> memref<128xi32, #tpu.memory_space<vmem>>
    %dma_wait3A_438 = arith.constant 0 : i32
    %dma_wait3A_439 = arith.constant 0 : i32
    %dma_wait3A_440 = tpu.memref_slice %arg3[%dma_wait3A_438, %dma_wait3A_439] : memref<1000000x16xf32, #tpu.memory_space<hbm>> -> memref<1000000x16xf32, #tpu.memory_space<hbm>>
    tpu.wait_indirect_dma semaphore(%arg7 : memref<!tpu.dma_semaphore, #tpu.memory_space<semaphore_mem>>) src(%dma_wait3A_440 : memref<1000000x16xf32, #tpu.memory_space<hbm>>) dst(%dma_wait3A_435 : memref<128x16xf32, #tpu.memory_space<vmem>>)
    %dma_wait3A_441 = arith.constant 2944 : i32
    %dma_wait3A_442 = arith.constant 0 : i32
    %dma_wait3A_443 = tpu.memref_slice %arg6[%dma_wait3A_441, %dma_wait3A_442] : memref<4096x16xf32, #tpu.memory_space<vmem>> -> memref<128x16xf32, #tpu.memory_space<vmem>>
    %dma_wait3A_444 = arith.constant 2944 : i32
    %dma_wait3A_445 = tpu.memref_slice %arg5[%dma_wait3A_444] : memref<4096xi32, #tpu.memory_space<vmem>> -> memref<128xi32, #tpu.memory_space<vmem>>
    %dma_wait3A_446 = arith.constant 0 : i32
    %dma_wait3A_447 = arith.constant 0 : i32
    %dma_wait3A_448 = tpu.memref_slice %arg3[%dma_wait3A_446, %dma_wait3A_447] : memref<1000000x16xf32, #tpu.memory_space<hbm>> -> memref<1000000x16xf32, #tpu.memory_space<hbm>>
    tpu.wait_indirect_dma semaphore(%arg7 : memref<!tpu.dma_semaphore, #tpu.memory_space<semaphore_mem>>) src(%dma_wait3A_448 : memref<1000000x16xf32, #tpu.memory_space<hbm>>) dst(%dma_wait3A_443 : memref<128x16xf32, #tpu.memory_space<vmem>>)
    %dma_wait3A_449 = arith.constant 3072 : i32
    %dma_wait3A_450 = arith.constant 0 : i32
    %dma_wait3A_451 = tpu.memref_slice %arg6[%dma_wait3A_449, %dma_wait3A_450] : memref<4096x16xf32, #tpu.memory_space<vmem>> -> memref<128x16xf32, #tpu.memory_space<vmem>>
    %dma_wait3A_452 = arith.constant 3072 : i32
    %dma_wait3A_453 = tpu.memref_slice %arg5[%dma_wait3A_452] : memref<4096xi32, #tpu.memory_space<vmem>> -> memref<128xi32, #tpu.memory_space<vmem>>
    %dma_wait3A_454 = arith.constant 0 : i32
    %dma_wait3A_455 = arith.constant 0 : i32
    %dma_wait3A_456 = tpu.memref_slice %arg3[%dma_wait3A_454, %dma_wait3A_455] : memref<1000000x16xf32, #tpu.memory_space<hbm>> -> memref<1000000x16xf32, #tpu.memory_space<hbm>>
    tpu.wait_indirect_dma semaphore(%arg7 : memref<!tpu.dma_semaphore, #tpu.memory_space<semaphore_mem>>) src(%dma_wait3A_456 : memref<1000000x16xf32, #tpu.memory_space<hbm>>) dst(%dma_wait3A_451 : memref<128x16xf32, #tpu.memory_space<vmem>>)
    %dma_wait3A_457 = arith.constant 3200 : i32
    %dma_wait3A_458 = arith.constant 0 : i32
    %dma_wait3A_459 = tpu.memref_slice %arg6[%dma_wait3A_457, %dma_wait3A_458] : memref<4096x16xf32, #tpu.memory_space<vmem>> -> memref<128x16xf32, #tpu.memory_space<vmem>>
    %dma_wait3A_460 = arith.constant 3200 : i32
    %dma_wait3A_461 = tpu.memref_slice %arg5[%dma_wait3A_460] : memref<4096xi32, #tpu.memory_space<vmem>> -> memref<128xi32, #tpu.memory_space<vmem>>
    %dma_wait3A_462 = arith.constant 0 : i32
    %dma_wait3A_463 = arith.constant 0 : i32
    %dma_wait3A_464 = tpu.memref_slice %arg3[%dma_wait3A_462, %dma_wait3A_463] : memref<1000000x16xf32, #tpu.memory_space<hbm>> -> memref<1000000x16xf32, #tpu.memory_space<hbm>>
    tpu.wait_indirect_dma semaphore(%arg7 : memref<!tpu.dma_semaphore, #tpu.memory_space<semaphore_mem>>) src(%dma_wait3A_464 : memref<1000000x16xf32, #tpu.memory_space<hbm>>) dst(%dma_wait3A_459 : memref<128x16xf32, #tpu.memory_space<vmem>>)
    %dma_wait3A_465 = arith.constant 3328 : i32
    %dma_wait3A_466 = arith.constant 0 : i32
    %dma_wait3A_467 = tpu.memref_slice %arg6[%dma_wait3A_465, %dma_wait3A_466] : memref<4096x16xf32, #tpu.memory_space<vmem>> -> memref<128x16xf32, #tpu.memory_space<vmem>>
    %dma_wait3A_468 = arith.constant 3328 : i32
    %dma_wait3A_469 = tpu.memref_slice %arg5[%dma_wait3A_468] : memref<4096xi32, #tpu.memory_space<vmem>> -> memref<128xi32, #tpu.memory_space<vmem>>
    %dma_wait3A_470 = arith.constant 0 : i32
    %dma_wait3A_471 = arith.constant 0 : i32
    %dma_wait3A_472 = tpu.memref_slice %arg3[%dma_wait3A_470, %dma_wait3A_471] : memref<1000000x16xf32, #tpu.memory_space<hbm>> -> memref<1000000x16xf32, #tpu.memory_space<hbm>>
    tpu.wait_indirect_dma semaphore(%arg7 : memref<!tpu.dma_semaphore, #tpu.memory_space<semaphore_mem>>) src(%dma_wait3A_472 : memref<1000000x16xf32, #tpu.memory_space<hbm>>) dst(%dma_wait3A_467 : memref<128x16xf32, #tpu.memory_space<vmem>>)
    %dma_wait3A_473 = arith.constant 3456 : i32
    %dma_wait3A_474 = arith.constant 0 : i32
    %dma_wait3A_475 = tpu.memref_slice %arg6[%dma_wait3A_473, %dma_wait3A_474] : memref<4096x16xf32, #tpu.memory_space<vmem>> -> memref<128x16xf32, #tpu.memory_space<vmem>>
    %dma_wait3A_476 = arith.constant 3456 : i32
    %dma_wait3A_477 = tpu.memref_slice %arg5[%dma_wait3A_476] : memref<4096xi32, #tpu.memory_space<vmem>> -> memref<128xi32, #tpu.memory_space<vmem>>
    %dma_wait3A_478 = arith.constant 0 : i32
    %dma_wait3A_479 = arith.constant 0 : i32
    %dma_wait3A_480 = tpu.memref_slice %arg3[%dma_wait3A_478, %dma_wait3A_479] : memref<1000000x16xf32, #tpu.memory_space<hbm>> -> memref<1000000x16xf32, #tpu.memory_space<hbm>>
    tpu.wait_indirect_dma semaphore(%arg7 : memref<!tpu.dma_semaphore, #tpu.memory_space<semaphore_mem>>) src(%dma_wait3A_480 : memref<1000000x16xf32, #tpu.memory_space<hbm>>) dst(%dma_wait3A_475 : memref<128x16xf32, #tpu.memory_space<vmem>>)
    %dma_wait3A_481 = arith.constant 3584 : i32
    %dma_wait3A_482 = arith.constant 0 : i32
    %dma_wait3A_483 = tpu.memref_slice %arg6[%dma_wait3A_481, %dma_wait3A_482] : memref<4096x16xf32, #tpu.memory_space<vmem>> -> memref<128x16xf32, #tpu.memory_space<vmem>>
    %dma_wait3A_484 = arith.constant 3584 : i32
    %dma_wait3A_485 = tpu.memref_slice %arg5[%dma_wait3A_484] : memref<4096xi32, #tpu.memory_space<vmem>> -> memref<128xi32, #tpu.memory_space<vmem>>
    %dma_wait3A_486 = arith.constant 0 : i32
    %dma_wait3A_487 = arith.constant 0 : i32
    %dma_wait3A_488 = tpu.memref_slice %arg3[%dma_wait3A_486, %dma_wait3A_487] : memref<1000000x16xf32, #tpu.memory_space<hbm>> -> memref<1000000x16xf32, #tpu.memory_space<hbm>>
    tpu.wait_indirect_dma semaphore(%arg7 : memref<!tpu.dma_semaphore, #tpu.memory_space<semaphore_mem>>) src(%dma_wait3A_488 : memref<1000000x16xf32, #tpu.memory_space<hbm>>) dst(%dma_wait3A_483 : memref<128x16xf32, #tpu.memory_space<vmem>>)
    %dma_wait3A_489 = arith.constant 3712 : i32
    %dma_wait3A_490 = arith.constant 0 : i32
    %dma_wait3A_491 = tpu.memref_slice %arg6[%dma_wait3A_489, %dma_wait3A_490] : memref<4096x16xf32, #tpu.memory_space<vmem>> -> memref<128x16xf32, #tpu.memory_space<vmem>>
    %dma_wait3A_492 = arith.constant 3712 : i32
    %dma_wait3A_493 = tpu.memref_slice %arg5[%dma_wait3A_492] : memref<4096xi32, #tpu.memory_space<vmem>> -> memref<128xi32, #tpu.memory_space<vmem>>
    %dma_wait3A_494 = arith.constant 0 : i32
    %dma_wait3A_495 = arith.constant 0 : i32
    %dma_wait3A_496 = tpu.memref_slice %arg3[%dma_wait3A_494, %dma_wait3A_495] : memref<1000000x16xf32, #tpu.memory_space<hbm>> -> memref<1000000x16xf32, #tpu.memory_space<hbm>>
    tpu.wait_indirect_dma semaphore(%arg7 : memref<!tpu.dma_semaphore, #tpu.memory_space<semaphore_mem>>) src(%dma_wait3A_496 : memref<1000000x16xf32, #tpu.memory_space<hbm>>) dst(%dma_wait3A_491 : memref<128x16xf32, #tpu.memory_space<vmem>>)
    %dma_wait3A_497 = arith.constant 3840 : i32
    %dma_wait3A_498 = arith.constant 0 : i32
    %dma_wait3A_499 = tpu.memref_slice %arg6[%dma_wait3A_497, %dma_wait3A_498] : memref<4096x16xf32, #tpu.memory_space<vmem>> -> memref<128x16xf32, #tpu.memory_space<vmem>>
    %dma_wait3A_500 = arith.constant 3840 : i32
    %dma_wait3A_501 = tpu.memref_slice %arg5[%dma_wait3A_500] : memref<4096xi32, #tpu.memory_space<vmem>> -> memref<128xi32, #tpu.memory_space<vmem>>
    %dma_wait3A_502 = arith.constant 0 : i32
    %dma_wait3A_503 = arith.constant 0 : i32
    %dma_wait3A_504 = tpu.memref_slice %arg3[%dma_wait3A_502, %dma_wait3A_503] : memref<1000000x16xf32, #tpu.memory_space<hbm>> -> memref<1000000x16xf32, #tpu.memory_space<hbm>>
    tpu.wait_indirect_dma semaphore(%arg7 : memref<!tpu.dma_semaphore, #tpu.memory_space<semaphore_mem>>) src(%dma_wait3A_504 : memref<1000000x16xf32, #tpu.memory_space<hbm>>) dst(%dma_wait3A_499 : memref<128x16xf32, #tpu.memory_space<vmem>>)
    %dma_wait3A_505 = arith.constant 3968 : i32
    %dma_wait3A_506 = arith.constant 0 : i32
    %dma_wait3A_507 = tpu.memref_slice %arg6[%dma_wait3A_505, %dma_wait3A_506] : memref<4096x16xf32, #tpu.memory_space<vmem>> -> memref<128x16xf32, #tpu.memory_space<vmem>>
    %dma_wait3A_508 = arith.constant 3968 : i32
    %dma_wait3A_509 = tpu.memref_slice %arg5[%dma_wait3A_508] : memref<4096xi32, #tpu.memory_space<vmem>> -> memref<128xi32, #tpu.memory_space<vmem>>
    %dma_wait3A_510 = arith.constant 0 : i32
    %dma_wait3A_511 = arith.constant 0 : i32
    %dma_wait3A_512 = tpu.memref_slice %arg3[%dma_wait3A_510, %dma_wait3A_511] : memref<1000000x16xf32, #tpu.memory_space<hbm>> -> memref<1000000x16xf32, #tpu.memory_space<hbm>>
    tpu.wait_indirect_dma semaphore(%arg7 : memref<!tpu.dma_semaphore, #tpu.memory_space<semaphore_mem>>) src(%dma_wait3A_512 : memref<1000000x16xf32, #tpu.memory_space<hbm>>) dst(%dma_wait3A_507 : memref<128x16xf32, #tpu.memory_space<vmem>>)
    "tpu.region"() ({
      %run_scoped3A = tpu.sem_alloc : memref<!tpu.dma_semaphore, #tpu.memory_space<semaphore_mem>>
      %dma_start3A_513 = arith.constant 0 : i32
      %dma_start3A_514 = tpu.memref_slice %arg4[%mul3A_2, %dma_start3A_513] : memref<131072x16xf32, #tpu.memory_space<hbm>> -> memref<4096x16xf32, #tpu.memory_space<hbm>>
      %dma_start3A_515 = arith.constant 0 : i32
      %dma_start3A_516 = tpu.memref_slice %arg4[%mul3A_2, %dma_start3A_515] : memref<131072x16xf32, #tpu.memory_space<hbm>> -> memref<4096x16xf32, #tpu.memory_space<hbm>>
      tpu.enqueue_dma source(%arg6 : memref<4096x16xf32, #tpu.memory_space<vmem>>) target(%dma_start3A_516 : memref<4096x16xf32, #tpu.memory_space<hbm>>) target_semaphore(%run_scoped3A : memref<!tpu.dma_semaphore, #tpu.memory_space<semaphore_mem>>)
      %dma_wait3A_517 = arith.constant 0 : i32
      %dma_wait3A_518 = tpu.memref_slice %arg4[%mul3A_2, %dma_wait3A_517] : memref<131072x16xf32, #tpu.memory_space<hbm>> -> memref<4096x16xf32, #tpu.memory_space<hbm>>
      %dma_wait3A_519 = arith.constant 0 : i32
      %dma_wait3A_520 = tpu.memref_slice %arg4[%mul3A_2, %dma_wait3A_519] : memref<131072x16xf32, #tpu.memory_space<hbm>> -> memref<4096x16xf32, #tpu.memory_space<hbm>>
      tpu.wait_dma2 semaphore(%run_scoped3A : memref<!tpu.dma_semaphore, #tpu.memory_space<semaphore_mem>>) src(%arg6 : memref<4096x16xf32, #tpu.memory_space<vmem>>) dst(%dma_wait3A_520 : memref<4096x16xf32, #tpu.memory_space<hbm>>)
      tpu.yield
    }) : () -> ()
    return
  }
}

#map = affine_map<(d0, d1) -> (0)>
#map1 = affine_map<(d0, d1) -> (0, 0)>
module attributes {stable_mosaic.version = 14 : i64} {
  func.func @_sc_gather_a(%arg0: i32, %arg1: i32, %arg2: memref<16384xi32, #tpu.memory_space<hbm>>, %arg3: memref<16384xi32, #tpu.memory_space<hbm>>, %arg4: memref<1000000x8xi32, #tpu.memory_space<hbm>>, %arg5: memref<1000000x8xi32, #tpu.memory_space<hbm>>, %arg6: memref<1000000x16xf32, #tpu.memory_space<hbm>>, %arg7: memref<100000x16xf32, #tpu.memory_space<hbm>>, %arg8: memref<16384x128xf32, #tpu.memory_space<hbm>>, %arg9: memref<16384x8xi32, #tpu.memory_space<hbm>>, %arg10: memref<16384x8xi32, #tpu.memory_space<hbm>>, %arg11: memref<512xi32, #tpu.memory_space<vmem>>, %arg12: memref<512xi32, #tpu.memory_space<vmem>>, %arg13: memref<512x8xi32, #tpu.memory_space<vmem>>, %arg14: memref<512x8xi32, #tpu.memory_space<vmem>>, %arg15: memref<512x16xf32, #tpu.memory_space<vmem>>, %arg16: memref<512x16xf32, #tpu.memory_space<vmem>>, %arg17: memref<!tpu.dma_semaphore, #tpu.memory_space<semaphore_mem>>) attributes {dimension_semantics = [#tpu.dimension_semantics<core_parallel>, #tpu.dimension_semantics<subcore_parallel>], iteration_bounds = array<i64: 2, 16>, scalar_prefetch = 0 : i64, scratch_operands = 7 : i64, tpu.core_type = #tpu.core_type<sc_vector_subcore>, window_params = [{transform_indices = #map}, {transform_indices = #map}, {transform_indices = #map1}, {transform_indices = #map1}, {transform_indices = #map1}, {transform_indices = #map1}, {transform_indices = #map1}, {transform_indices = #map1}, {transform_indices = #map1}]} {
    %mul3A = arith.constant 2 : i32
    %mul3A_0 = arith.muli %arg1, %mul3A : i32
    %add3A = arith.addi %mul3A_0, %arg0 : i32
    %mul3A_1 = arith.constant 512 : i32
    %mul3A_2 = arith.muli %add3A, %mul3A_1 : i32
    "tpu.region"() ({
      %run_scoped3A = tpu.sem_alloc : memref<!tpu.dma_semaphore, #tpu.memory_space<semaphore_mem>>
      %dma_start3A_257 = tpu.memref_slice %arg3[%mul3A_2] : memref<16384xi32, #tpu.memory_space<hbm>> -> memref<512xi32, #tpu.memory_space<hbm>>
      %dma_start3A_258 = tpu.memref_slice %arg3[%mul3A_2] : memref<16384xi32, #tpu.memory_space<hbm>> -> memref<512xi32, #tpu.memory_space<hbm>>
      tpu.enqueue_dma source(%dma_start3A_258 : memref<512xi32, #tpu.memory_space<hbm>>) target(%arg11 : memref<512xi32, #tpu.memory_space<vmem>>) target_semaphore(%run_scoped3A : memref<!tpu.dma_semaphore, #tpu.memory_space<semaphore_mem>>)
      %dma_wait3A_259 = tpu.memref_slice %arg3[%mul3A_2] : memref<16384xi32, #tpu.memory_space<hbm>> -> memref<512xi32, #tpu.memory_space<hbm>>
      %dma_wait3A_260 = tpu.memref_slice %arg3[%mul3A_2] : memref<16384xi32, #tpu.memory_space<hbm>> -> memref<512xi32, #tpu.memory_space<hbm>>
      tpu.wait_dma2 semaphore(%run_scoped3A : memref<!tpu.dma_semaphore, #tpu.memory_space<semaphore_mem>>) src(%dma_wait3A_260 : memref<512xi32, #tpu.memory_space<hbm>>) dst(%arg11 : memref<512xi32, #tpu.memory_space<vmem>>)
      tpu.yield
    }) : () -> ()
    "tpu.region"() ({
      %run_scoped3A = tpu.sem_alloc : memref<!tpu.dma_semaphore, #tpu.memory_space<semaphore_mem>>
      %dma_start3A_257 = tpu.memref_slice %arg2[%mul3A_2] : memref<16384xi32, #tpu.memory_space<hbm>> -> memref<512xi32, #tpu.memory_space<hbm>>
      %dma_start3A_258 = tpu.memref_slice %arg2[%mul3A_2] : memref<16384xi32, #tpu.memory_space<hbm>> -> memref<512xi32, #tpu.memory_space<hbm>>
      tpu.enqueue_dma source(%dma_start3A_258 : memref<512xi32, #tpu.memory_space<hbm>>) target(%arg12 : memref<512xi32, #tpu.memory_space<vmem>>) target_semaphore(%run_scoped3A : memref<!tpu.dma_semaphore, #tpu.memory_space<semaphore_mem>>)
      %dma_wait3A_259 = tpu.memref_slice %arg2[%mul3A_2] : memref<16384xi32, #tpu.memory_space<hbm>> -> memref<512xi32, #tpu.memory_space<hbm>>
      %dma_wait3A_260 = tpu.memref_slice %arg2[%mul3A_2] : memref<16384xi32, #tpu.memory_space<hbm>> -> memref<512xi32, #tpu.memory_space<hbm>>
      tpu.wait_dma2 semaphore(%run_scoped3A : memref<!tpu.dma_semaphore, #tpu.memory_space<semaphore_mem>>) src(%dma_wait3A_260 : memref<512xi32, #tpu.memory_space<hbm>>) dst(%arg12 : memref<512xi32, #tpu.memory_space<vmem>>)
      tpu.yield
    }) : () -> ()
    %dma_start3A = arith.constant 0 : i32
    %dma_start3A_3 = arith.constant 0 : i32
    %dma_start3A_4 = tpu.memref_slice %arg13[%dma_start3A, %dma_start3A_3] : memref<512x8xi32, #tpu.memory_space<vmem>> -> memref<128x8xi32, #tpu.memory_space<vmem>>
    %dma_start3A_5 = arith.constant 0 : i32
    %dma_start3A_6 = tpu.memref_slice %arg11[%dma_start3A_5] : memref<512xi32, #tpu.memory_space<vmem>> -> memref<128xi32, #tpu.memory_space<vmem>>
    %dma_start3A_7 = arith.constant 0 : i32
    %dma_start3A_8 = arith.constant 0 : i32
    %dma_start3A_9 = tpu.memref_slice %arg4[%dma_start3A_7, %dma_start3A_8] : memref<1000000x8xi32, #tpu.memory_space<hbm>> -> memref<1000000x8xi32, #tpu.memory_space<hbm>>
    tpu.enqueue_indirect_dma source(%dma_start3A_9 : memref<1000000x8xi32, #tpu.memory_space<hbm>>) target(%dma_start3A_4 : memref<128x8xi32, #tpu.memory_space<vmem>>) offsets(%dma_start3A_6 : memref<128xi32, #tpu.memory_space<vmem>>) semaphore(%arg17 : memref<!tpu.dma_semaphore, #tpu.memory_space<semaphore_mem>>)
    %dma_start3A_10 = arith.constant 0 : i32
    %dma_start3A_11 = arith.constant 0 : i32
    %dma_start3A_12 = tpu.memref_slice %arg14[%dma_start3A_10, %dma_start3A_11] : memref<512x8xi32, #tpu.memory_space<vmem>> -> memref<128x8xi32, #tpu.memory_space<vmem>>
    %dma_start3A_13 = arith.constant 0 : i32
    %dma_start3A_14 = tpu.memref_slice %arg11[%dma_start3A_13] : memref<512xi32, #tpu.memory_space<vmem>> -> memref<128xi32, #tpu.memory_space<vmem>>
    %dma_start3A_15 = arith.constant 0 : i32
    %dma_start3A_16 = arith.constant 0 : i32
    %dma_start3A_17 = tpu.memref_slice %arg5[%dma_start3A_15, %dma_start3A_16] : memref<1000000x8xi32, #tpu.memory_space<hbm>> -> memref<1000000x8xi32, #tpu.memory_space<hbm>>
    tpu.enqueue_indirect_dma source(%dma_start3A_17 : memref<1000000x8xi32, #tpu.memory_space<hbm>>) target(%dma_start3A_12 : memref<128x8xi32, #tpu.memory_space<vmem>>) offsets(%dma_start3A_14 : memref<128xi32, #tpu.memory_space<vmem>>) semaphore(%arg17 : memref<!tpu.dma_semaphore, #tpu.memory_space<semaphore_mem>>)
    %dma_start3A_18 = arith.constant 0 : i32
    %dma_start3A_19 = arith.constant 0 : i32
    %dma_start3A_20 = tpu.memref_slice %arg16[%dma_start3A_18, %dma_start3A_19] : memref<512x16xf32, #tpu.memory_space<vmem>> -> memref<128x16xf32, #tpu.memory_space<vmem>>
    %dma_start3A_21 = arith.constant 0 : i32
    %dma_start3A_22 = tpu.memref_slice %arg11[%dma_start3A_21] : memref<512xi32, #tpu.memory_space<vmem>> -> memref<128xi32, #tpu.memory_space<vmem>>
    %dma_start3A_23 = arith.constant 0 : i32
    %dma_start3A_24 = arith.constant 0 : i32
    %dma_start3A_25 = tpu.memref_slice %arg6[%dma_start3A_23, %dma_start3A_24] : memref<1000000x16xf32, #tpu.memory_space<hbm>> -> memref<1000000x16xf32, #tpu.memory_space<hbm>>
    tpu.enqueue_indirect_dma source(%dma_start3A_25 : memref<1000000x16xf32, #tpu.memory_space<hbm>>) target(%dma_start3A_20 : memref<128x16xf32, #tpu.memory_space<vmem>>) offsets(%dma_start3A_22 : memref<128xi32, #tpu.memory_space<vmem>>) semaphore(%arg17 : memref<!tpu.dma_semaphore, #tpu.memory_space<semaphore_mem>>)
    %dma_start3A_26 = arith.constant 0 : i32
    %dma_start3A_27 = arith.constant 0 : i32
    %dma_start3A_28 = tpu.memref_slice %arg15[%dma_start3A_26, %dma_start3A_27] : memref<512x16xf32, #tpu.memory_space<vmem>> -> memref<128x16xf32, #tpu.memory_space<vmem>>
    %dma_start3A_29 = arith.constant 0 : i32
    %dma_start3A_30 = tpu.memref_slice %arg12[%dma_start3A_29] : memref<512xi32, #tpu.memory_space<vmem>> -> memref<128xi32, #tpu.memory_space<vmem>>
    %dma_start3A_31 = arith.constant 0 : i32
    %dma_start3A_32 = arith.constant 0 : i32
    %dma_start3A_33 = tpu.memref_slice %arg7[%dma_start3A_31, %dma_start3A_32] : memref<100000x16xf32, #tpu.memory_space<hbm>> -> memref<100000x16xf32, #tpu.memory_space<hbm>>
    tpu.enqueue_indirect_dma source(%dma_start3A_33 : memref<100000x16xf32, #tpu.memory_space<hbm>>) target(%dma_start3A_28 : memref<128x16xf32, #tpu.memory_space<vmem>>) offsets(%dma_start3A_30 : memref<128xi32, #tpu.memory_space<vmem>>) semaphore(%arg17 : memref<!tpu.dma_semaphore, #tpu.memory_space<semaphore_mem>>)
    %dma_start3A_34 = arith.constant 128 : i32
    %dma_start3A_35 = arith.constant 0 : i32
    %dma_start3A_36 = tpu.memref_slice %arg13[%dma_start3A_34, %dma_start3A_35] : memref<512x8xi32, #tpu.memory_space<vmem>> -> memref<128x8xi32, #tpu.memory_space<vmem>>
    %dma_start3A_37 = arith.constant 128 : i32
    %dma_start3A_38 = tpu.memref_slice %arg11[%dma_start3A_37] : memref<512xi32, #tpu.memory_space<vmem>> -> memref<128xi32, #tpu.memory_space<vmem>>
    %dma_start3A_39 = arith.constant 0 : i32
    %dma_start3A_40 = arith.constant 0 : i32
    %dma_start3A_41 = tpu.memref_slice %arg4[%dma_start3A_39, %dma_start3A_40] : memref<1000000x8xi32, #tpu.memory_space<hbm>> -> memref<1000000x8xi32, #tpu.memory_space<hbm>>
    tpu.enqueue_indirect_dma source(%dma_start3A_41 : memref<1000000x8xi32, #tpu.memory_space<hbm>>) target(%dma_start3A_36 : memref<128x8xi32, #tpu.memory_space<vmem>>) offsets(%dma_start3A_38 : memref<128xi32, #tpu.memory_space<vmem>>) semaphore(%arg17 : memref<!tpu.dma_semaphore, #tpu.memory_space<semaphore_mem>>)
    %dma_start3A_42 = arith.constant 128 : i32
    %dma_start3A_43 = arith.constant 0 : i32
    %dma_start3A_44 = tpu.memref_slice %arg14[%dma_start3A_42, %dma_start3A_43] : memref<512x8xi32, #tpu.memory_space<vmem>> -> memref<128x8xi32, #tpu.memory_space<vmem>>
    %dma_start3A_45 = arith.constant 128 : i32
    %dma_start3A_46 = tpu.memref_slice %arg11[%dma_start3A_45] : memref<512xi32, #tpu.memory_space<vmem>> -> memref<128xi32, #tpu.memory_space<vmem>>
    %dma_start3A_47 = arith.constant 0 : i32
    %dma_start3A_48 = arith.constant 0 : i32
    %dma_start3A_49 = tpu.memref_slice %arg5[%dma_start3A_47, %dma_start3A_48] : memref<1000000x8xi32, #tpu.memory_space<hbm>> -> memref<1000000x8xi32, #tpu.memory_space<hbm>>
    tpu.enqueue_indirect_dma source(%dma_start3A_49 : memref<1000000x8xi32, #tpu.memory_space<hbm>>) target(%dma_start3A_44 : memref<128x8xi32, #tpu.memory_space<vmem>>) offsets(%dma_start3A_46 : memref<128xi32, #tpu.memory_space<vmem>>) semaphore(%arg17 : memref<!tpu.dma_semaphore, #tpu.memory_space<semaphore_mem>>)
    %dma_start3A_50 = arith.constant 128 : i32
    %dma_start3A_51 = arith.constant 0 : i32
    %dma_start3A_52 = tpu.memref_slice %arg16[%dma_start3A_50, %dma_start3A_51] : memref<512x16xf32, #tpu.memory_space<vmem>> -> memref<128x16xf32, #tpu.memory_space<vmem>>
    %dma_start3A_53 = arith.constant 128 : i32
    %dma_start3A_54 = tpu.memref_slice %arg11[%dma_start3A_53] : memref<512xi32, #tpu.memory_space<vmem>> -> memref<128xi32, #tpu.memory_space<vmem>>
    %dma_start3A_55 = arith.constant 0 : i32
    %dma_start3A_56 = arith.constant 0 : i32
    %dma_start3A_57 = tpu.memref_slice %arg6[%dma_start3A_55, %dma_start3A_56] : memref<1000000x16xf32, #tpu.memory_space<hbm>> -> memref<1000000x16xf32, #tpu.memory_space<hbm>>
    tpu.enqueue_indirect_dma source(%dma_start3A_57 : memref<1000000x16xf32, #tpu.memory_space<hbm>>) target(%dma_start3A_52 : memref<128x16xf32, #tpu.memory_space<vmem>>) offsets(%dma_start3A_54 : memref<128xi32, #tpu.memory_space<vmem>>) semaphore(%arg17 : memref<!tpu.dma_semaphore, #tpu.memory_space<semaphore_mem>>)
    %dma_start3A_58 = arith.constant 128 : i32
    %dma_start3A_59 = arith.constant 0 : i32
    %dma_start3A_60 = tpu.memref_slice %arg15[%dma_start3A_58, %dma_start3A_59] : memref<512x16xf32, #tpu.memory_space<vmem>> -> memref<128x16xf32, #tpu.memory_space<vmem>>
    %dma_start3A_61 = arith.constant 128 : i32
    %dma_start3A_62 = tpu.memref_slice %arg12[%dma_start3A_61] : memref<512xi32, #tpu.memory_space<vmem>> -> memref<128xi32, #tpu.memory_space<vmem>>
    %dma_start3A_63 = arith.constant 0 : i32
    %dma_start3A_64 = arith.constant 0 : i32
    %dma_start3A_65 = tpu.memref_slice %arg7[%dma_start3A_63, %dma_start3A_64] : memref<100000x16xf32, #tpu.memory_space<hbm>> -> memref<100000x16xf32, #tpu.memory_space<hbm>>
    tpu.enqueue_indirect_dma source(%dma_start3A_65 : memref<100000x16xf32, #tpu.memory_space<hbm>>) target(%dma_start3A_60 : memref<128x16xf32, #tpu.memory_space<vmem>>) offsets(%dma_start3A_62 : memref<128xi32, #tpu.memory_space<vmem>>) semaphore(%arg17 : memref<!tpu.dma_semaphore, #tpu.memory_space<semaphore_mem>>)
    %dma_start3A_66 = arith.constant 256 : i32
    %dma_start3A_67 = arith.constant 0 : i32
    %dma_start3A_68 = tpu.memref_slice %arg13[%dma_start3A_66, %dma_start3A_67] : memref<512x8xi32, #tpu.memory_space<vmem>> -> memref<128x8xi32, #tpu.memory_space<vmem>>
    %dma_start3A_69 = arith.constant 256 : i32
    %dma_start3A_70 = tpu.memref_slice %arg11[%dma_start3A_69] : memref<512xi32, #tpu.memory_space<vmem>> -> memref<128xi32, #tpu.memory_space<vmem>>
    %dma_start3A_71 = arith.constant 0 : i32
    %dma_start3A_72 = arith.constant 0 : i32
    %dma_start3A_73 = tpu.memref_slice %arg4[%dma_start3A_71, %dma_start3A_72] : memref<1000000x8xi32, #tpu.memory_space<hbm>> -> memref<1000000x8xi32, #tpu.memory_space<hbm>>
    tpu.enqueue_indirect_dma source(%dma_start3A_73 : memref<1000000x8xi32, #tpu.memory_space<hbm>>) target(%dma_start3A_68 : memref<128x8xi32, #tpu.memory_space<vmem>>) offsets(%dma_start3A_70 : memref<128xi32, #tpu.memory_space<vmem>>) semaphore(%arg17 : memref<!tpu.dma_semaphore, #tpu.memory_space<semaphore_mem>>)
    %dma_start3A_74 = arith.constant 256 : i32
    %dma_start3A_75 = arith.constant 0 : i32
    %dma_start3A_76 = tpu.memref_slice %arg14[%dma_start3A_74, %dma_start3A_75] : memref<512x8xi32, #tpu.memory_space<vmem>> -> memref<128x8xi32, #tpu.memory_space<vmem>>
    %dma_start3A_77 = arith.constant 256 : i32
    %dma_start3A_78 = tpu.memref_slice %arg11[%dma_start3A_77] : memref<512xi32, #tpu.memory_space<vmem>> -> memref<128xi32, #tpu.memory_space<vmem>>
    %dma_start3A_79 = arith.constant 0 : i32
    %dma_start3A_80 = arith.constant 0 : i32
    %dma_start3A_81 = tpu.memref_slice %arg5[%dma_start3A_79, %dma_start3A_80] : memref<1000000x8xi32, #tpu.memory_space<hbm>> -> memref<1000000x8xi32, #tpu.memory_space<hbm>>
    tpu.enqueue_indirect_dma source(%dma_start3A_81 : memref<1000000x8xi32, #tpu.memory_space<hbm>>) target(%dma_start3A_76 : memref<128x8xi32, #tpu.memory_space<vmem>>) offsets(%dma_start3A_78 : memref<128xi32, #tpu.memory_space<vmem>>) semaphore(%arg17 : memref<!tpu.dma_semaphore, #tpu.memory_space<semaphore_mem>>)
    %dma_start3A_82 = arith.constant 256 : i32
    %dma_start3A_83 = arith.constant 0 : i32
    %dma_start3A_84 = tpu.memref_slice %arg16[%dma_start3A_82, %dma_start3A_83] : memref<512x16xf32, #tpu.memory_space<vmem>> -> memref<128x16xf32, #tpu.memory_space<vmem>>
    %dma_start3A_85 = arith.constant 256 : i32
    %dma_start3A_86 = tpu.memref_slice %arg11[%dma_start3A_85] : memref<512xi32, #tpu.memory_space<vmem>> -> memref<128xi32, #tpu.memory_space<vmem>>
    %dma_start3A_87 = arith.constant 0 : i32
    %dma_start3A_88 = arith.constant 0 : i32
    %dma_start3A_89 = tpu.memref_slice %arg6[%dma_start3A_87, %dma_start3A_88] : memref<1000000x16xf32, #tpu.memory_space<hbm>> -> memref<1000000x16xf32, #tpu.memory_space<hbm>>
    tpu.enqueue_indirect_dma source(%dma_start3A_89 : memref<1000000x16xf32, #tpu.memory_space<hbm>>) target(%dma_start3A_84 : memref<128x16xf32, #tpu.memory_space<vmem>>) offsets(%dma_start3A_86 : memref<128xi32, #tpu.memory_space<vmem>>) semaphore(%arg17 : memref<!tpu.dma_semaphore, #tpu.memory_space<semaphore_mem>>)
    %dma_start3A_90 = arith.constant 256 : i32
    %dma_start3A_91 = arith.constant 0 : i32
    %dma_start3A_92 = tpu.memref_slice %arg15[%dma_start3A_90, %dma_start3A_91] : memref<512x16xf32, #tpu.memory_space<vmem>> -> memref<128x16xf32, #tpu.memory_space<vmem>>
    %dma_start3A_93 = arith.constant 256 : i32
    %dma_start3A_94 = tpu.memref_slice %arg12[%dma_start3A_93] : memref<512xi32, #tpu.memory_space<vmem>> -> memref<128xi32, #tpu.memory_space<vmem>>
    %dma_start3A_95 = arith.constant 0 : i32
    %dma_start3A_96 = arith.constant 0 : i32
    %dma_start3A_97 = tpu.memref_slice %arg7[%dma_start3A_95, %dma_start3A_96] : memref<100000x16xf32, #tpu.memory_space<hbm>> -> memref<100000x16xf32, #tpu.memory_space<hbm>>
    tpu.enqueue_indirect_dma source(%dma_start3A_97 : memref<100000x16xf32, #tpu.memory_space<hbm>>) target(%dma_start3A_92 : memref<128x16xf32, #tpu.memory_space<vmem>>) offsets(%dma_start3A_94 : memref<128xi32, #tpu.memory_space<vmem>>) semaphore(%arg17 : memref<!tpu.dma_semaphore, #tpu.memory_space<semaphore_mem>>)
    %dma_start3A_98 = arith.constant 384 : i32
    %dma_start3A_99 = arith.constant 0 : i32
    %dma_start3A_100 = tpu.memref_slice %arg13[%dma_start3A_98, %dma_start3A_99] : memref<512x8xi32, #tpu.memory_space<vmem>> -> memref<128x8xi32, #tpu.memory_space<vmem>>
    %dma_start3A_101 = arith.constant 384 : i32
    %dma_start3A_102 = tpu.memref_slice %arg11[%dma_start3A_101] : memref<512xi32, #tpu.memory_space<vmem>> -> memref<128xi32, #tpu.memory_space<vmem>>
    %dma_start3A_103 = arith.constant 0 : i32
    %dma_start3A_104 = arith.constant 0 : i32
    %dma_start3A_105 = tpu.memref_slice %arg4[%dma_start3A_103, %dma_start3A_104] : memref<1000000x8xi32, #tpu.memory_space<hbm>> -> memref<1000000x8xi32, #tpu.memory_space<hbm>>
    tpu.enqueue_indirect_dma source(%dma_start3A_105 : memref<1000000x8xi32, #tpu.memory_space<hbm>>) target(%dma_start3A_100 : memref<128x8xi32, #tpu.memory_space<vmem>>) offsets(%dma_start3A_102 : memref<128xi32, #tpu.memory_space<vmem>>) semaphore(%arg17 : memref<!tpu.dma_semaphore, #tpu.memory_space<semaphore_mem>>)
    %dma_start3A_106 = arith.constant 384 : i32
    %dma_start3A_107 = arith.constant 0 : i32
    %dma_start3A_108 = tpu.memref_slice %arg14[%dma_start3A_106, %dma_start3A_107] : memref<512x8xi32, #tpu.memory_space<vmem>> -> memref<128x8xi32, #tpu.memory_space<vmem>>
    %dma_start3A_109 = arith.constant 384 : i32
    %dma_start3A_110 = tpu.memref_slice %arg11[%dma_start3A_109] : memref<512xi32, #tpu.memory_space<vmem>> -> memref<128xi32, #tpu.memory_space<vmem>>
    %dma_start3A_111 = arith.constant 0 : i32
    %dma_start3A_112 = arith.constant 0 : i32
    %dma_start3A_113 = tpu.memref_slice %arg5[%dma_start3A_111, %dma_start3A_112] : memref<1000000x8xi32, #tpu.memory_space<hbm>> -> memref<1000000x8xi32, #tpu.memory_space<hbm>>
    tpu.enqueue_indirect_dma source(%dma_start3A_113 : memref<1000000x8xi32, #tpu.memory_space<hbm>>) target(%dma_start3A_108 : memref<128x8xi32, #tpu.memory_space<vmem>>) offsets(%dma_start3A_110 : memref<128xi32, #tpu.memory_space<vmem>>) semaphore(%arg17 : memref<!tpu.dma_semaphore, #tpu.memory_space<semaphore_mem>>)
    %dma_start3A_114 = arith.constant 384 : i32
    %dma_start3A_115 = arith.constant 0 : i32
    %dma_start3A_116 = tpu.memref_slice %arg16[%dma_start3A_114, %dma_start3A_115] : memref<512x16xf32, #tpu.memory_space<vmem>> -> memref<128x16xf32, #tpu.memory_space<vmem>>
    %dma_start3A_117 = arith.constant 384 : i32
    %dma_start3A_118 = tpu.memref_slice %arg11[%dma_start3A_117] : memref<512xi32, #tpu.memory_space<vmem>> -> memref<128xi32, #tpu.memory_space<vmem>>
    %dma_start3A_119 = arith.constant 0 : i32
    %dma_start3A_120 = arith.constant 0 : i32
    %dma_start3A_121 = tpu.memref_slice %arg6[%dma_start3A_119, %dma_start3A_120] : memref<1000000x16xf32, #tpu.memory_space<hbm>> -> memref<1000000x16xf32, #tpu.memory_space<hbm>>
    tpu.enqueue_indirect_dma source(%dma_start3A_121 : memref<1000000x16xf32, #tpu.memory_space<hbm>>) target(%dma_start3A_116 : memref<128x16xf32, #tpu.memory_space<vmem>>) offsets(%dma_start3A_118 : memref<128xi32, #tpu.memory_space<vmem>>) semaphore(%arg17 : memref<!tpu.dma_semaphore, #tpu.memory_space<semaphore_mem>>)
    %dma_start3A_122 = arith.constant 384 : i32
    %dma_start3A_123 = arith.constant 0 : i32
    %dma_start3A_124 = tpu.memref_slice %arg15[%dma_start3A_122, %dma_start3A_123] : memref<512x16xf32, #tpu.memory_space<vmem>> -> memref<128x16xf32, #tpu.memory_space<vmem>>
    %dma_start3A_125 = arith.constant 384 : i32
    %dma_start3A_126 = tpu.memref_slice %arg12[%dma_start3A_125] : memref<512xi32, #tpu.memory_space<vmem>> -> memref<128xi32, #tpu.memory_space<vmem>>
    %dma_start3A_127 = arith.constant 0 : i32
    %dma_start3A_128 = arith.constant 0 : i32
    %dma_start3A_129 = tpu.memref_slice %arg7[%dma_start3A_127, %dma_start3A_128] : memref<100000x16xf32, #tpu.memory_space<hbm>> -> memref<100000x16xf32, #tpu.memory_space<hbm>>
    tpu.enqueue_indirect_dma source(%dma_start3A_129 : memref<100000x16xf32, #tpu.memory_space<hbm>>) target(%dma_start3A_124 : memref<128x16xf32, #tpu.memory_space<vmem>>) offsets(%dma_start3A_126 : memref<128xi32, #tpu.memory_space<vmem>>) semaphore(%arg17 : memref<!tpu.dma_semaphore, #tpu.memory_space<semaphore_mem>>)
    %dma_wait3A = arith.constant 0 : i32
    %dma_wait3A_130 = arith.constant 0 : i32
    %dma_wait3A_131 = tpu.memref_slice %arg13[%dma_wait3A, %dma_wait3A_130] : memref<512x8xi32, #tpu.memory_space<vmem>> -> memref<128x8xi32, #tpu.memory_space<vmem>>
    %dma_wait3A_132 = arith.constant 0 : i32
    %dma_wait3A_133 = tpu.memref_slice %arg11[%dma_wait3A_132] : memref<512xi32, #tpu.memory_space<vmem>> -> memref<128xi32, #tpu.memory_space<vmem>>
    %dma_wait3A_134 = arith.constant 0 : i32
    %dma_wait3A_135 = arith.constant 0 : i32
    %dma_wait3A_136 = tpu.memref_slice %arg4[%dma_wait3A_134, %dma_wait3A_135] : memref<1000000x8xi32, #tpu.memory_space<hbm>> -> memref<1000000x8xi32, #tpu.memory_space<hbm>>
    tpu.wait_indirect_dma semaphore(%arg17 : memref<!tpu.dma_semaphore, #tpu.memory_space<semaphore_mem>>) src(%dma_wait3A_136 : memref<1000000x8xi32, #tpu.memory_space<hbm>>) dst(%dma_wait3A_131 : memref<128x8xi32, #tpu.memory_space<vmem>>)
    %dma_wait3A_137 = arith.constant 0 : i32
    %dma_wait3A_138 = arith.constant 0 : i32
    %dma_wait3A_139 = tpu.memref_slice %arg14[%dma_wait3A_137, %dma_wait3A_138] : memref<512x8xi32, #tpu.memory_space<vmem>> -> memref<128x8xi32, #tpu.memory_space<vmem>>
    %dma_wait3A_140 = arith.constant 0 : i32
    %dma_wait3A_141 = tpu.memref_slice %arg11[%dma_wait3A_140] : memref<512xi32, #tpu.memory_space<vmem>> -> memref<128xi32, #tpu.memory_space<vmem>>
    %dma_wait3A_142 = arith.constant 0 : i32
    %dma_wait3A_143 = arith.constant 0 : i32
    %dma_wait3A_144 = tpu.memref_slice %arg5[%dma_wait3A_142, %dma_wait3A_143] : memref<1000000x8xi32, #tpu.memory_space<hbm>> -> memref<1000000x8xi32, #tpu.memory_space<hbm>>
    tpu.wait_indirect_dma semaphore(%arg17 : memref<!tpu.dma_semaphore, #tpu.memory_space<semaphore_mem>>) src(%dma_wait3A_144 : memref<1000000x8xi32, #tpu.memory_space<hbm>>) dst(%dma_wait3A_139 : memref<128x8xi32, #tpu.memory_space<vmem>>)
    %dma_wait3A_145 = arith.constant 0 : i32
    %dma_wait3A_146 = arith.constant 0 : i32
    %dma_wait3A_147 = tpu.memref_slice %arg16[%dma_wait3A_145, %dma_wait3A_146] : memref<512x16xf32, #tpu.memory_space<vmem>> -> memref<128x16xf32, #tpu.memory_space<vmem>>
    %dma_wait3A_148 = arith.constant 0 : i32
    %dma_wait3A_149 = tpu.memref_slice %arg11[%dma_wait3A_148] : memref<512xi32, #tpu.memory_space<vmem>> -> memref<128xi32, #tpu.memory_space<vmem>>
    %dma_wait3A_150 = arith.constant 0 : i32
    %dma_wait3A_151 = arith.constant 0 : i32
    %dma_wait3A_152 = tpu.memref_slice %arg6[%dma_wait3A_150, %dma_wait3A_151] : memref<1000000x16xf32, #tpu.memory_space<hbm>> -> memref<1000000x16xf32, #tpu.memory_space<hbm>>
    tpu.wait_indirect_dma semaphore(%arg17 : memref<!tpu.dma_semaphore, #tpu.memory_space<semaphore_mem>>) src(%dma_wait3A_152 : memref<1000000x16xf32, #tpu.memory_space<hbm>>) dst(%dma_wait3A_147 : memref<128x16xf32, #tpu.memory_space<vmem>>)
    %dma_wait3A_153 = arith.constant 0 : i32
    %dma_wait3A_154 = arith.constant 0 : i32
    %dma_wait3A_155 = tpu.memref_slice %arg15[%dma_wait3A_153, %dma_wait3A_154] : memref<512x16xf32, #tpu.memory_space<vmem>> -> memref<128x16xf32, #tpu.memory_space<vmem>>
    %dma_wait3A_156 = arith.constant 0 : i32
    %dma_wait3A_157 = tpu.memref_slice %arg12[%dma_wait3A_156] : memref<512xi32, #tpu.memory_space<vmem>> -> memref<128xi32, #tpu.memory_space<vmem>>
    %dma_wait3A_158 = arith.constant 0 : i32
    %dma_wait3A_159 = arith.constant 0 : i32
    %dma_wait3A_160 = tpu.memref_slice %arg7[%dma_wait3A_158, %dma_wait3A_159] : memref<100000x16xf32, #tpu.memory_space<hbm>> -> memref<100000x16xf32, #tpu.memory_space<hbm>>
    tpu.wait_indirect_dma semaphore(%arg17 : memref<!tpu.dma_semaphore, #tpu.memory_space<semaphore_mem>>) src(%dma_wait3A_160 : memref<100000x16xf32, #tpu.memory_space<hbm>>) dst(%dma_wait3A_155 : memref<128x16xf32, #tpu.memory_space<vmem>>)
    %dma_wait3A_161 = arith.constant 128 : i32
    %dma_wait3A_162 = arith.constant 0 : i32
    %dma_wait3A_163 = tpu.memref_slice %arg13[%dma_wait3A_161, %dma_wait3A_162] : memref<512x8xi32, #tpu.memory_space<vmem>> -> memref<128x8xi32, #tpu.memory_space<vmem>>
    %dma_wait3A_164 = arith.constant 128 : i32
    %dma_wait3A_165 = tpu.memref_slice %arg11[%dma_wait3A_164] : memref<512xi32, #tpu.memory_space<vmem>> -> memref<128xi32, #tpu.memory_space<vmem>>
    %dma_wait3A_166 = arith.constant 0 : i32
    %dma_wait3A_167 = arith.constant 0 : i32
    %dma_wait3A_168 = tpu.memref_slice %arg4[%dma_wait3A_166, %dma_wait3A_167] : memref<1000000x8xi32, #tpu.memory_space<hbm>> -> memref<1000000x8xi32, #tpu.memory_space<hbm>>
    tpu.wait_indirect_dma semaphore(%arg17 : memref<!tpu.dma_semaphore, #tpu.memory_space<semaphore_mem>>) src(%dma_wait3A_168 : memref<1000000x8xi32, #tpu.memory_space<hbm>>) dst(%dma_wait3A_163 : memref<128x8xi32, #tpu.memory_space<vmem>>)
    %dma_wait3A_169 = arith.constant 128 : i32
    %dma_wait3A_170 = arith.constant 0 : i32
    %dma_wait3A_171 = tpu.memref_slice %arg14[%dma_wait3A_169, %dma_wait3A_170] : memref<512x8xi32, #tpu.memory_space<vmem>> -> memref<128x8xi32, #tpu.memory_space<vmem>>
    %dma_wait3A_172 = arith.constant 128 : i32
    %dma_wait3A_173 = tpu.memref_slice %arg11[%dma_wait3A_172] : memref<512xi32, #tpu.memory_space<vmem>> -> memref<128xi32, #tpu.memory_space<vmem>>
    %dma_wait3A_174 = arith.constant 0 : i32
    %dma_wait3A_175 = arith.constant 0 : i32
    %dma_wait3A_176 = tpu.memref_slice %arg5[%dma_wait3A_174, %dma_wait3A_175] : memref<1000000x8xi32, #tpu.memory_space<hbm>> -> memref<1000000x8xi32, #tpu.memory_space<hbm>>
    tpu.wait_indirect_dma semaphore(%arg17 : memref<!tpu.dma_semaphore, #tpu.memory_space<semaphore_mem>>) src(%dma_wait3A_176 : memref<1000000x8xi32, #tpu.memory_space<hbm>>) dst(%dma_wait3A_171 : memref<128x8xi32, #tpu.memory_space<vmem>>)
    %dma_wait3A_177 = arith.constant 128 : i32
    %dma_wait3A_178 = arith.constant 0 : i32
    %dma_wait3A_179 = tpu.memref_slice %arg16[%dma_wait3A_177, %dma_wait3A_178] : memref<512x16xf32, #tpu.memory_space<vmem>> -> memref<128x16xf32, #tpu.memory_space<vmem>>
    %dma_wait3A_180 = arith.constant 128 : i32
    %dma_wait3A_181 = tpu.memref_slice %arg11[%dma_wait3A_180] : memref<512xi32, #tpu.memory_space<vmem>> -> memref<128xi32, #tpu.memory_space<vmem>>
    %dma_wait3A_182 = arith.constant 0 : i32
    %dma_wait3A_183 = arith.constant 0 : i32
    %dma_wait3A_184 = tpu.memref_slice %arg6[%dma_wait3A_182, %dma_wait3A_183] : memref<1000000x16xf32, #tpu.memory_space<hbm>> -> memref<1000000x16xf32, #tpu.memory_space<hbm>>
    tpu.wait_indirect_dma semaphore(%arg17 : memref<!tpu.dma_semaphore, #tpu.memory_space<semaphore_mem>>) src(%dma_wait3A_184 : memref<1000000x16xf32, #tpu.memory_space<hbm>>) dst(%dma_wait3A_179 : memref<128x16xf32, #tpu.memory_space<vmem>>)
    %dma_wait3A_185 = arith.constant 128 : i32
    %dma_wait3A_186 = arith.constant 0 : i32
    %dma_wait3A_187 = tpu.memref_slice %arg15[%dma_wait3A_185, %dma_wait3A_186] : memref<512x16xf32, #tpu.memory_space<vmem>> -> memref<128x16xf32, #tpu.memory_space<vmem>>
    %dma_wait3A_188 = arith.constant 128 : i32
    %dma_wait3A_189 = tpu.memref_slice %arg12[%dma_wait3A_188] : memref<512xi32, #tpu.memory_space<vmem>> -> memref<128xi32, #tpu.memory_space<vmem>>
    %dma_wait3A_190 = arith.constant 0 : i32
    %dma_wait3A_191 = arith.constant 0 : i32
    %dma_wait3A_192 = tpu.memref_slice %arg7[%dma_wait3A_190, %dma_wait3A_191] : memref<100000x16xf32, #tpu.memory_space<hbm>> -> memref<100000x16xf32, #tpu.memory_space<hbm>>
    tpu.wait_indirect_dma semaphore(%arg17 : memref<!tpu.dma_semaphore, #tpu.memory_space<semaphore_mem>>) src(%dma_wait3A_192 : memref<100000x16xf32, #tpu.memory_space<hbm>>) dst(%dma_wait3A_187 : memref<128x16xf32, #tpu.memory_space<vmem>>)
    %dma_wait3A_193 = arith.constant 256 : i32
    %dma_wait3A_194 = arith.constant 0 : i32
    %dma_wait3A_195 = tpu.memref_slice %arg13[%dma_wait3A_193, %dma_wait3A_194] : memref<512x8xi32, #tpu.memory_space<vmem>> -> memref<128x8xi32, #tpu.memory_space<vmem>>
    %dma_wait3A_196 = arith.constant 256 : i32
    %dma_wait3A_197 = tpu.memref_slice %arg11[%dma_wait3A_196] : memref<512xi32, #tpu.memory_space<vmem>> -> memref<128xi32, #tpu.memory_space<vmem>>
    %dma_wait3A_198 = arith.constant 0 : i32
    %dma_wait3A_199 = arith.constant 0 : i32
    %dma_wait3A_200 = tpu.memref_slice %arg4[%dma_wait3A_198, %dma_wait3A_199] : memref<1000000x8xi32, #tpu.memory_space<hbm>> -> memref<1000000x8xi32, #tpu.memory_space<hbm>>
    tpu.wait_indirect_dma semaphore(%arg17 : memref<!tpu.dma_semaphore, #tpu.memory_space<semaphore_mem>>) src(%dma_wait3A_200 : memref<1000000x8xi32, #tpu.memory_space<hbm>>) dst(%dma_wait3A_195 : memref<128x8xi32, #tpu.memory_space<vmem>>)
    %dma_wait3A_201 = arith.constant 256 : i32
    %dma_wait3A_202 = arith.constant 0 : i32
    %dma_wait3A_203 = tpu.memref_slice %arg14[%dma_wait3A_201, %dma_wait3A_202] : memref<512x8xi32, #tpu.memory_space<vmem>> -> memref<128x8xi32, #tpu.memory_space<vmem>>
    %dma_wait3A_204 = arith.constant 256 : i32
    %dma_wait3A_205 = tpu.memref_slice %arg11[%dma_wait3A_204] : memref<512xi32, #tpu.memory_space<vmem>> -> memref<128xi32, #tpu.memory_space<vmem>>
    %dma_wait3A_206 = arith.constant 0 : i32
    %dma_wait3A_207 = arith.constant 0 : i32
    %dma_wait3A_208 = tpu.memref_slice %arg5[%dma_wait3A_206, %dma_wait3A_207] : memref<1000000x8xi32, #tpu.memory_space<hbm>> -> memref<1000000x8xi32, #tpu.memory_space<hbm>>
    tpu.wait_indirect_dma semaphore(%arg17 : memref<!tpu.dma_semaphore, #tpu.memory_space<semaphore_mem>>) src(%dma_wait3A_208 : memref<1000000x8xi32, #tpu.memory_space<hbm>>) dst(%dma_wait3A_203 : memref<128x8xi32, #tpu.memory_space<vmem>>)
    %dma_wait3A_209 = arith.constant 256 : i32
    %dma_wait3A_210 = arith.constant 0 : i32
    %dma_wait3A_211 = tpu.memref_slice %arg16[%dma_wait3A_209, %dma_wait3A_210] : memref<512x16xf32, #tpu.memory_space<vmem>> -> memref<128x16xf32, #tpu.memory_space<vmem>>
    %dma_wait3A_212 = arith.constant 256 : i32
    %dma_wait3A_213 = tpu.memref_slice %arg11[%dma_wait3A_212] : memref<512xi32, #tpu.memory_space<vmem>> -> memref<128xi32, #tpu.memory_space<vmem>>
    %dma_wait3A_214 = arith.constant 0 : i32
    %dma_wait3A_215 = arith.constant 0 : i32
    %dma_wait3A_216 = tpu.memref_slice %arg6[%dma_wait3A_214, %dma_wait3A_215] : memref<1000000x16xf32, #tpu.memory_space<hbm>> -> memref<1000000x16xf32, #tpu.memory_space<hbm>>
    tpu.wait_indirect_dma semaphore(%arg17 : memref<!tpu.dma_semaphore, #tpu.memory_space<semaphore_mem>>) src(%dma_wait3A_216 : memref<1000000x16xf32, #tpu.memory_space<hbm>>) dst(%dma_wait3A_211 : memref<128x16xf32, #tpu.memory_space<vmem>>)
    %dma_wait3A_217 = arith.constant 256 : i32
    %dma_wait3A_218 = arith.constant 0 : i32
    %dma_wait3A_219 = tpu.memref_slice %arg15[%dma_wait3A_217, %dma_wait3A_218] : memref<512x16xf32, #tpu.memory_space<vmem>> -> memref<128x16xf32, #tpu.memory_space<vmem>>
    %dma_wait3A_220 = arith.constant 256 : i32
    %dma_wait3A_221 = tpu.memref_slice %arg12[%dma_wait3A_220] : memref<512xi32, #tpu.memory_space<vmem>> -> memref<128xi32, #tpu.memory_space<vmem>>
    %dma_wait3A_222 = arith.constant 0 : i32
    %dma_wait3A_223 = arith.constant 0 : i32
    %dma_wait3A_224 = tpu.memref_slice %arg7[%dma_wait3A_222, %dma_wait3A_223] : memref<100000x16xf32, #tpu.memory_space<hbm>> -> memref<100000x16xf32, #tpu.memory_space<hbm>>
    tpu.wait_indirect_dma semaphore(%arg17 : memref<!tpu.dma_semaphore, #tpu.memory_space<semaphore_mem>>) src(%dma_wait3A_224 : memref<100000x16xf32, #tpu.memory_space<hbm>>) dst(%dma_wait3A_219 : memref<128x16xf32, #tpu.memory_space<vmem>>)
    %dma_wait3A_225 = arith.constant 384 : i32
    %dma_wait3A_226 = arith.constant 0 : i32
    %dma_wait3A_227 = tpu.memref_slice %arg13[%dma_wait3A_225, %dma_wait3A_226] : memref<512x8xi32, #tpu.memory_space<vmem>> -> memref<128x8xi32, #tpu.memory_space<vmem>>
    %dma_wait3A_228 = arith.constant 384 : i32
    %dma_wait3A_229 = tpu.memref_slice %arg11[%dma_wait3A_228] : memref<512xi32, #tpu.memory_space<vmem>> -> memref<128xi32, #tpu.memory_space<vmem>>
    %dma_wait3A_230 = arith.constant 0 : i32
    %dma_wait3A_231 = arith.constant 0 : i32
    %dma_wait3A_232 = tpu.memref_slice %arg4[%dma_wait3A_230, %dma_wait3A_231] : memref<1000000x8xi32, #tpu.memory_space<hbm>> -> memref<1000000x8xi32, #tpu.memory_space<hbm>>
    tpu.wait_indirect_dma semaphore(%arg17 : memref<!tpu.dma_semaphore, #tpu.memory_space<semaphore_mem>>) src(%dma_wait3A_232 : memref<1000000x8xi32, #tpu.memory_space<hbm>>) dst(%dma_wait3A_227 : memref<128x8xi32, #tpu.memory_space<vmem>>)
    %dma_wait3A_233 = arith.constant 384 : i32
    %dma_wait3A_234 = arith.constant 0 : i32
    %dma_wait3A_235 = tpu.memref_slice %arg14[%dma_wait3A_233, %dma_wait3A_234] : memref<512x8xi32, #tpu.memory_space<vmem>> -> memref<128x8xi32, #tpu.memory_space<vmem>>
    %dma_wait3A_236 = arith.constant 384 : i32
    %dma_wait3A_237 = tpu.memref_slice %arg11[%dma_wait3A_236] : memref<512xi32, #tpu.memory_space<vmem>> -> memref<128xi32, #tpu.memory_space<vmem>>
    %dma_wait3A_238 = arith.constant 0 : i32
    %dma_wait3A_239 = arith.constant 0 : i32
    %dma_wait3A_240 = tpu.memref_slice %arg5[%dma_wait3A_238, %dma_wait3A_239] : memref<1000000x8xi32, #tpu.memory_space<hbm>> -> memref<1000000x8xi32, #tpu.memory_space<hbm>>
    tpu.wait_indirect_dma semaphore(%arg17 : memref<!tpu.dma_semaphore, #tpu.memory_space<semaphore_mem>>) src(%dma_wait3A_240 : memref<1000000x8xi32, #tpu.memory_space<hbm>>) dst(%dma_wait3A_235 : memref<128x8xi32, #tpu.memory_space<vmem>>)
    %dma_wait3A_241 = arith.constant 384 : i32
    %dma_wait3A_242 = arith.constant 0 : i32
    %dma_wait3A_243 = tpu.memref_slice %arg16[%dma_wait3A_241, %dma_wait3A_242] : memref<512x16xf32, #tpu.memory_space<vmem>> -> memref<128x16xf32, #tpu.memory_space<vmem>>
    %dma_wait3A_244 = arith.constant 384 : i32
    %dma_wait3A_245 = tpu.memref_slice %arg11[%dma_wait3A_244] : memref<512xi32, #tpu.memory_space<vmem>> -> memref<128xi32, #tpu.memory_space<vmem>>
    %dma_wait3A_246 = arith.constant 0 : i32
    %dma_wait3A_247 = arith.constant 0 : i32
    %dma_wait3A_248 = tpu.memref_slice %arg6[%dma_wait3A_246, %dma_wait3A_247] : memref<1000000x16xf32, #tpu.memory_space<hbm>> -> memref<1000000x16xf32, #tpu.memory_space<hbm>>
    tpu.wait_indirect_dma semaphore(%arg17 : memref<!tpu.dma_semaphore, #tpu.memory_space<semaphore_mem>>) src(%dma_wait3A_248 : memref<1000000x16xf32, #tpu.memory_space<hbm>>) dst(%dma_wait3A_243 : memref<128x16xf32, #tpu.memory_space<vmem>>)
    %dma_wait3A_249 = arith.constant 384 : i32
    %dma_wait3A_250 = arith.constant 0 : i32
    %dma_wait3A_251 = tpu.memref_slice %arg15[%dma_wait3A_249, %dma_wait3A_250] : memref<512x16xf32, #tpu.memory_space<vmem>> -> memref<128x16xf32, #tpu.memory_space<vmem>>
    %dma_wait3A_252 = arith.constant 384 : i32
    %dma_wait3A_253 = tpu.memref_slice %arg12[%dma_wait3A_252] : memref<512xi32, #tpu.memory_space<vmem>> -> memref<128xi32, #tpu.memory_space<vmem>>
    %dma_wait3A_254 = arith.constant 0 : i32
    %dma_wait3A_255 = arith.constant 0 : i32
    %dma_wait3A_256 = tpu.memref_slice %arg7[%dma_wait3A_254, %dma_wait3A_255] : memref<100000x16xf32, #tpu.memory_space<hbm>> -> memref<100000x16xf32, #tpu.memory_space<hbm>>
    tpu.wait_indirect_dma semaphore(%arg17 : memref<!tpu.dma_semaphore, #tpu.memory_space<semaphore_mem>>) src(%dma_wait3A_256 : memref<100000x16xf32, #tpu.memory_space<hbm>>) dst(%dma_wait3A_251 : memref<128x16xf32, #tpu.memory_space<vmem>>)
    "tpu.region"() ({
      %run_scoped3A = tpu.sem_alloc : memref<!tpu.dma_semaphore, #tpu.memory_space<semaphore_mem>>
      %dma_start3A_257 = arith.constant 0 : i32
      %dma_start3A_258 = tpu.memref_slice %arg8[%mul3A_2, %dma_start3A_257] : memref<16384x128xf32, #tpu.memory_space<hbm>> -> memref<512x16xf32, #tpu.memory_space<hbm>>
      %dma_start3A_259 = arith.constant 0 : i32
      %dma_start3A_260 = tpu.memref_slice %arg8[%mul3A_2, %dma_start3A_259] : memref<16384x128xf32, #tpu.memory_space<hbm>> -> memref<512x16xf32, #tpu.memory_space<hbm>>
      tpu.enqueue_dma source(%arg15 : memref<512x16xf32, #tpu.memory_space<vmem>>) target(%dma_start3A_260 : memref<512x16xf32, #tpu.memory_space<hbm>>) target_semaphore(%run_scoped3A : memref<!tpu.dma_semaphore, #tpu.memory_space<semaphore_mem>>)
      %dma_wait3A_261 = arith.constant 0 : i32
      %dma_wait3A_262 = tpu.memref_slice %arg8[%mul3A_2, %dma_wait3A_261] : memref<16384x128xf32, #tpu.memory_space<hbm>> -> memref<512x16xf32, #tpu.memory_space<hbm>>
      %dma_wait3A_263 = arith.constant 0 : i32
      %dma_wait3A_264 = tpu.memref_slice %arg8[%mul3A_2, %dma_wait3A_263] : memref<16384x128xf32, #tpu.memory_space<hbm>> -> memref<512x16xf32, #tpu.memory_space<hbm>>
      tpu.wait_dma2 semaphore(%run_scoped3A : memref<!tpu.dma_semaphore, #tpu.memory_space<semaphore_mem>>) src(%arg15 : memref<512x16xf32, #tpu.memory_space<vmem>>) dst(%dma_wait3A_264 : memref<512x16xf32, #tpu.memory_space<hbm>>)
      tpu.yield
    }) : () -> ()
    "tpu.region"() ({
      %run_scoped3A = tpu.sem_alloc : memref<!tpu.dma_semaphore, #tpu.memory_space<semaphore_mem>>
      %dma_start3A_257 = arith.constant 16 : i32
      %dma_start3A_258 = tpu.memref_slice %arg8[%mul3A_2, %dma_start3A_257] : memref<16384x128xf32, #tpu.memory_space<hbm>> -> memref<512x16xf32, #tpu.memory_space<hbm>>
      %dma_start3A_259 = arith.constant 16 : i32
      %dma_start3A_260 = tpu.memref_slice %arg8[%mul3A_2, %dma_start3A_259] : memref<16384x128xf32, #tpu.memory_space<hbm>> -> memref<512x16xf32, #tpu.memory_space<hbm>>
      tpu.enqueue_dma source(%arg16 : memref<512x16xf32, #tpu.memory_space<vmem>>) target(%dma_start3A_260 : memref<512x16xf32, #tpu.memory_space<hbm>>) target_semaphore(%run_scoped3A : memref<!tpu.dma_semaphore, #tpu.memory_space<semaphore_mem>>)
      %dma_wait3A_261 = arith.constant 16 : i32
      %dma_wait3A_262 = tpu.memref_slice %arg8[%mul3A_2, %dma_wait3A_261] : memref<16384x128xf32, #tpu.memory_space<hbm>> -> memref<512x16xf32, #tpu.memory_space<hbm>>
      %dma_wait3A_263 = arith.constant 16 : i32
      %dma_wait3A_264 = tpu.memref_slice %arg8[%mul3A_2, %dma_wait3A_263] : memref<16384x128xf32, #tpu.memory_space<hbm>> -> memref<512x16xf32, #tpu.memory_space<hbm>>
      tpu.wait_dma2 semaphore(%run_scoped3A : memref<!tpu.dma_semaphore, #tpu.memory_space<semaphore_mem>>) src(%arg16 : memref<512x16xf32, #tpu.memory_space<vmem>>) dst(%dma_wait3A_264 : memref<512x16xf32, #tpu.memory_space<hbm>>)
      tpu.yield
    }) : () -> ()
    "tpu.region"() ({
      %run_scoped3A = tpu.sem_alloc : memref<!tpu.dma_semaphore, #tpu.memory_space<semaphore_mem>>
      %dma_start3A_257 = arith.constant 0 : i32
      %dma_start3A_258 = tpu.memref_slice %arg9[%mul3A_2, %dma_start3A_257] : memref<16384x8xi32, #tpu.memory_space<hbm>> -> memref<512x8xi32, #tpu.memory_space<hbm>>
      %dma_start3A_259 = arith.constant 0 : i32
      %dma_start3A_260 = tpu.memref_slice %arg9[%mul3A_2, %dma_start3A_259] : memref<16384x8xi32, #tpu.memory_space<hbm>> -> memref<512x8xi32, #tpu.memory_space<hbm>>
      tpu.enqueue_dma source(%arg13 : memref<512x8xi32, #tpu.memory_space<vmem>>) target(%dma_start3A_260 : memref<512x8xi32, #tpu.memory_space<hbm>>) target_semaphore(%run_scoped3A : memref<!tpu.dma_semaphore, #tpu.memory_space<semaphore_mem>>)
      %dma_wait3A_261 = arith.constant 0 : i32
      %dma_wait3A_262 = tpu.memref_slice %arg9[%mul3A_2, %dma_wait3A_261] : memref<16384x8xi32, #tpu.memory_space<hbm>> -> memref<512x8xi32, #tpu.memory_space<hbm>>
      %dma_wait3A_263 = arith.constant 0 : i32
      %dma_wait3A_264 = tpu.memref_slice %arg9[%mul3A_2, %dma_wait3A_263] : memref<16384x8xi32, #tpu.memory_space<hbm>> -> memref<512x8xi32, #tpu.memory_space<hbm>>
      tpu.wait_dma2 semaphore(%run_scoped3A : memref<!tpu.dma_semaphore, #tpu.memory_space<semaphore_mem>>) src(%arg13 : memref<512x8xi32, #tpu.memory_space<vmem>>) dst(%dma_wait3A_264 : memref<512x8xi32, #tpu.memory_space<hbm>>)
      tpu.yield
    }) : () -> ()
    "tpu.region"() ({
      %run_scoped3A = tpu.sem_alloc : memref<!tpu.dma_semaphore, #tpu.memory_space<semaphore_mem>>
      %dma_start3A_257 = arith.constant 0 : i32
      %dma_start3A_258 = tpu.memref_slice %arg10[%mul3A_2, %dma_start3A_257] : memref<16384x8xi32, #tpu.memory_space<hbm>> -> memref<512x8xi32, #tpu.memory_space<hbm>>
      %dma_start3A_259 = arith.constant 0 : i32
      %dma_start3A_260 = tpu.memref_slice %arg10[%mul3A_2, %dma_start3A_259] : memref<16384x8xi32, #tpu.memory_space<hbm>> -> memref<512x8xi32, #tpu.memory_space<hbm>>
      tpu.enqueue_dma source(%arg14 : memref<512x8xi32, #tpu.memory_space<vmem>>) target(%dma_start3A_260 : memref<512x8xi32, #tpu.memory_space<hbm>>) target_semaphore(%run_scoped3A : memref<!tpu.dma_semaphore, #tpu.memory_space<semaphore_mem>>)
      %dma_wait3A_261 = arith.constant 0 : i32
      %dma_wait3A_262 = tpu.memref_slice %arg10[%mul3A_2, %dma_wait3A_261] : memref<16384x8xi32, #tpu.memory_space<hbm>> -> memref<512x8xi32, #tpu.memory_space<hbm>>
      %dma_wait3A_263 = arith.constant 0 : i32
      %dma_wait3A_264 = tpu.memref_slice %arg10[%mul3A_2, %dma_wait3A_263] : memref<16384x8xi32, #tpu.memory_space<hbm>> -> memref<512x8xi32, #tpu.memory_space<hbm>>
      tpu.wait_dma2 semaphore(%run_scoped3A : memref<!tpu.dma_semaphore, #tpu.memory_space<semaphore_mem>>) src(%arg14 : memref<512x8xi32, #tpu.memory_space<vmem>>) dst(%dma_wait3A_264 : memref<512x8xi32, #tpu.memory_space<hbm>>)
      tpu.yield
    }) : () -> ()
    return
  }
}

module attributes {stable_mosaic.version = 14 : i64} {
  func.func @_l2_body(%arg0: i32, %arg1: memref<8000x16xf32, #tpu.memory_space<vmem>>, %arg2: memref<800x16xf32, #tpu.memory_space<vmem>>, %arg3: memref<64x16xf32, #tpu.memory_space<vmem>>, %arg4: memref<1x1xf32, #tpu.memory_space<smem>>, %arg5: memref<16x16xf32, #tpu.memory_space<vmem>>) attributes {dimension_semantics = [#tpu.dimension_semantics<arbitrary>], iteration_bounds = array<i64: 125>, scalar_prefetch = 0 : i64, scratch_operands = 1 : i64, tpu.core_type = #tpu.core_type<tc>, window_params = [{transform_indices = @transform_0, window_bounds = array<i64: 8000, 16>}, {transform_indices = @transform_1, window_bounds = array<i64: 800, 16>}, {pipeline_mode = #tpu.pipeline_mode<synchronous>, transform_indices = @transform_2, window_bounds = array<i64: 64, 16>}, {transform_indices = @transform_3, window_bounds = array<i64: 1, 1>}]} {
    %eq3A = arith.constant 0 : i32
    %eq3A_0 = arith.cmpi eq, %arg0, %eq3A : i32
    %convert_element_type3A = arith.extui %eq3A_0 : i1 to i32
    %cond3A = arith.constant 0 : i32
    %cond3A_1 = arith.cmpi ne, %convert_element_type3A, %cond3A : i32
    scf.if %cond3A_1 {
      %broadcast_in_dim3A = arith.constant 0.000000e+00 : f32
      %broadcast_in_dim3A_23 = vector.broadcast %broadcast_in_dim3A : f32 to vector<16x16xf32>
      %swap3A_24 = arith.constant 0 : index
      %swap3A_25 = arith.constant 0 : index
      %swap3A_26 = vector.load %arg5[%swap3A_24, %swap3A_25] : memref<16x16xf32, #tpu.memory_space<vmem>>, vector<16x16xf32>
      tpu.vector_store %arg5[%swap3A_24, %swap3A_25], %broadcast_in_dim3A_23 {strides = array<i32>} : memref<16x16xf32, #tpu.memory_space<vmem>>, vector<16x16xf32>,
    } else {
    }
    %get3A = arith.constant 0 : index
    %get3A_2 = arith.constant 0 : index
    %get3A_3 = vector.load %arg1[%get3A, %get3A_2] : memref<8000x16xf32, #tpu.memory_space<vmem>>, vector<8000x16xf32>
    %convert_element_type3A_4 = arith.truncf %get3A_3 : vector<8000x16xf32> to vector<8000x16xbf16>
    %get3A_5 = arith.constant 0 : index
    %get3A_6 = arith.constant 0 : index
    %get3A_7 = vector.load %arg2[%get3A_5, %get3A_6] : memref<800x16xf32, #tpu.memory_space<vmem>>, vector<800x16xf32>
    %convert_element_type3A_8 = arith.truncf %get3A_7 : vector<800x16xf32> to vector<800x16xbf16>
    %get3A_9 = arith.constant 0 : index
    %get3A_10 = arith.constant 0 : index
    %get3A_11 = vector.load %arg5[%get3A_9, %get3A_10] : memref<16x16xf32, #tpu.memory_space<vmem>>, vector<16x16xf32>
    %dot_general3A = arith.constant dense<0.000000e+00> : vector<16x16xf32>
    %dot_general3A_12 = tpu.matmul %convert_element_type3A_4, %convert_element_type3A_4, %dot_general3A {dimension_numbers = #tpu.dot_dimension_numbers<[0], [0], [1], [1], [0, 1, 1, 1], [], []>, transpose_lhs_hint = false} : vector<8000x16xbf16>, vector<8000x16xbf16>, vector<16x16xf32> -> vector<16x16xf32>
    %dot_general3A_13 = arith.constant dense<0.000000e+00> : vector<16x16xf32>
    %dot_general3A_14 = tpu.matmul %convert_element_type3A_8, %convert_element_type3A_8, %dot_general3A_13 {dimension_numbers = #tpu.dot_dimension_numbers<[0], [0], [1], [1], [0, 1, 1, 1], [], []>, transpose_lhs_hint = false} : vector<800x16xbf16>, vector<800x16xbf16>, vector<16x16xf32> -> vector<16x16xf32>
    %add3A = arith.addf %dot_general3A_12, %dot_general3A_14 : vector<16x16xf32>
    %add3A_15 = arith.addf %get3A_11, %add3A : vector<16x16xf32>
    %swap3A = arith.constant 0 : index
    %swap3A_16 = arith.constant 0 : index
    %swap3A_17 = vector.load %arg5[%swap3A, %swap3A_16] : memref<16x16xf32, #tpu.memory_space<vmem>>, vector<16x16xf32>
    tpu.vector_store %arg5[%swap3A, %swap3A_16], %add3A_15 {strides = array<i32>} : memref<16x16xf32, #tpu.memory_space<vmem>>, vector<16x16xf32>,
    %eq3A_18 = arith.constant 124 : i32
    %eq3A_19 = arith.cmpi eq, %arg0, %eq3A_18 : i32
    %convert_element_type3A_20 = arith.extui %eq3A_19 : i1 to i32
    %cond3A_21 = arith.constant 0 : i32
    %cond3A_22 = arith.cmpi ne, %convert_element_type3A_20, %cond3A_21 : i32
    scf.if %cond3A_22 {
      %get3A_23 = arith.constant 0 : index
      %get3A_24 = arith.constant 0 : index
      %get3A_25 = vector.load %arg3[%get3A_23, %get3A_24] : memref<64x16xf32, #tpu.memory_space<vmem>>, vector<64x16xf32>
      %get3A_26 = arith.constant 0 : index
      %get3A_27 = arith.constant 0 : index
      %get3A_28 = vector.load %arg5[%get3A_26, %get3A_27] : memref<16x16xf32, #tpu.memory_space<vmem>>, vector<16x16xf32>
      %dot_general3A_29 = arith.constant dense<0.000000e+00> : vector<16x16xf32>
      %dot_general3A_30 = tpu.matmul %get3A_25, %get3A_25, %dot_general3A_29 {dimension_numbers = #tpu.dot_dimension_numbers<[0], [0], [1], [1], [0, 1, 1, 1], [], []>, transpose_lhs_hint = false} : vector<64x16xf32>, vector<64x16xf32>, vector<16x16xf32> -> vector<16x16xf32>
      %add3A_31 = arith.addf %get3A_28, %dot_general3A_30 : vector<16x16xf32>
      %iota3A = tpu.iota {dimensions = array<i32: 0>} : vector<16x16xi32>
      %iota3A_32 = tpu.iota {dimensions = array<i32: 1>} : vector<16x16xi32>
      %eq3A_33 = arith.cmpi eq, %iota3A, %iota3A_32 : vector<16x16xi32>
      %jit3A = arith.constant 0.000000e+00 : f32
      %broadcast_in_dim3A = vector.broadcast %jit3A : f32 to vector<16x16xf32>
      %select_n3A = arith.select %eq3A_33, %add3A_31, %broadcast_in_dim3A : vector<16x16xi1>, vector<16x16xf32>
      %reduce_sum3A = vector.shape_cast %select_n3A : vector<16x16xf32> to vector<1x16x16xf32>
      %reduce_sum3A_34 = arith.constant dense<0.000000e+00> : vector<1xf32>
      %reduce_sum3A_35 = vector.multi_reduction <add>, %reduce_sum3A, %reduce_sum3A_34 [1, 2] : vector<1x16x16xf32> to vector<1xf32>
      %reduce_sum3A_36 = vector.shape_cast %reduce_sum3A_35 : vector<1xf32> to vector<1x1x1xf32>
      %reduce_sum3A_37 = vector.extract %reduce_sum3A_36[0, 0, 0] : f32 from vector<1x1x1xf32>
      %mul3A = arith.constant 5.000000e-01 : f32
      %mul3A_38 = arith.mulf %mul3A, %reduce_sum3A_37 : f32
      %swap3A_39 = arith.constant 0 : index
      %swap3A_40 = arith.constant 0 : index
      %swap3A_41 = memref.load %arg4[%swap3A_39, %swap3A_40] : memref<1x1xf32, #tpu.memory_space<smem>>
      memref.store %mul3A_38, %arg4[%swap3A_39, %swap3A_40] : memref<1x1xf32, #tpu.memory_space<smem>>
    } else {
    }
    return
  }
  func.func @transform_0(%arg0: i32) -> (i32, i32) {
    %c0_i32 = arith.constant 0 : i32
    %c0_i32_0 = arith.constant 0 : i32
    return %arg0, %c0_i32 : i32, i32
  }
  func.func @transform_1(%arg0: i32) -> (i32, i32) {
    %c0_i32 = arith.constant 0 : i32
    %c0_i32_0 = arith.constant 0 : i32
    return %arg0, %c0_i32 : i32, i32
  }
  func.func @transform_2(%arg0: i32) -> (i32, i32) {
    %c0_i32 = arith.constant 0 : i32
    %c0_i32_0 = arith.constant 0 : i32
    %c0_i32_1 = arith.constant 0 : i32
    return %c0_i32, %c0_i32_0 : i32, i32
  }
  func.func @transform_3(%arg0: i32) -> (i32, i32) {
    %c0_i32 = arith.constant 0 : i32
    %c0_i32_0 = arith.constant 0 : i32
    %c0_i32_1 = arith.constant 0 : i32
    return %c0_i32, %c0_i32_0 : i32, i32
  }
}

module attributes {stable_mosaic.version = 14 : i64} {
  func.func @_batch_body(%arg0: i32, %arg1: memref<1024x128xf32, #tpu.memory_space<vmem>>, %arg2: memref<1024x128xf32, #tpu.memory_space<vmem>>, %arg3: memref<1024x8xi32, #tpu.memory_space<vmem>>, %arg4: memref<64x16xf32, #tpu.memory_space<vmem>>, %arg5: memref<1024xf32, #tpu.memory_space<vmem>>, %arg6: memref<16x16xf32, #tpu.memory_space<vmem>>, %arg7: memref<1x16xf32, #tpu.memory_space<vmem>>, %arg8: memref<1x1xf32, #tpu.memory_space<smem>>, %arg9: memref<1024xf32, #tpu.memory_space<vmem>>) attributes {dimension_semantics = [#tpu.dimension_semantics<arbitrary>], iteration_bounds = array<i64: 16>, scalar_prefetch = 0 : i64, scratch_operands = 1 : i64, tpu.core_type = #tpu.core_type<tc>, window_params = [{transform_indices = @transform_0, window_bounds = array<i64: 1024, 128>}, {transform_indices = @transform_1, window_bounds = array<i64: 1024, 128>}, {transform_indices = @transform_2, window_bounds = array<i64: 1024, 8>}, {pipeline_mode = #tpu.pipeline_mode<synchronous>, transform_indices = @transform_3, window_bounds = array<i64: 64, 16>}, {transform_indices = @transform_4, window_bounds = array<i64: 1024>}, {pipeline_mode = #tpu.pipeline_mode<synchronous>, transform_indices = @transform_5, window_bounds = array<i64: 16, 16>}, {pipeline_mode = #tpu.pipeline_mode<synchronous>, transform_indices = @transform_6, window_bounds = array<i64: 1, 16>}, {transform_indices = @transform_7, window_bounds = array<i64: 1, 1>}]} {
    %eq3A = arith.constant 0 : i32
    %eq3A_0 = arith.cmpi eq, %arg0, %eq3A : i32
    %convert_element_type3A = arith.extui %eq3A_0 : i1 to i32
    %cond3A = arith.constant 0 : i32
    %cond3A_1 = arith.cmpi ne, %convert_element_type3A, %cond3A : i32
    scf.if %cond3A_1 {
      %broadcast_in_dim3A_187 = arith.constant 0.000000e+00 : f32
      %broadcast_in_dim3A_188 = vector.broadcast %broadcast_in_dim3A_187 : f32 to vector<1024xf32>
      %swap3A_189 = arith.constant 0 : index
      %swap3A_190 = vector.load %arg9[%swap3A_189] : memref<1024xf32, #tpu.memory_space<vmem>>, vector<1024xf32>
      tpu.vector_store %arg9[%swap3A_189], %broadcast_in_dim3A_188 {strides = array<i32>} : memref<1024xf32, #tpu.memory_space<vmem>>, vector<1024xf32>,
    } else {
    }
    %get3A = arith.constant 0 : index
    %get3A_2 = arith.constant 0 : index
    %get3A_3 = vector.load %arg1[%get3A, %get3A_2] : memref<1024x128xf32, #tpu.memory_space<vmem>>, vector<1024x128xf32>
    %slice3A = vector.extract_strided_slice %get3A_3 {offsets = [0, 0], sizes = [1024, 16], strides = [1, 1]} : vector<1024x128xf32> to vector<1024x16xf32>
    %slice3A_4 = vector.extract_strided_slice %get3A_3 {offsets = [0, 16], sizes = [1024, 16], strides = [1, 1]} : vector<1024x128xf32> to vector<1024x16xf32>
    %get3A_5 = arith.constant 0 : index
    %get3A_6 = arith.constant 0 : index
    %get3A_7 = vector.load %arg2[%get3A_5, %get3A_6] : memref<1024x128xf32, #tpu.memory_space<vmem>>, vector<1024x128xf32>
    %get3A_8 = arith.constant 0 : index
    %get3A_9 = arith.constant 0 : index
    %get3A_10 = vector.load %arg4[%get3A_8, %get3A_9] : memref<64x16xf32, #tpu.memory_space<vmem>>, vector<64x16xf32>
    %dot_general3A = arith.constant dense<0.000000e+00> : vector<1024x64xf32>
    %dot_general3A_11 = tpu.matmul %slice3A, %get3A_10, %dot_general3A {dimension_numbers = #tpu.dot_dimension_numbers<[1], [1], [0], [0], [0, 0, 1, 0], [], []>, transpose_lhs_hint = false} : vector<1024x16xf32>, vector<64x16xf32>, vector<1024x64xf32> -> vector<1024x64xf32>
    %get3A_12 = arith.constant 0 : index
    %get3A_13 = arith.constant 0 : index
    %get3A_14 = vector.load %arg3[%get3A_12, %get3A_13] : memref<1024x8xi32, #tpu.memory_space<vmem>>, vector<1024x8xi32>
    %slice3A_15 = vector.extract_strided_slice %get3A_14 {offsets = [0, 0], sizes = [1024, 1], strides = [1, 1]} : vector<1024x8xi32> to vector<1024x1xi32>
    %iota3A = tpu.iota {dimensions = array<i32: 1>} : vector<1024x64xi32>
    %eq3A_16 = vector.broadcast %slice3A_15 : vector<1024x1xi32> to vector<1024x64xi32>
    %eq3A_17 = arith.cmpi eq, %eq3A_16, %iota3A : vector<1024x64xi32>
    %jit3A = arith.constant 0.000000e+00 : f32
    %broadcast_in_dim3A = vector.broadcast %jit3A : f32 to vector<1024x64xf32>
    %select_n3A = arith.select %eq3A_17, %dot_general3A_11, %broadcast_in_dim3A : vector<1024x64xi1>, vector<1024x64xf32>
    %reduce_sum3A = arith.constant dense<0.000000e+00> : vector<1024xf32>
    %reduce_sum3A_18 = vector.multi_reduction <add>, %select_n3A, %reduce_sum3A [1] : vector<1024x64xf32> to vector<1024xf32>
    %broadcast_in_dim3A_19 = vector.shape_cast %reduce_sum3A_18 : vector<1024xf32> to vector<1024x1xf32>
    %slice3A_20 = vector.extract_strided_slice %get3A_14 {offsets = [0, 1], sizes = [1024, 1], strides = [1, 1]} : vector<1024x8xi32> to vector<1024x1xi32>
    %iota3A_21 = tpu.iota {dimensions = array<i32: 1>} : vector<1024x64xi32>
    %eq3A_22 = vector.broadcast %slice3A_20 : vector<1024x1xi32> to vector<1024x64xi32>
    %eq3A_23 = arith.cmpi eq, %eq3A_22, %iota3A_21 : vector<1024x64xi32>
    %jit3A_24 = arith.constant 0.000000e+00 : f32
    %broadcast_in_dim3A_25 = vector.broadcast %jit3A_24 : f32 to vector<1024x64xf32>
    %select_n3A_26 = arith.select %eq3A_23, %dot_general3A_11, %broadcast_in_dim3A_25 : vector<1024x64xi1>, vector<1024x64xf32>
    %reduce_sum3A_27 = arith.constant dense<0.000000e+00> : vector<1024xf32>
    %reduce_sum3A_28 = vector.multi_reduction <add>, %select_n3A_26, %reduce_sum3A_27 [1] : vector<1024x64xf32> to vector<1024xf32>
    %broadcast_in_dim3A_29 = vector.shape_cast %reduce_sum3A_28 : vector<1024xf32> to vector<1024x1xf32>
    %slice3A_30 = vector.extract_strided_slice %get3A_14 {offsets = [0, 2], sizes = [1024, 1], strides = [1, 1]} : vector<1024x8xi32> to vector<1024x1xi32>
    %iota3A_31 = tpu.iota {dimensions = array<i32: 1>} : vector<1024x64xi32>
    %eq3A_32 = vector.broadcast %slice3A_30 : vector<1024x1xi32> to vector<1024x64xi32>
    %eq3A_33 = arith.cmpi eq, %eq3A_32, %iota3A_31 : vector<1024x64xi32>
    %jit3A_34 = arith.constant 0.000000e+00 : f32
    %broadcast_in_dim3A_35 = vector.broadcast %jit3A_34 : f32 to vector<1024x64xf32>
    %select_n3A_36 = arith.select %eq3A_33, %dot_general3A_11, %broadcast_in_dim3A_35 : vector<1024x64xi1>, vector<1024x64xf32>
    %reduce_sum3A_37 = arith.constant dense<0.000000e+00> : vector<1024xf32>
    %reduce_sum3A_38 = vector.multi_reduction <add>, %select_n3A_36, %reduce_sum3A_37 [1] : vector<1024x64xf32> to vector<1024xf32>
    %broadcast_in_dim3A_39 = vector.shape_cast %reduce_sum3A_38 : vector<1024xf32> to vector<1024x1xf32>
    %slice3A_40 = vector.extract_strided_slice %get3A_14 {offsets = [0, 3], sizes = [1024, 1], strides = [1, 1]} : vector<1024x8xi32> to vector<1024x1xi32>
    %iota3A_41 = tpu.iota {dimensions = array<i32: 1>} : vector<1024x64xi32>
    %eq3A_42 = vector.broadcast %slice3A_40 : vector<1024x1xi32> to vector<1024x64xi32>
    %eq3A_43 = arith.cmpi eq, %eq3A_42, %iota3A_41 : vector<1024x64xi32>
    %jit3A_44 = arith.constant 0.000000e+00 : f32
    %broadcast_in_dim3A_45 = vector.broadcast %jit3A_44 : f32 to vector<1024x64xf32>
    %select_n3A_46 = arith.select %eq3A_43, %dot_general3A_11, %broadcast_in_dim3A_45 : vector<1024x64xi1>, vector<1024x64xf32>
    %reduce_sum3A_47 = arith.constant dense<0.000000e+00> : vector<1024xf32>
    %reduce_sum3A_48 = vector.multi_reduction <add>, %select_n3A_46, %reduce_sum3A_47 [1] : vector<1024x64xf32> to vector<1024xf32>
    %broadcast_in_dim3A_49 = vector.shape_cast %reduce_sum3A_48 : vector<1024xf32> to vector<1024x1xf32>
    %slice3A_50 = vector.extract_strided_slice %get3A_14 {offsets = [0, 4], sizes = [1024, 1], strides = [1, 1]} : vector<1024x8xi32> to vector<1024x1xi32>
    %iota3A_51 = tpu.iota {dimensions = array<i32: 1>} : vector<1024x64xi32>
    %eq3A_52 = vector.broadcast %slice3A_50 : vector<1024x1xi32> to vector<1024x64xi32>
    %eq3A_53 = arith.cmpi eq, %eq3A_52, %iota3A_51 : vector<1024x64xi32>
    %jit3A_54 = arith.constant 0.000000e+00 : f32
    %broadcast_in_dim3A_55 = vector.broadcast %jit3A_54 : f32 to vector<1024x64xf32>
    %select_n3A_56 = arith.select %eq3A_53, %dot_general3A_11, %broadcast_in_dim3A_55 : vector<1024x64xi1>, vector<1024x64xf32>
    %reduce_sum3A_57 = arith.constant dense<0.000000e+00> : vector<1024xf32>
    %reduce_sum3A_58 = vector.multi_reduction <add>, %select_n3A_56, %reduce_sum3A_57 [1] : vector<1024x64xf32> to vector<1024xf32>
    %broadcast_in_dim3A_59 = vector.shape_cast %reduce_sum3A_58 : vector<1024xf32> to vector<1024x1xf32>
    %slice3A_60 = vector.extract_strided_slice %get3A_14 {offsets = [0, 5], sizes = [1024, 1], strides = [1, 1]} : vector<1024x8xi32> to vector<1024x1xi32>
    %iota3A_61 = tpu.iota {dimensions = array<i32: 1>} : vector<1024x64xi32>
    %eq3A_62 = vector.broadcast %slice3A_60 : vector<1024x1xi32> to vector<1024x64xi32>
    %eq3A_63 = arith.cmpi eq, %eq3A_62, %iota3A_61 : vector<1024x64xi32>
    %jit3A_64 = arith.constant 0.000000e+00 : f32
    %broadcast_in_dim3A_65 = vector.broadcast %jit3A_64 : f32 to vector<1024x64xf32>
    %select_n3A_66 = arith.select %eq3A_63, %dot_general3A_11, %broadcast_in_dim3A_65 : vector<1024x64xi1>, vector<1024x64xf32>
    %reduce_sum3A_67 = arith.constant dense<0.000000e+00> : vector<1024xf32>
    %reduce_sum3A_68 = vector.multi_reduction <add>, %select_n3A_66, %reduce_sum3A_67 [1] : vector<1024x64xf32> to vector<1024xf32>
    %broadcast_in_dim3A_69 = vector.shape_cast %reduce_sum3A_68 : vector<1024xf32> to vector<1024x1xf32>
    %slice3A_70 = vector.extract_strided_slice %get3A_14 {offsets = [0, 6], sizes = [1024, 1], strides = [1, 1]} : vector<1024x8xi32> to vector<1024x1xi32>
    %iota3A_71 = tpu.iota {dimensions = array<i32: 1>} : vector<1024x64xi32>
    %eq3A_72 = vector.broadcast %slice3A_70 : vector<1024x1xi32> to vector<1024x64xi32>
    %eq3A_73 = arith.cmpi eq, %eq3A_72, %iota3A_71 : vector<1024x64xi32>
    %jit3A_74 = arith.constant 0.000000e+00 : f32
    %broadcast_in_dim3A_75 = vector.broadcast %jit3A_74 : f32 to vector<1024x64xf32>
    %select_n3A_76 = arith.select %eq3A_73, %dot_general3A_11, %broadcast_in_dim3A_75 : vector<1024x64xi1>, vector<1024x64xf32>
    %reduce_sum3A_77 = arith.constant dense<0.000000e+00> : vector<1024xf32>
    %reduce_sum3A_78 = vector.multi_reduction <add>, %select_n3A_76, %reduce_sum3A_77 [1] : vector<1024x64xf32> to vector<1024xf32>
    %broadcast_in_dim3A_79 = vector.shape_cast %reduce_sum3A_78 : vector<1024xf32> to vector<1024x1xf32>
    %slice3A_80 = vector.extract_strided_slice %get3A_14 {offsets = [0, 7], sizes = [1024, 1], strides = [1, 1]} : vector<1024x8xi32> to vector<1024x1xi32>
    %iota3A_81 = tpu.iota {dimensions = array<i32: 1>} : vector<1024x64xi32>
    %eq3A_82 = vector.broadcast %slice3A_80 : vector<1024x1xi32> to vector<1024x64xi32>
    %eq3A_83 = arith.cmpi eq, %eq3A_82, %iota3A_81 : vector<1024x64xi32>
    %jit3A_84 = arith.constant 0.000000e+00 : f32
    %broadcast_in_dim3A_85 = vector.broadcast %jit3A_84 : f32 to vector<1024x64xf32>
    %select_n3A_86 = arith.select %eq3A_83, %dot_general3A_11, %broadcast_in_dim3A_85 : vector<1024x64xi1>, vector<1024x64xf32>
    %reduce_sum3A_87 = arith.constant dense<0.000000e+00> : vector<1024xf32>
    %reduce_sum3A_88 = vector.multi_reduction <add>, %select_n3A_86, %reduce_sum3A_87 [1] : vector<1024x64xf32> to vector<1024xf32>
    %broadcast_in_dim3A_89 = vector.shape_cast %reduce_sum3A_88 : vector<1024xf32> to vector<1024x1xf32>
    %concatenate3A = tpu.concatenate %broadcast_in_dim3A_19, %broadcast_in_dim3A_29, %broadcast_in_dim3A_39, %broadcast_in_dim3A_49, %broadcast_in_dim3A_59, %broadcast_in_dim3A_69, %broadcast_in_dim3A_79, %broadcast_in_dim3A_89 in 1 : vector<1024x1xf32>, vector<1024x1xf32>, vector<1024x1xf32>, vector<1024x1xf32>, vector<1024x1xf32>, vector<1024x1xf32>, vector<1024x1xf32>, vector<1024x1xf32> -> vector<1024x8xf32>
    %mul3A = arith.constant 6.250000e-02 : f32
    %mul3A_90 = vector.broadcast %mul3A : f32 to vector<1024x8xf32>
    %mul3A_91 = arith.mulf %concatenate3A, %mul3A_90 : vector<1024x8xf32>
    %reduce_max3A = arith.constant dense<0xFF800000> : vector<1024xf32>
    %reduce_max3A_92 = vector.multi_reduction <maximumf>, %mul3A_91, %reduce_max3A [1] : vector<1024x8xf32> to vector<1024xf32>
    %broadcast_in_dim3A_93 = vector.shape_cast %reduce_max3A_92 : vector<1024xf32> to vector<1024x1xf32>
    %sub3A = vector.broadcast %broadcast_in_dim3A_93 : vector<1024x1xf32> to vector<1024x8xf32>
    %sub3A_94 = arith.subf %mul3A_91, %sub3A : vector<1024x8xf32>
    %exp3A = math.exp %sub3A_94 : vector<1024x8xf32>
    %reduce_sum3A_95 = arith.constant dense<0.000000e+00> : vector<1024xf32>
    %reduce_sum3A_96 = vector.multi_reduction <add>, %exp3A, %reduce_sum3A_95 [1] : vector<1024x8xf32> to vector<1024xf32>
    %broadcast_in_dim3A_97 = vector.shape_cast %reduce_sum3A_96 : vector<1024xf32> to vector<1024x1xf32>
    %div3A = vector.broadcast %broadcast_in_dim3A_97 : vector<1024x1xf32> to vector<1024x8xf32>
    %div3A_98 = arith.divf %exp3A, %div3A : vector<1024x8xf32>
    %slice3A_99 = vector.extract_strided_slice %div3A_98 {offsets = [0, 0], sizes = [1024, 1], strides = [1, 1]} : vector<1024x8xf32> to vector<1024x1xf32>
    %slice3A_100 = vector.extract_strided_slice %get3A_7 {offsets = [0, 0], sizes = [1024, 16], strides = [1, 1]} : vector<1024x128xf32> to vector<1024x16xf32>
    %mul3A_101 = vector.broadcast %slice3A_99 : vector<1024x1xf32> to vector<1024x16xf32>
    %mul3A_102 = arith.mulf %mul3A_101, %slice3A_100 : vector<1024x16xf32>
    %add3A = arith.addf %slice3A_4, %mul3A_102 : vector<1024x16xf32>
    %slice3A_103 = vector.extract_strided_slice %div3A_98 {offsets = [0, 1], sizes = [1024, 1], strides = [1, 1]} : vector<1024x8xf32> to vector<1024x1xf32>
    %slice3A_104 = vector.extract_strided_slice %get3A_7 {offsets = [0, 16], sizes = [1024, 16], strides = [1, 1]} : vector<1024x128xf32> to vector<1024x16xf32>
    %mul3A_105 = vector.broadcast %slice3A_103 : vector<1024x1xf32> to vector<1024x16xf32>
    %mul3A_106 = arith.mulf %mul3A_105, %slice3A_104 : vector<1024x16xf32>
    %add3A_107 = arith.addf %add3A, %mul3A_106 : vector<1024x16xf32>
    %slice3A_108 = vector.extract_strided_slice %div3A_98 {offsets = [0, 2], sizes = [1024, 1], strides = [1, 1]} : vector<1024x8xf32> to vector<1024x1xf32>
    %slice3A_109 = vector.extract_strided_slice %get3A_7 {offsets = [0, 32], sizes = [1024, 16], strides = [1, 1]} : vector<1024x128xf32> to vector<1024x16xf32>
    %mul3A_110 = vector.broadcast %slice3A_108 : vector<1024x1xf32> to vector<1024x16xf32>
    %mul3A_111 = arith.mulf %mul3A_110, %slice3A_109 : vector<1024x16xf32>
    %add3A_112 = arith.addf %add3A_107, %mul3A_111 : vector<1024x16xf32>
    %slice3A_113 = vector.extract_strided_slice %div3A_98 {offsets = [0, 3], sizes = [1024, 1], strides = [1, 1]} : vector<1024x8xf32> to vector<1024x1xf32>
    %slice3A_114 = vector.extract_strided_slice %get3A_7 {offsets = [0, 48], sizes = [1024, 16], strides = [1, 1]} : vector<1024x128xf32> to vector<1024x16xf32>
    %mul3A_115 = vector.broadcast %slice3A_113 : vector<1024x1xf32> to vector<1024x16xf32>
    %mul3A_116 = arith.mulf %mul3A_115, %slice3A_114 : vector<1024x16xf32>
    %add3A_117 = arith.addf %add3A_112, %mul3A_116 : vector<1024x16xf32>
    %slice3A_118 = vector.extract_strided_slice %div3A_98 {offsets = [0, 4], sizes = [1024, 1], strides = [1, 1]} : vector<1024x8xf32> to vector<1024x1xf32>
    %slice3A_119 = vector.extract_strided_slice %get3A_7 {offsets = [0, 64], sizes = [1024, 16], strides = [1, 1]} : vector<1024x128xf32> to vector<1024x16xf32>
    %mul3A_120 = vector.broadcast %slice3A_118 : vector<1024x1xf32> to vector<1024x16xf32>
    %mul3A_121 = arith.mulf %mul3A_120, %slice3A_119 : vector<1024x16xf32>
    %add3A_122 = arith.addf %add3A_117, %mul3A_121 : vector<1024x16xf32>
    %slice3A_123 = vector.extract_strided_slice %div3A_98 {offsets = [0, 5], sizes = [1024, 1], strides = [1, 1]} : vector<1024x8xf32> to vector<1024x1xf32>
    %slice3A_124 = vector.extract_strided_slice %get3A_7 {offsets = [0, 80], sizes = [1024, 16], strides = [1, 1]} : vector<1024x128xf32> to vector<1024x16xf32>
    %mul3A_125 = vector.broadcast %slice3A_123 : vector<1024x1xf32> to vector<1024x16xf32>
    %mul3A_126 = arith.mulf %mul3A_125, %slice3A_124 : vector<1024x16xf32>
    %add3A_127 = arith.addf %add3A_122, %mul3A_126 : vector<1024x16xf32>
    %slice3A_128 = vector.extract_strided_slice %div3A_98 {offsets = [0, 6], sizes = [1024, 1], strides = [1, 1]} : vector<1024x8xf32> to vector<1024x1xf32>
    %slice3A_129 = vector.extract_strided_slice %get3A_7 {offsets = [0, 96], sizes = [1024, 16], strides = [1, 1]} : vector<1024x128xf32> to vector<1024x16xf32>
    %mul3A_130 = vector.broadcast %slice3A_128 : vector<1024x1xf32> to vector<1024x16xf32>
    %mul3A_131 = arith.mulf %mul3A_130, %slice3A_129 : vector<1024x16xf32>
    %add3A_132 = arith.addf %add3A_127, %mul3A_131 : vector<1024x16xf32>
    %slice3A_133 = vector.extract_strided_slice %div3A_98 {offsets = [0, 7], sizes = [1024, 1], strides = [1, 1]} : vector<1024x8xf32> to vector<1024x1xf32>
    %slice3A_134 = vector.extract_strided_slice %get3A_7 {offsets = [0, 112], sizes = [1024, 16], strides = [1, 1]} : vector<1024x128xf32> to vector<1024x16xf32>
    %mul3A_135 = vector.broadcast %slice3A_133 : vector<1024x1xf32> to vector<1024x16xf32>
    %mul3A_136 = arith.mulf %mul3A_135, %slice3A_134 : vector<1024x16xf32>
    %add3A_137 = arith.addf %add3A_132, %mul3A_136 : vector<1024x16xf32>
    %get3A_138 = arith.constant 0 : index
    %get3A_139 = arith.constant 0 : index
    %get3A_140 = vector.load %arg6[%get3A_138, %get3A_139] : memref<16x16xf32, #tpu.memory_space<vmem>>, vector<16x16xf32>
    %dot_general3A_141 = arith.constant dense<0.000000e+00> : vector<1024x16xf32>
    %dot_general3A_142 = tpu.matmul %add3A_137, %get3A_140, %dot_general3A_141 {dimension_numbers = #tpu.dot_dimension_numbers<[1], [1], [0], [0], [0, 0, 1, 0], [], []>, transpose_lhs_hint = false} : vector<1024x16xf32>, vector<16x16xf32>, vector<1024x16xf32> -> vector<1024x16xf32>
    %get3A_143 = arith.constant 0 : index
    %get3A_144 = arith.constant 0 : index
    %get3A_145 = vector.load %arg7[%get3A_143, %get3A_144] : memref<1x16xf32, #tpu.memory_space<vmem>>, vector<1x16xf32>
    %add3A_146 = vector.broadcast %get3A_145 : vector<1x16xf32> to vector<1024x16xf32>
    %add3A_147 = arith.addf %dot_general3A_142, %add3A_146 : vector<1024x16xf32>
    %tanh3A = math.tanh %add3A_147 : vector<1024x16xf32>
    %mul3A_148 = arith.mulf %slice3A, %tanh3A : vector<1024x16xf32>
    %reduce_sum3A_149 = arith.constant dense<0.000000e+00> : vector<1024xf32>
    %reduce_sum3A_150 = vector.multi_reduction <add>, %mul3A_148, %reduce_sum3A_149 [1] : vector<1024x16xf32> to vector<1024xf32>
    %get3A_151 = arith.constant 0 : index
    %get3A_152 = vector.load %arg5[%get3A_151] : memref<1024xf32, #tpu.memory_space<vmem>>, vector<1024xf32>
    %neg3A = arith.constant 0.000000e+00 : f32
    %neg3A_153 = vector.broadcast %neg3A : f32 to vector<1024xf32>
    %neg3A_154 = arith.subf %neg3A_153, %reduce_sum3A_150 : vector<1024xf32>
    %max3A = arith.constant 0.000000e+00 : f32
    %max3A_155 = vector.broadcast %max3A : f32 to vector<1024xf32>
    %max3A_156 = arith.maximumf %neg3A_154, %max3A_155 : vector<1024xf32>
    %abs3A = math.absf %neg3A_154 : vector<1024xf32>
    %neg3A_157 = arith.constant 0.000000e+00 : f32
    %neg3A_158 = vector.broadcast %neg3A_157 : f32 to vector<1024xf32>
    %neg3A_159 = arith.subf %neg3A_158, %abs3A : vector<1024xf32>
    %exp3A_160 = math.exp %neg3A_159 : vector<1024xf32>
    %log1p3A = math.log1p %exp3A_160 : vector<1024xf32>
    %add3A_161 = arith.addf %max3A_156, %log1p3A : vector<1024xf32>
    %mul3A_162 = arith.mulf %get3A_152, %add3A_161 : vector<1024xf32>
    %sub3A_163 = arith.constant 1.000000e+00 : f32
    %sub3A_164 = vector.broadcast %sub3A_163 : f32 to vector<1024xf32>
    %sub3A_165 = arith.subf %sub3A_164, %get3A_152 : vector<1024xf32>
    %max3A_166 = arith.constant 0.000000e+00 : f32
    %max3A_167 = vector.broadcast %max3A_166 : f32 to vector<1024xf32>
    %max3A_168 = arith.maximumf %reduce_sum3A_150, %max3A_167 : vector<1024xf32>
    %abs3A_169 = math.absf %reduce_sum3A_150 : vector<1024xf32>
    %neg3A_170 = arith.constant 0.000000e+00 : f32
    %neg3A_171 = vector.broadcast %neg3A_170 : f32 to vector<1024xf32>
    %neg3A_172 = arith.subf %neg3A_171, %abs3A_169 : vector<1024xf32>
    %exp3A_173 = math.exp %neg3A_172 : vector<1024xf32>
    %log1p3A_174 = math.log1p %exp3A_173 : vector<1024xf32>
    %add3A_175 = arith.addf %max3A_168, %log1p3A_174 : vector<1024xf32>
    %mul3A_176 = arith.mulf %sub3A_165, %add3A_175 : vector<1024xf32>
    %add3A_177 = arith.addf %mul3A_162, %mul3A_176 : vector<1024xf32>
    %get3A_178 = arith.constant 0 : index
    %get3A_179 = vector.load %arg9[%get3A_178] : memref<1024xf32, #tpu.memory_space<vmem>>, vector<1024xf32>
    %add3A_180 = arith.addf %get3A_179, %add3A_177 : vector<1024xf32>
    %swap3A = arith.constant 0 : index
    %swap3A_181 = vector.load %arg9[%swap3A] : memref<1024xf32, #tpu.memory_space<vmem>>, vector<1024xf32>
    tpu.vector_store %arg9[%swap3A], %add3A_180 {strides = array<i32>} : memref<1024xf32, #tpu.memory_space<vmem>>, vector<1024xf32>,
    %eq3A_182 = arith.constant 15 : i32
    %eq3A_183 = arith.cmpi eq, %arg0, %eq3A_182 : i32
    %convert_element_type3A_184 = arith.extui %eq3A_183 : i1 to i32
    %cond3A_185 = arith.constant 0 : i32
    %cond3A_186 = arith.cmpi ne, %convert_element_type3A_184, %cond3A_185 : i32
    scf.if %cond3A_186 {
      %get3A_187 = arith.constant 0 : index
      %get3A_188 = vector.load %arg9[%get3A_187] : memref<1024xf32, #tpu.memory_space<vmem>>, vector<1024xf32>
      %reduce_sum3A_189 = vector.shape_cast %get3A_188 : vector<1024xf32> to vector<1x1024xf32>
      %reduce_sum3A_190 = arith.constant dense<0.000000e+00> : vector<1xf32>
      %reduce_sum3A_191 = vector.multi_reduction <add>, %reduce_sum3A_189, %reduce_sum3A_190 [1] : vector<1x1024xf32> to vector<1xf32>
      %reduce_sum3A_192 = vector.shape_cast %reduce_sum3A_191 : vector<1xf32> to vector<1x1xf32>
      %reduce_sum3A_193 = vector.extract %reduce_sum3A_192[0, 0] : f32 from vector<1x1xf32>
      %swap3A_194 = arith.constant 0 : index
      %swap3A_195 = arith.constant 0 : index
      %swap3A_196 = memref.load %arg8[%swap3A_194, %swap3A_195] : memref<1x1xf32, #tpu.memory_space<smem>>
      memref.store %reduce_sum3A_193, %arg8[%swap3A_194, %swap3A_195] : memref<1x1xf32, #tpu.memory_space<smem>>
    } else {
    }
    return
  }
  func.func @transform_0(%arg0: i32) -> (i32, i32) {
    %c0_i32 = arith.constant 0 : i32
    %c0_i32_0 = arith.constant 0 : i32
    return %arg0, %c0_i32 : i32, i32
  }
  func.func @transform_1(%arg0: i32) -> (i32, i32) {
    %c0_i32 = arith.constant 0 : i32
    %c0_i32_0 = arith.constant 0 : i32
    return %arg0, %c0_i32 : i32, i32
  }
  func.func @transform_2(%arg0: i32) -> (i32, i32) {
    %c0_i32 = arith.constant 0 : i32
    %c0_i32_0 = arith.constant 0 : i32
    return %arg0, %c0_i32 : i32, i32
  }
  func.func @transform_3(%arg0: i32) -> (i32, i32) {
    %c0_i32 = arith.constant 0 : i32
    %c0_i32_0 = arith.constant 0 : i32
    %c0_i32_1 = arith.constant 0 : i32
    return %c0_i32, %c0_i32_0 : i32, i32
  }
  func.func @transform_4(%arg0: i32) -> i32 {
    %c0_i32 = arith.constant 0 : i32
    return %arg0 : i32
  }
  func.func @transform_5(%arg0: i32) -> (i32, i32) {
    %c0_i32 = arith.constant 0 : i32
    %c0_i32_0 = arith.constant 0 : i32
    %c0_i32_1 = arith.constant 0 : i32
    return %c0_i32, %c0_i32_0 : i32, i32
  }
  func.func @transform_6(%arg0: i32) -> (i32, i32) {
    %c0_i32 = arith.constant 0 : i32
    %c0_i32_0 = arith.constant 0 : i32
    %c0_i32_1 = arith.constant 0 : i32
    return %c0_i32, %c0_i32_0 : i32, i32
  }
  func.func @transform_7(%arg0: i32) -> (i32, i32) {
    %c0_i32 = arith.constant 0 : i32
    %c0_i32_0 = arith.constant 0 : i32
    %c0_i32_1 = arith.constant 0 : i32
    return %c0_i32, %c0_i32_0 : i32, i32
  }
}

</mosaic_0001>

<sc_bundles>
// kernel: kernel.6.cloned.1.call-start
scs
__scs_entry_jumppad:
0x0: {  	(pc) =	sbr.rel $0x88, $3  }
0x1: {  	(tag) =	ssettag $0x0;
	lr =	simm.s32 $0x1  }
0x2: {  	[smem:$0x3F97] =	sst lr;
	_ =	strace $0xD0000000  }
0x3: {  	_ = 	snop  }
0x4: {  	_ = 	snop  }
0x5: {  	_ = 	snop  }
0x6: {  	_ = 	snop  }
0x7: {  	_ = 	snop  }
__scs_overlays_trampoline_lowered:
0x8: {  	[smem:$0x3FA6] =	sst s0  }
0x9: {  	[smem:$0x3FA7] =	sst s1  }
0xa: {  	[smem:$0x3FA8] =	sst s2  }
0xb: {  	[smem:$0x3FA9] =	sst s3  }
0xc: {  	[smem:$0x3FAA] =	sst s4  }
0xd: {  	[smem:$0x3FAB] =	sst s5  }
0xe: {  	[smem:$0x3FAC] =	sst s6  }
0xf: {  	[smem:$0x3FAD] =	sst s7  }
0x10: {  	[smem:$0x3FAE] =	sst s8  }
0x11: {  	[smem:$0x3FAF] =	sst s9;
	s0 =	simm.s32 @!p0 $0x0  }
0x12: {  	s1 =	sld [smem:$0x3F95];
	s0 =	simm.s32 @p0 $0x1  }
0x13: {  	[smem:$0x3FB0] =	sst s0;
	s0 =	simm.s32 @!p1 $0x0  }
0x14: {  	s2 =	sld [smem:$0x3F94];
	s0 =	simm.s32 @p1 $0x1  }
0x15: {  	[smem:$0x3FB1] =	sst s0;
	s0 =	simm.s32 @!p2 $0x0  }
0x16: {  	s3 =	sld [smem:$0x3FDB];
	s0 =	simm.s32 @p2 $0x1  }
0x17: {  	s4 =	simm.s32 $0x1BF5;
	[smem:$0x3FB3] =	sst s0  }
0x18: {  	s0 =	sld [smem:$0x3F96];
	_ =	swait.ge [sflag:s4], $0x0  }
0x19: {  	s7 =	sld [smem:$0x3F97]  }
0x1a: {  	s8 =	sadd.s32 $0xFFFFE003, lr  }
0x1b: {  	s9 =	sadd.s32 $0xFFFFFEF7, lr;
	s5 =	simm.s32 $0xFFFFFFFF;
	p2 =	slt.u32 s8, $0xFFFFF086  }
0x1c: {  	p1 =	slt.u32 s9, $0xF7A;
	s5 =	simm.s32 @!p2 $0x0  }
0x1d: {  	s5 =	simm.s32 @p1 $0x1;
	p0 =	seq.s32 s7, s2  }
0x1e: {  	s7 =	smul.u32 @!p0 $0xF7A, s2;
	p2 =	seq.s32 @!p0 s5, $0x0  }
0x1f: {  	s9 =	smul.u32 $0xF7A, s1;
	s8 =	simm.s32 @!p0 $0x1BF5;
	p2 =	por !p2, p0  }
0x20: {  	[sflag:s8] =	ssyncset.s32 @!p0 $0xFFFFF086;
	s6 =	sadd.s32 @!p0 s3, s7;
	s7 =	simm.s32 @!p0 $0x108  }
0x21: {  	s3 =	sadd.s32 s3, s9;
	s6 =	sadd.s32 @!p0 $0x88, s6;
	s7 =	simm.s32 @p2 $0x1082  }
0x22: {  	[simem:s7], [sflag:s8] =	dma.local @!p0 [hbm:s6], $0xF7A  }
0x23: {  	s9 =	sor.u32 $0xD0000000, s2;
	s6 =	simm.s32 $0x108;
	_ =	swait.ge @!p0 [sflag:s8], $0x0  }
0x24: {  	s3 =	sadd.s32 $0x88, s3;
	s6 =	simm.s32 @!p1 $0x1082;
	[sflag:s4] =	ssyncset.s32 $0xFFFFF086  }
0x25: {  	[simem:s6], [sflag:s4] =	dma.local [hbm:s3], $0xF7A  }
0x26: {  	[smem:$0x3F97] =	sst s1;
	(tag) =	ssettag s2;
	_ =	strace s9  }
0x27: {  	s1 =	sld [smem:$0x3FA7]  }
0x28: {  	s2 =	sld [smem:$0x3FA8]  }
0x29: {  	s4 =	sld [smem:$0x3FAA]  }
0x2a: {  	p0 =	seq.s32 s5, $0x0;
	s5 =	sld [smem:$0x3FAB]  }
0x2b: {  	s6 =	sld [smem:$0x3FAC]  }
0x2c: {  	s7 =	sld [smem:$0x3FAD]  }
0x2d: {  	s3 =	simm.s32 $0x108;
	s8 =	sld [smem:$0x3FAE]  }
0x2e: {  	s3 =	simm.s32 @!p0 $0x1082;
	s9 =	sld [smem:$0x3FAF]  }
0x2f: {  	lr =	sadd.s32 s0, s3;
	s0 =	sld [smem:$0x3FA6]  }
0x30: {  	s3 =	sld [smem:$0x3FA9]  }
0x31: {  	[smem:$0x3FB2] =	sst s10  }
0x32: {  	s10 =	sld [smem:$0x3FB0];
	_ =	sdelay $0x3  }
0x33: {  	p0 =	seq.s32 s10, $0x1;
	s10 =	sld [smem:$0x3FB2];
	_ =	sdelay $0x3  }
0x34: {  	[smem:$0x3FB2] =	sst s10  }
0x35: {  	s10 =	sld [smem:$0x3FB1];
	_ =	sdelay $0x3  }
0x36: {  	p1 =	seq.s32 s10, $0x1;
	s10 =	sld [smem:$0x3FB2];
	_ =	sdelay $0x3  }
0x37: {  	[smem:$0x3FB2] =	sst s10  }
0x38: {  	s10 =	sld [smem:$0x3FB3]  }
0x39: {  	_ = 	snop;
	(pc) =	sbr.ind lr, $3  }
0x3a: {  	_ = 	snop  }
0x3b: {  	_ = 	snop  }
0x3c: {  	p2 =	seq.s32 s10, $0x1;
	s10 =	sld [smem:$0x3FB2]  }
0x3d: {  	_ =	shalt  }
0x3e: {  	_ =	shalt  }
0x3f: {  	_ =	shalt  }
0x40: {  	_ =	shalt  }
0x41: {  	_ =	shalt  }
0x42: {  	_ =	shalt  }
0x43: {  	_ =	shalt  }
0x44: {  	_ =	shalt  }
0x45: {  	_ =	shalt  }
0x46: {  	_ =	shalt  }
0x47: {  	_ =	shalt  }
0x48: {  	_ =	shalt  }
0x49: {  	_ =	shalt  }
0x4a: {  	_ =	shalt  }
0x4b: {  	_ =	shalt  }
0x4c: {  	_ =	shalt  }
0x4d: {  	_ =	shalt  }
0x4e: {  	_ =	shalt  }
0x4f: {  	_ =	shalt  }
0x50: {  	_ =	shalt  }
0x51: {  	_ =	shalt  }
0x52: {  	_ =	shalt  }
0x53: {  	_ =	shalt  }
0x54: {  	_ =	shalt  }
0x55: {  	_ =	shalt  }
0x56: {  	_ =	shalt  }
0x57: {  	_ =	shalt  }
0x58: {  	_ =	shalt  }
0x59: {  	_ =	shalt  }
0x5a: {  	_ =	shalt  }
0x5b: {  	_ =	shalt  }
0x5c: {  	_ =	shalt  }
0x5d: {  	_ =	shalt  }
0x5e: {  	_ =	shalt  }
0x5f: {  	_ =	shalt  }
0x60: {  	_ =	shalt  }
0x61: {  	_ =	shalt  }
0x62: {  	_ =	shalt  }
0x63: {  	_ =	shalt  }
0x64: {  	_ =	shalt  }
0x65: {  	_ =	shalt  }
0x66: {  	_ =	shalt  }
0x67: {  	_ =	shalt  }
0x68: {  	_ =	shalt  }
0x69: {  	_ =	shalt  }
0x6a: {  	_ =	shalt  }
0x6b: {  	_ =	shalt  }
0x6c: {  	_ =	shalt  }
0x6d: {  	_ =	shalt  }
0x6e: {  	_ =	shalt  }
0x6f: {  	_ =	shalt  }
0x70: {  	_ =	shalt  }
0x71: {  	_ =	shalt  }
0x72: {  	_ =	shalt  }
0x73: {  	_ =	shalt  }
0x74: {  	_ =	shalt  }
0x75: {  	_ =	shalt  }
0x76: {  	_ =	shalt  }
0x77: {  	_ =	shalt  }
0x78: {  	_ =	shalt  }
0x79: {  	_ =	shalt  }
0x7a: {  	_ =	shalt  }
0x7b: {  	_ =	shalt  }
0x7c: {  	_ =	shalt  }
0x7d: {  	_ =	shalt  }
0x7e: {  	_ =	shalt  }
0x7f: {  	_ =	shalt  }
0x80: {  	_ =	shalt  }
0x81: {  	_ =	shalt  }
0x82: {  	_ =	shalt  }
0x83: {  	_ =	shalt  }
0x84: {  	_ =	shalt  }
0x85: {  	_ =	shalt  }
0x86: {  	_ =	shalt  }
0x87: {  	_ =	shalt  }
.Lfunc_end0:
.L_simem_size_0:
called_computation_lowered:
.L_overlay_start_0:
0x88: {  	s2 =	sld [smem:$0x3FD9]  }
0x89: {  	s3 =	sld [smem:$0x3FFE];
	_ =	sdelay $0x1  }
0x8a: {  	s1 =	srdreg.scid  }
0x8b: {  	s0 =	sand.u32 $0x1, s1  }
0x8c: {  	s17 =	sshll.u32 s0, $0xA;
	s2 =	sadd.s32 s3, s2  }
0x8d: {  	s2 =	sadd.s32 s2, s17  }
0x8e: {  	[smem:$0x3FBE] =	sst s2  }
0x8f: {  	_ = 	snop  }
0x90: {  	s2 =	sld [smem:$0x3FC9]  }
0x91: {  	s18 =	sld [smem:$0x3FC8];
	(tm) =	ssettm $0x1  }
0x92: {  	s4 =	sld [smem:$0x3FFB];
	_ =	sdelay $0x3  }
0x93: {  	_ =	strace s4  }
0x94: {  	s4 =	sld [smem:$0x3FFC];
	_ =	sdelay $0x3  }
0x95: {  	_ =	strace s4  }
0x96: {  	s4 =	sld [smem:$0x3FFD];
	_ =	sdelay $0x3  }
0x97: {  	_ =	strace s4  }
0x98: {  	_ =	strace $0x8FFFFFFF  }
0x99: {  	s19 =	sld [smem:$0x3FDB];
	_ =	sdelay $0x1  }
0x9a: {  	s5 =	simm.s32 $_scs_section_size  }
0x9b: {  	s6 =	simm.s32 $_size__tile_overlayer_lowered;
	s7 =	simm.s32 $_tile_overlayer_lowered  }
0x9c: {  	s22 =	simm.s32 $0x1BFF;
	s21 =	sshll.u32 s7, $0x1;
	s4 =	sadd.s32 s5, s19  }
0x9d: {  	s8 =	simm.s32 $0x0;
	s20 =	sshll.u32 s6, $0x1;
	s6 =	sadd.s32 s21, s4  }
0x9e: {  	[timem:s8], [sflag:s22] =	dma.local [hbm:s6], s20  }
0x9f: {  	_ =	swait.ge [sflag:s22], s20  }
0xa0: {  	s5 =	ssub.s32 $0x0, s20;
	[sflag:s22] =	ssyncset.done $0x0  }
0xa1: {  	[sflag:s22] =	ssyncadd.s32 s5;
	_ =	sdelay $0x1  }
0xa2: {  	s23 =	simm.s32 $0x1B8B  }
0xa3: {  	_ =	swait.ge [sflag:s23], $0x1  }
0xa4: {  	[sflag:s23] =	ssyncset.done $0x0  }
0xa5: {  	s25 =	simm.s32 $0x1B8E;
	s24 =	sld [smem:$0x3FFE];
	[sflag:s23] =	ssyncadd.s32 $0xFFFFFFFF  }
0xa6: {  	s26 =	simm.s32 $execute0_lowered;
	[smem:$0x3FD2] =	sst s25  }
0xa7: {  	s6 =	sshll.u32 s26, $0x1;
	_ =	strace $0x80000046;
	[dreg:$0x1] =	wrdreg $0xFFFFFFFF  }
0xa8: {  	s28 =	simm.s32 $_size_execute0_lowered;
	s4 =	sadd.s32 s4, s6;
	[dreg:$0x0] =	wrdreg $0x0  }
0xa9: {  	s6 =	sshll.u32 s28, $0x1;
	[dreg:$0x2] =	wrdreg s4  }
0xaa: {  	[dreg:$0x3] =	wrdreg s6  }
0xab: {  	[dreg:$0x4] =	wrdreg $0xC0  }
0xac: {  	_ =	task [dreg:s8], $0x5FFFF  }
0xad: {  	[dreg:$0x1] =	wrdreg $0xFFFFFFFF  }
0xae: {  	[dreg:$0x0] =	wrdreg $0x60  }
0xaf: {  	[dreg:$0x2] =	wrdreg s2  }
0xb0: {  	[dreg:$0x3] =	wrdreg s18  }
0xb1: {  	[dreg:$0x4] =	wrdreg s24  }
0xb2: {  	[dreg:$0x5] =	wrdreg $0x9  }
0xb3: {  	_ =	task.clear_ibuf [dreg:s8], $0x6FFFF;
	_ =	strace $0x90000046  }
0xb4: {  	s29 =	simm.s32 $0x9;
	_ =	strace $0x80000048  }
0xb5: {  	_ =	swait.ge [sflag:s29], $0x1  }
0xb6: {  	[sflag:s29] =	ssyncadd.s32 $0xFFFFFFFF  }
0xb7: {  	_ =	strace $0x90000048  }
0xb8: {  	_ =	sfence  }
0xb9: {  	s30 =	sld [smem:$0x0];
	_ =	sdelay $0x2  }
0xba: {  	s31 =	sshll.u32 s1, $0xD;
	s1 =	sshrl.u32 s1, $0x2  }
0xbb: {  	s3 =	sand.u32 $0x4000, s31;
	s1 =	sadd.s32 s1, s30  }
0xbc: {  	s0 =	sor.u32 s3, s0;
	s1 =	sshll.u32 s1, $0x11  }
0xbd: {  	s0 =	sor.u32 s1, s0  }
0xbe: {  	s0 =	sadd.s32 $0x8F2B, s0  }
0xbf: {  	[sflag:s0] =	ssyncadd.remote.s32 $0x1  }
0xc0: {  	_ =	sfence.sel $0xFFFF  }
0xc1: {  	[dreg:$0x0] =	wrdreg $0xFFFFFFFF;
	(pc) =	sbr.abs _section_cstart, $3  }
0xc2: {  	[dreg:$0x1] =	wrdreg $0xFFFFFFFF  }
0xc3: {  	_ =	task.clear_ibuf [dreg:s8], $0x2FFFF;
	_ =	strace $0x9FFFFFFF  }
0xc4: {  	(tm) =	ssettm $0x7FFFFFFF  }
0xc5: {  	_ =	shalt  }
tec
execute0_lowered:
.L_overlay_start_1:
0x0: {  	(tag) =	ssettag $0x1  }
0x1: {  	s0 =	rddreg [dreg:$0x0]  }
0x2: {  	s1 =	rddreg [dreg:$0x1]  }
0x3: {  	s3 =	rddreg [dreg:$0x2];
	s2 =	srdreg.scid  }
0x4: {  	s17 =	rddreg [dreg:$0x3];
	s5 =	stileid.u32  }
0x5: {  	s25 =	simm.s32 $0x800;
	s26 =	simm.s32 $0x1800;
	s19 =	simm.s32 $0x280  }
0x6: {  	s21 =	simm.s32 $0x2C00;
	s22 =	simm.s32 $0xC00;
	s23 =	simm.s32 $0x1C00  }
0x7: {  	s24 =	simm.s32 $0x5400;
	s20 =	simm.s32 $0x180;
	s28 =	simm.s32 $0x1000  }
0x8: {  	p0 =	por $0x0, $0x0;
	s29 =	simm.s32 $0x2000;
	s30 =	simm.s32 $0x5C00  }
0x9: {  	s31 =	simm.s32 $0x380;
	s4 =	sand.u32 $0x1, s2;
	s10 =	sadd.s32 $0x2226400, s3  }
0xa: {  	s2 =	simm.s32 $0x0;
	s11 =	sadd.s32 $0x231A800, s3;
	s13 =	sadd.s32 $0x10FBA00, s3  }
0xb: {  	s5 =	sshll.u32 s5, $0xA;
	s14 =	sadd.s32 $0x188800, s3;
	s6 =	sshll.u32 s4, $0x9  }
0xc: {  	[smem:$0x7FF] =	sst s2;
	s4 =	ssub.s32 $0x2, s4;
	s5 =	sor.u32 s6, s5  }
0xd: {  	_ =	strace $0x80000047;
	s12 =	sshrl.u32 s4, $0x1;
	[dreg:$0xa] =	wrdreg s25  }
0xe: {  	[dreg:$0xb] =	wrdreg s26;
	s25 =	simm.s32 $0x300;
	s26 =	simm.s32 $0x3400  }
0xf: {  	s6 =	sshrl.u32 s5, $0x3;
	s7 =	sshll.u32 s5, $0x4;
	s16 =	ssub.s32 s4, s12  }
0x10: {  	s4 =	simm.s32 $0x1400;
	s12 =	simm.s32 $0x1;
	s1 =	sadd.s32 s1, s6  }
0x11: {  	s7 =	sadd.s32 s7, s3;
	s0 =	sadd.s32 s0, s6;
	s6 =	sadd.s32 s5, s3  }
0x12: {  	s18 =	smax.u32 s16, $0x1;
	s3 =	simm.s32 $0x2;
	[dreg:$0x4] =	wrdreg s1  }
0x13: {  	s5 =	simm.s32 $0x400;
	s16 =	simm.s32 $0x100;
	[dreg:$0x5] =	wrdreg s0  }
0x14: {  	s1 =	sadd.s32 $0x12EC000, s7;
	s8 =	sadd.s32 $0x12EC002, s7;
	p1 =	sne.s32 s18, $0x1  }
.Ltmp0:
0x15: {  	s9 =	sadd.s32 $0x12E8000, s6;
	[dreg:$0x6] =	wrdreg s1;
	(pc) =	sbr.rel @!p1 .LBB2_1-.Ltmp0, $4  }
0x16: {  	s15 =	sadd.s32 $0x12E4000, s6;
	s6 =	simm.s32 $0x80;
	[dreg:$0x7] =	wrdreg s8  }
0x17: {  	s7 =	simm.s32 $0x4400;
	s0 =	sadd.s32 $0xFFFFFFFF, s18;
	[dreg:$0x8] =	wrdreg s9  }
0x18: {  	s18 =	simm.s32 $0x3C00;
	[dreg:$0x9] =	wrdreg s15;
	s15 =	simm.s32 $0x200  }
0x19: {  	s8 =	simm.s32 $0x2400;
	s9 =	simm.s32 $0x10;
	s1 =	rddreg [dreg:$0x4]  }
0x1a: {  	[tilespmem:s2], [sflag:$0x2] =	stream.linear.gather [hbm4b:s1+s2], $0x200, $0x38;
	[tilespmem:$0x6400] =	vst v63  }
0x1b: {  	_ =	swait.ge [sflag:s3], $0x200  }
0x1c: {  	[sflag:s3] =	ssyncset.done $0x0  }
0x1d: {  	s17 =	rddreg [dreg:$0x5];
	[sflag:s3] =	ssyncadd.s32 $0xFFFFFE00  }
0x1e: {  	[tilespmem:s15], [sflag:$0x2] =	stream.linear.gather [hbm4b:s17+s2], $0x200, $0x38;
	[tilespmem:$0x6400] =	vst v63  }
0x1f: {  	_ =	swait.ge [sflag:s3], $0x200  }
0x20: {  	[sflag:s3] =	ssyncset.done $0x0  }
0x21: {  	[sflag:s3] =	ssyncadd.s32 $0xFFFFFE00  }
0x22: {  	[tilespmem:s5], [sflag:$0x1] =	stream.indirect.gather [hbm4b:s10+s6], $0x8, s2, s6, $0xb8;
	[tilespmem:$0x6400] =	vst v63  }
0x23: {  	_ = 	snop  }
0x24: {  	[tilespmem:s4], [sflag:$0x1] =	stream.indirect.gather [hbm4b:s11+s6], $0x8, s2, s6, $0xb8;
	[tilespmem:$0x6400] =	vst v63  }
0x25: {  	_ = 	snop  }
0x26: {  	[tilespmem:s7], [sflag:$0x1] =	stream.indirect.gather [hbm4b:s13+s6], $0x10, s2, s6, $0xb8;
	[tilespmem:$0x6400] =	vst v63  }
0x27: {  	_ = 	snop  }
0x28: {  	[tilespmem:s8], [sflag:$0x1] =	stream.indirect.gather [hbm4b:s14+s6], $0x10, s15, s6, $0xb8;
	[tilespmem:$0x6400] =	vst v63  }
0x29: {  	s1 =	rddreg [dreg:$0xa]  }
0x2a: {  	[tilespmem:s1], [sflag:$0x1] =	stream.indirect.gather [hbm4b:s10+s6], $0x8, s6, s6, $0xb8;
	[tilespmem:$0x6400] =	vst v63  }
0x2b: {  	s17 =	smov.u32 s0;
	s0 =	rddreg [dreg:$0xb]  }
0x2c: {  	[tilespmem:s0], [sflag:$0x1] =	stream.indirect.gather [hbm4b:s11+s6], $0x8, s6, s6, $0xb8;
	[tilespmem:$0x6400] =	vst v63  }
0x2d: {  	s1 =	simm.s32 $0x4C00  }
0x2e: {  	[tilespmem:s1], [sflag:$0x1] =	stream.indirect.gather [hbm4b:s13+s6], $0x10, s6, s6, $0xb8;
	[tilespmem:$0x6400] =	vst v63  }
0x2f: {  	_ = 	snop  }
0x30: {  	[tilespmem:s21], [sflag:$0x1] =	stream.indirect.gather [hbm4b:s14+s6], $0x10, s19, s6, $0xb8;
	[tilespmem:$0x6400] =	vst v63  }
0x31: {  	_ = 	snop  }
0x32: {  	[tilespmem:s22], [sflag:$0x1] =	stream.indirect.gather [hbm4b:s10+s6], $0x8, s16, s6, $0xb8;
	[tilespmem:$0x6400] =	vst v63  }
0x33: {  	_ = 	snop  }
0x34: {  	[tilespmem:s23], [sflag:$0x1] =	stream.indirect.gather [hbm4b:s11+s6], $0x8, s16, s6, $0xb8;
	[tilespmem:$0x6400] =	vst v63  }
0x35: {  	_ = 	snop  }
0x36: {  	[tilespmem:s24], [sflag:$0x1] =	stream.indirect.gather [hbm4b:s13+s6], $0x10, s16, s6, $0xb8;
	[tilespmem:$0x6400] =	vst v63  }
0x37: {  	_ = 	snop  }
0x38: {  	[tilespmem:s26], [sflag:$0x1] =	stream.indirect.gather [hbm4b:s14+s6], $0x10, s25, s6, $0xb8;
	[tilespmem:$0x6400] =	vst v63  }
0x39: {  	_ = 	snop  }
0x3a: {  	[tilespmem:s28], [sflag:$0x1] =	stream.indirect.gather [hbm4b:s10+s6], $0x8, s20, s6, $0xb8;
	[tilespmem:$0x6400] =	vst v63  }
0x3b: {  	_ = 	snop  }
0x3c: {  	[tilespmem:s29], [sflag:$0x1] =	stream.indirect.gather [hbm4b:s11+s6], $0x8, s20, s6, $0xb8;
	[tilespmem:$0x6400] =	vst v63  }
0x3d: {  	_ = 	snop  }
0x3e: {  	[tilespmem:s30], [sflag:$0x1] =	stream.indirect.gather [hbm4b:s13+s6], $0x10, s20, s6, $0xb8;
	[tilespmem:$0x6400] =	vst v63  }
0x3f: {  	_ = 	snop  }
0x40: {  	[tilespmem:s18], [sflag:$0x1] =	stream.indirect.gather [hbm4b:s14+s6], $0x10, s31, s6, $0xb8;
	[tilespmem:$0x6400] =	vst v63  }
0x41: {  	_ =	swait.ge [sflag:s12], $0x400  }
0x42: {  	[sflag:s12] =	ssyncset.done $0x0  }
0x43: {  	[sflag:s12] =	ssyncadd.s32 $0xFFFFFC00  }
0x44: {  	_ =	swait.ge [sflag:s12], $0x400  }
0x45: {  	[sflag:s12] =	ssyncset.done $0x0  }
0x46: {  	[sflag:s12] =	ssyncadd.s32 $0xFFFFFC00  }
0x47: {  	_ =	swait.ge [sflag:s12], $0x800  }
0x48: {  	[sflag:s12] =	ssyncset.done $0x0  }
0x49: {  	[sflag:s12] =	ssyncadd.s32 $0xFFFFF800  }
0x4a: {  	_ =	swait.ge [sflag:s12], $0x800  }
0x4b: {  	[sflag:s12] =	ssyncset.done $0x0  }
0x4c: {  	[sflag:s12] =	ssyncadd.s32 $0xFFFFF800  }
0x4d: {  	_ =	swait.ge [sflag:s12], $0x400  }
0x4e: {  	[sflag:s12] =	ssyncset.done $0x0  }
0x4f: {  	[sflag:s12] =	ssyncadd.s32 $0xFFFFFC00  }
0x50: {  	_ =	swait.ge [sflag:s12], $0x400  }
0x51: {  	[sflag:s12] =	ssyncset.done $0x0  }
0x52: {  	[sflag:s12] =	ssyncadd.s32 $0xFFFFFC00  }
0x53: {  	_ =	swait.ge [sflag:s12], $0x800  }
0x54: {  	[sflag:s12] =	ssyncset.done $0x0  }
0x55: {  	[sflag:s12] =	ssyncadd.s32 $0xFFFFF800  }
0x56: {  	_ =	swait.ge [sflag:s12], $0x800  }
0x57: {  	[sflag:s12] =	ssyncset.done $0x0  }
0x58: {  	[sflag:s12] =	ssyncadd.s32 $0xFFFFF800  }
0x59: {  	_ =	swait.ge [sflag:s12], $0x400  }
0x5a: {  	[sflag:s12] =	ssyncset.done $0x0  }
0x5b: {  	[sflag:s12] =	ssyncadd.s32 $0xFFFFFC00  }
0x5c: {  	_ =	swait.ge [sflag:s12], $0x400  }
0x5d: {  	[sflag:s12] =	ssyncset.done $0x0  }
0x5e: {  	[sflag:s12] =	ssyncadd.s32 $0xFFFFFC00  }
0x5f: {  	_ =	swait.ge [sflag:s12], $0x800  }
0x60: {  	[sflag:s12] =	ssyncset.done $0x0  }
0x61: {  	[sflag:s12] =	ssyncadd.s32 $0xFFFFF800  }
0x62: {  	_ =	swait.ge [sflag:s12], $0x800  }
0x63: {  	[sflag:s12] =	ssyncset.done $0x0  }
0x64: {  	[sflag:s12] =	ssyncadd.s32 $0xFFFFF800  }
0x65: {  	_ =	swait.ge [sflag:s12], $0x400  }
0x66: {  	[sflag:s12] =	ssyncset.done $0x0  }
0x67: {  	[sflag:s12] =	ssyncadd.s32 $0xFFFFFC00  }
0x68: {  	_ =	swait.ge [sflag:s12], $0x400  }
0x69: {  	[sflag:s12] =	ssyncset.done $0x0  }
0x6a: {  	[sflag:s12] =	ssyncadd.s32 $0xFFFFFC00  }
0x6b: {  	_ =	swait.ge [sflag:s12], $0x800  }
0x6c: {  	[sflag:s12] =	ssyncset.done $0x0  }
0x6d: {  	[sflag:s12] =	ssyncadd.s32 $0xFFFFF800  }
0x6e: {  	_ =	swait.ge [sflag:s12], $0x800  }
0x6f: {  	[sflag:s12] =	ssyncset.done $0x0  }
0x70: {  	s1 =	rddreg [dreg:$0x6];
	[sflag:s12] =	ssyncadd.s32 $0xFFFFF800  }
0x71: {  	[hbm4b:s1+s9] =	stream.strided.scatter [tilespmem:s8], [sflag:$0x2], $0x2000, s6, s9, $0x38;
	[tilespmem:$0x6400] =	vst v63  }
0x72: {  	_ =	swait.ge [sflag:s3], $0x2000  }
0x73: {  	[sflag:s3] =	ssyncset.done $0x0  }
0x74: {  	s1 =	rddreg [dreg:$0x7];
	[sflag:s3] =	ssyncadd.s32 $0xFFFFE000  }
0x75: {  	[hbm4b:s1+s9] =	stream.strided.scatter [tilespmem:s7], [sflag:$0x2], $0x2000, s6, s9, $0x38;
	[tilespmem:$0x6400] =	vst v63  }
0x76: {  	_ =	swait.ge [sflag:s3], $0x2000  }
0x77: {  	[sflag:s3] =	ssyncset.done $0x0  }
0x78: {  	s1 =	rddreg [dreg:$0x8];
	[sflag:s3] =	ssyncadd.s32 $0xFFFFE000  }
0x79: {  	[hbm4b:s1+s2] =	stream.linear.scatter [tilespmem:s5], [sflag:$0x2], $0x1000, $0x38;
	[tilespmem:$0x6400] =	vst v63  }
0x7a: {  	p1 =	sne.s32 s17, $0x1;
	_ =	swait.ge [sflag:s3], $0x1000  }
.Ltmp1:
0x7b: {  	[sflag:s3] =	ssyncset.done $0x0;
	(pc) =	sbr.rel @!p1 .LBB2_3-.Ltmp1, $4  }
0x7c: {  	s1 =	rddreg [dreg:$0x9];
	[sflag:s3] =	ssyncadd.s32 $0xFFFFF000  }
0x7d: {  	[hbm4b:s1+s2] =	stream.linear.scatter [tilespmem:s4], [sflag:$0x2], $0x1000, $0x38;
	[tilespmem:$0x6400] =	vst v63  }
0x7e: {  	p0 =	por $0x1, $0x1;
	_ =	swait.ge [sflag:s3], $0x1000  }
0x7f: {  	s0 =	sadd.s32 $0xFFFFFFFF, s17;
	s1 =	rddreg [dreg:$0x4];
	[sflag:s3] =	ssyncset.done $0x0  }
.LBB2_4:
0x80: {  	[sflag:s3] =	ssyncadd.s32 $0xFFFFF000  }
0x81: {  	[tilespmem:s2], [sflag:$0x2] =	stream.linear.gather [hbm4b:s1+s2], $0x200, $0x38;
	[tilespmem:$0x6400] =	vst v63  }
0x82: {  	_ =	swait.ge [sflag:s3], $0x200  }
0x83: {  	[sflag:s3] =	ssyncset.done $0x0  }
0x84: {  	s17 =	rddreg [dreg:$0x5];
	[sflag:s3] =	ssyncadd.s32 $0xFFFFFE00  }
0x85: {  	[tilespmem:s15], [sflag:$0x2] =	stream.linear.gather [hbm4b:s17+s2], $0x200, $0x38;
	[tilespmem:$0x6400] =	vst v63  }
0x86: {  	_ =	swait.ge [sflag:s3], $0x200  }
0x87: {  	[sflag:s3] =	ssyncset.done $0x0  }
0x88: {  	[sflag:s3] =	ssyncadd.s32 $0xFFFFFE00  }
0x89: {  	[tilespmem:s5], [sflag:$0x1] =	stream.indirect.gather [hbm4b:s10+s6], $0x8, s2, s6, $0xb8;
	[tilespmem:$0x6400] =	vst v63  }
0x8a: {  	_ = 	snop  }
0x8b: {  	[tilespmem:s4], [sflag:$0x1] =	stream.indirect.gather [hbm4b:s11+s6], $0x8, s2, s6, $0xb8;
	[tilespmem:$0x6400] =	vst v63  }
0x8c: {  	_ = 	snop  }
0x8d: {  	[tilespmem:s7], [sflag:$0x1] =	stream.indirect.gather [hbm4b:s13+s6], $0x10, s2, s6, $0xb8;
	[tilespmem:$0x6400] =	vst v63  }
0x8e: {  	_ = 	snop  }
0x8f: {  	[tilespmem:s8], [sflag:$0x1] =	stream.indirect.gather [hbm4b:s14+s6], $0x10, s15, s6, $0xb8;
	[tilespmem:$0x6400] =	vst v63  }
0x90: {  	s1 =	rddreg [dreg:$0xa]  }
0x91: {  	[tilespmem:s1], [sflag:$0x1] =	stream.indirect.gather [hbm4b:s10+s6], $0x8, s6, s6, $0xb8;
	[tilespmem:$0x6400] =	vst v63  }
0x92: {  	s17 =	rddreg [dreg:$0xb]  }
0x93: {  	[tilespmem:s17], [sflag:$0x1] =	stream.indirect.gather [hbm4b:s11+s6], $0x8, s6, s6, $0xb8;
	[tilespmem:$0x6400] =	vst v63  }
0x94: {  	s17 =	simm.s32 $0x4C00  }
0x95: {  	[tilespmem:s17], [sflag:$0x1] =	stream.indirect.gather [hbm4b:s13+s6], $0x10, s6, s6, $0xb8;
	[tilespmem:$0x6400] =	vst v63  }
0x96: {  	_ = 	snop  }
0x97: {  	[tilespmem:s21], [sflag:$0x1] =	stream.indirect.gather [hbm4b:s14+s6], $0x10, s19, s6, $0xb8;
	[tilespmem:$0x6400] =	vst v63  }
0x98: {  	_ = 	snop  }
0x99: {  	[tilespmem:s22], [sflag:$0x1] =	stream.indirect.gather [hbm4b:s10+s6], $0x8, s16, s6, $0xb8;
	[tilespmem:$0x6400] =	vst v63  }
0x9a: {  	_ = 	snop  }
0x9b: {  	[tilespmem:s23], [sflag:$0x1] =	stream.indirect.gather [hbm4b:s11+s6], $0x8, s16, s6, $0xb8;
	[tilespmem:$0x6400] =	vst v63  }
0x9c: {  	_ = 	snop  }
0x9d: {  	[tilespmem:s24], [sflag:$0x1] =	stream.indirect.gather [hbm4b:s13+s6], $0x10, s16, s6, $0xb8;
	[tilespmem:$0x6400] =	vst v63  }
0x9e: {  	_ = 	snop  }
0x9f: {  	[tilespmem:s26], [sflag:$0x1] =	stream.indirect.gather [hbm4b:s14+s6], $0x10, s25, s6, $0xb8;
	[tilespmem:$0x6400] =	vst v63  }
0xa0: {  	_ = 	snop  }
0xa1: {  	[tilespmem:s28], [sflag:$0x1] =	stream.indirect.gather [hbm4b:s10+s6], $0x8, s20, s6, $0xb8;
	[tilespmem:$0x6400] =	vst v63  }
0xa2: {  	_ = 	snop  }
0xa3: {  	[tilespmem:s29], [sflag:$0x1] =	stream.indirect.gather [hbm4b:s11+s6], $0x8, s20, s6, $0xb8;
	[tilespmem:$0x6400] =	vst v63  }
0xa4: {  	_ = 	snop  }
0xa5: {  	[tilespmem:s30], [sflag:$0x1] =	stream.indirect.gather [hbm4b:s13+s6], $0x10, s20, s6, $0xb8;
	[tilespmem:$0x6400] =	vst v63  }
0xa6: {  	_ = 	snop  }
0xa7: {  	[tilespmem:s18], [sflag:$0x1] =	stream.indirect.gather [hbm4b:s14+s6], $0x10, s31, s6, $0xb8;
	[tilespmem:$0x6400] =	vst v63  }
0xa8: {  	_ =	swait.ge [sflag:s12], $0x400  }
0xa9: {  	[sflag:s12] =	ssyncset.done $0x0  }
0xaa: {  	[sflag:s12] =	ssyncadd.s32 $0xFFFFFC00  }
0xab: {  	_ =	swait.ge [sflag:s12], $0x400  }
0xac: {  	[sflag:s12] =	ssyncset.done $0x0  }
0xad: {  	[sflag:s12] =	ssyncadd.s32 $0xFFFFFC00  }
0xae: {  	_ =	swait.ge [sflag:s12], $0x800  }
0xaf: {  	[sflag:s12] =	ssyncset.done $0x0  }
0xb0: {  	[sflag:s12] =	ssyncadd.s32 $0xFFFFF800  }
0xb1: {  	_ =	swait.ge [sflag:s12], $0x800  }
0xb2: {  	[sflag:s12] =	ssyncset.done $0x0  }
0xb3: {  	[sflag:s12] =	ssyncadd.s32 $0xFFFFF800  }
0xb4: {  	_ =	swait.ge [sflag:s12], $0x400  }
0xb5: {  	[sflag:s12] =	ssyncset.done $0x0  }
0xb6: {  	[sflag:s12] =	ssyncadd.s32 $0xFFFFFC00  }
0xb7: {  	_ =	swait.ge [sflag:s12], $0x400  }
0xb8: {  	[sflag:s12] =	ssyncset.done $0x0  }
0xb9: {  	[sflag:s12] =	ssyncadd.s32 $0xFFFFFC00  }
0xba: {  	_ =	swait.ge [sflag:s12], $0x800  }
0xbb: {  	[sflag:s12] =	ssyncset.done $0x0  }
0xbc: {  	[sflag:s12] =	ssyncadd.s32 $0xFFFFF800  }
0xbd: {  	_ =	swait.ge [sflag:s12], $0x800  }
0xbe: {  	[sflag:s12] =	ssyncset.done $0x0  }
0xbf: {  	[sflag:s12] =	ssyncadd.s32 $0xFFFFF800  }
0xc0: {  	_ =	swait.ge [sflag:s12], $0x400  }
0xc1: {  	[sflag:s12] =	ssyncset.done $0x0  }
0xc2: {  	[sflag:s12] =	ssyncadd.s32 $0xFFFFFC00  }
0xc3: {  	_ =	swait.ge [sflag:s12], $0x400  }
0xc4: {  	[sflag:s12] =	ssyncset.done $0x0  }
0xc5: {  	[sflag:s12] =	ssyncadd.s32 $0xFFFFFC00  }
0xc6: {  	_ =	swait.ge [sflag:s12], $0x800  }
0xc7: {  	[sflag:s12] =	ssyncset.done $0x0  }
0xc8: {  	[sflag:s12] =	ssyncadd.s32 $0xFFFFF800  }
0xc9: {  	_ =	swait.ge [sflag:s12], $0x800  }
0xca: {  	[sflag:s12] =	ssyncset.done $0x0  }
0xcb: {  	[sflag:s12] =	ssyncadd.s32 $0xFFFFF800  }
0xcc: {  	_ =	swait.ge [sflag:s12], $0x400  }
0xcd: {  	[sflag:s12] =	ssyncset.done $0x0  }
0xce: {  	[sflag:s12] =	ssyncadd.s32 $0xFFFFFC00  }
0xcf: {  	_ =	swait.ge [sflag:s12], $0x400  }
0xd0: {  	[sflag:s12] =	ssyncset.done $0x0  }
0xd1: {  	[sflag:s12] =	ssyncadd.s32 $0xFFFFFC00  }
0xd2: {  	_ =	swait.ge [sflag:s12], $0x800  }
0xd3: {  	[sflag:s12] =	ssyncset.done $0x0  }
0xd4: {  	[sflag:s12] =	ssyncadd.s32 $0xFFFFF800  }
0xd5: {  	_ =	swait.ge [sflag:s12], $0x800  }
0xd6: {  	[sflag:s12] =	ssyncset.done $0x0  }
0xd7: {  	s17 =	rddreg [dreg:$0x6];
	[sflag:s12] =	ssyncadd.s32 $0xFFFFF800  }
0xd8: {  	[hbm4b:s17+s9] =	stream.strided.scatter [tilespmem:s8], [sflag:$0x2], $0x2000, s6, s9, $0x38;
	[tilespmem:$0x6400] =	vst v63  }
0xd9: {  	_ =	swait.ge [sflag:s3], $0x2000  }
0xda: {  	[sflag:s3] =	ssyncset.done $0x0  }
0xdb: {  	s17 =	rddreg [dreg:$0x7];
	[sflag:s3] =	ssyncadd.s32 $0xFFFFE000  }
0xdc: {  	[hbm4b:s17+s9] =	stream.strided.scatter [tilespmem:s7], [sflag:$0x2], $0x2000, s6, s9, $0x38;
	[tilespmem:$0x6400] =	vst v63  }
0xdd: {  	_ =	swait.ge [sflag:s3], $0x2000  }
0xde: {  	[sflag:s3] =	ssyncset.done $0x0  }
0xdf: {  	s17 =	rddreg [dreg:$0x8];
	[sflag:s3] =	ssyncadd.s32 $0xFFFFE000  }
0xe0: {  	[hbm4b:s17+s2] =	stream.linear.scatter [tilespmem:s5], [sflag:$0x2], $0x1000, $0x38;
	[tilespmem:$0x6400] =	vst v63  }
0xe1: {  	p1 =	sne.s32 s0, $0x1;
	_ =	swait.ge [sflag:s3], $0x1000  }
.Ltmp2:
0xe2: {  	[sflag:s3] =	ssyncset.done $0x0;
	(pc) =	sbr.rel @p1 .LBB2_4-.Ltmp2, $4  }
0xe3: {  	s17 =	rddreg [dreg:$0x9];
	[sflag:s3] =	ssyncadd.s32 $0xFFFFF000  }
0xe4: {  	[hbm4b:s17+s2] =	stream.linear.scatter [tilespmem:s4], [sflag:$0x2], $0x1000, $0x38;
	[tilespmem:$0x6400] =	vst v63  }
0xe5: {  	_ =	swait.ge [sflag:s3], $0x1000  }
0xe6: {  	s0 =	sadd.s32 $0xFFFFFFFF, s0;
	s1 =	rddreg [dreg:$0x4];
	[sflag:s3] =	ssyncset.done $0x0  }
0xe7: {  	s31 =	simm.s32 $0x380  }
0xe8: {  	s30 =	simm.s32 $0x5C00;
	s29 =	simm.s32 $0x2000;
	s28 =	simm.s32 $0x1000  }
0xe9: {  	s26 =	simm.s32 $0x3400;
	s25 =	simm.s32 $0x300;
	s24 =	simm.s32 $0x5400  }
0xea: {  	s23 =	simm.s32 $0x1C00;
	s22 =	simm.s32 $0xC00;
	s21 =	simm.s32 $0x2C00  }
0xeb: {  	s19 =	simm.s32 $0x280;
	s18 =	simm.s32 $0x4C00;
	s17 =	rddreg [dreg:$0x3]  }
.LBB2_6:
0xec: {  	[sflag:s3] =	ssyncadd.s32 @p0 $0xFFFFF000  }
0xed: {  	[tilespmem:s2], [sflag:$0x2] =	stream.linear.gather [hbm4b:s1+s2], $0x200, $0x38;
	[tilespmem:$0x6400] =	vst v63  }
0xee: {  	_ =	swait.ge [sflag:s3], $0x200  }
0xef: {  	[sflag:s3] =	ssyncset.done $0x0  }
0xf0: {  	s0 =	rddreg [dreg:$0x5];
	[sflag:s3] =	ssyncadd.s32 $0xFFFFFE00  }
0xf1: {  	[tilespmem:s15], [sflag:$0x2] =	stream.linear.gather [hbm4b:s0+s2], $0x200, $0x38;
	[tilespmem:$0x6400] =	vst v63  }
0xf2: {  	_ =	swait.ge [sflag:s3], $0x200  }
0xf3: {  	[sflag:s3] =	ssyncset.done $0x0  }
0xf4: {  	[sflag:s3] =	ssyncadd.s32 $0xFFFFFE00  }
0xf5: {  	[tilespmem:s5], [sflag:$0x1] =	stream.indirect.gather [hbm4b:s10+s6], $0x8, s2, s6, $0xb8;
	[tilespmem:$0x6400] =	vst v63  }
0xf6: {  	_ = 	snop  }
0xf7: {  	[tilespmem:s4], [sflag:$0x1] =	stream.indirect.gather [hbm4b:s11+s6], $0x8, s2, s6, $0xb8;
	[tilespmem:$0x6400] =	vst v63  }
0xf8: {  	_ = 	snop  }
0xf9: {  	[tilespmem:s7], [sflag:$0x1] =	stream.indirect.gather [hbm4b:s13+s6], $0x10, s2, s6, $0xb8;
	[tilespmem:$0x6400] =	vst v63  }
0xfa: {  	_ = 	snop  }
0xfb: {  	[tilespmem:s8], [sflag:$0x1] =	stream.indirect.gather [hbm4b:s14+s6], $0x10, s15, s6, $0xb8;
	[tilespmem:$0x6400] =	vst v63  }
0xfc: {  	s1 =	rddreg [dreg:$0xa]  }
0xfd: {  	[tilespmem:s1], [sflag:$0x1] =	stream.indirect.gather [hbm4b:s10+s6], $0x8, s6, s6, $0xb8;
	[tilespmem:$0x6400] =	vst v63  }
0xfe: {  	s15 =	rddreg [dreg:$0xb]  }
0xff: {  	[tilespmem:s15], [sflag:$0x1] =	stream.indirect.gather [hbm4b:s11+s6], $0x8, s6, s6, $0xb8;
	[tilespmem:$0x6400] =	vst v63  }
0x100: {  	_ = 	snop  }
0x101: {  	[tilespmem:s18], [sflag:$0x1] =	stream.indirect.gather [hbm4b:s13+s6], $0x10, s6, s6, $0xb8;
	[tilespmem:$0x6400] =	vst v63  }
0x102: {  	_ = 	snop  }
0x103: {  	[tilespmem:s21], [sflag:$0x1] =	stream.indirect.gather [hbm4b:s14+s6], $0x10, s19, s6, $0xb8;
	[tilespmem:$0x6400] =	vst v63  }
0x104: {  	_ = 	snop  }
0x105: {  	[tilespmem:s22], [sflag:$0x1] =	stream.indirect.gather [hbm4b:s10+s6], $0x8, s16, s6, $0xb8;
	[tilespmem:$0x6400] =	vst v63  }
0x106: {  	_ = 	snop  }
0x107: {  	[tilespmem:s23], [sflag:$0x1] =	stream.indirect.gather [hbm4b:s11+s6], $0x8, s16, s6, $0xb8;
	[tilespmem:$0x6400] =	vst v63  }
0x108: {  	_ = 	snop  }
0x109: {  	[tilespmem:s24], [sflag:$0x1] =	stream.indirect.gather [hbm4b:s13+s6], $0x10, s16, s6, $0xb8;
	[tilespmem:$0x6400] =	vst v63  }
0x10a: {  	_ = 	snop  }
0x10b: {  	[tilespmem:s26], [sflag:$0x1] =	stream.indirect.gather [hbm4b:s14+s6], $0x10, s25, s6, $0xb8;
	[tilespmem:$0x6400] =	vst v63  }
0x10c: {  	_ = 	snop  }
0x10d: {  	[tilespmem:s28], [sflag:$0x1] =	stream.indirect.gather [hbm4b:s10+s6], $0x8, s20, s6, $0xb8;
	[tilespmem:$0x6400] =	vst v63  }
0x10e: {  	_ = 	snop  }
0x10f: {  	[tilespmem:s29], [sflag:$0x1] =	stream.indirect.gather [hbm4b:s11+s6], $0x8, s20, s6, $0xb8;
	[tilespmem:$0x6400] =	vst v63  }
0x110: {  	_ = 	snop  }
0x111: {  	[tilespmem:s30], [sflag:$0x1] =	stream.indirect.gather [hbm4b:s13+s6], $0x10, s20, s6, $0xb8;
	[tilespmem:$0x6400] =	vst v63  }
0x112: {  	s25 =	simm.s32 $0x3C00  }
0x113: {  	[tilespmem:s25], [sflag:$0x1] =	stream.indirect.gather [hbm4b:s14+s6], $0x10, s31, s6, $0xb8;
	[tilespmem:$0x6400] =	vst v63  }
0x114: {  	_ =	swait.ge [sflag:s12], $0x400  }
0x115: {  	[sflag:s12] =	ssyncset.done $0x0  }
0x116: {  	[sflag:s12] =	ssyncadd.s32 $0xFFFFFC00  }
0x117: {  	_ =	swait.ge [sflag:s12], $0x400  }
0x118: {  	[sflag:s12] =	ssyncset.done $0x0  }
0x119: {  	[sflag:s12] =	ssyncadd.s32 $0xFFFFFC00  }
0x11a: {  	_ =	swait.ge [sflag:s12], $0x800  }
0x11b: {  	[sflag:s12] =	ssyncset.done $0x0  }
0x11c: {  	[sflag:s12] =	ssyncadd.s32 $0xFFFFF800  }
0x11d: {  	_ =	swait.ge [sflag:s12], $0x800  }
0x11e: {  	[sflag:s12] =	ssyncset.done $0x0  }
0x11f: {  	[sflag:s12] =	ssyncadd.s32 $0xFFFFF800  }
0x120: {  	_ =	swait.ge [sflag:s12], $0x400  }
0x121: {  	[sflag:s12] =	ssyncset.done $0x0  }
0x122: {  	[sflag:s12] =	ssyncadd.s32 $0xFFFFFC00  }
0x123: {  	_ =	swait.ge [sflag:s12], $0x400  }
0x124: {  	[sflag:s12] =	ssyncset.done $0x0  }
0x125: {  	[sflag:s12] =	ssyncadd.s32 $0xFFFFFC00  }
0x126: {  	_ =	swait.ge [sflag:s12], $0x800  }
0x127: {  	[sflag:s12] =	ssyncset.done $0x0  }
0x128: {  	[sflag:s12] =	ssyncadd.s32 $0xFFFFF800  }
0x129: {  	_ =	swait.ge [sflag:s12], $0x800  }
0x12a: {  	[sflag:s12] =	ssyncset.done $0x0  }
0x12b: {  	[sflag:s12] =	ssyncadd.s32 $0xFFFFF800  }
0x12c: {  	_ =	swait.ge [sflag:s12], $0x400  }
0x12d: {  	[sflag:s12] =	ssyncset.done $0x0  }
0x12e: {  	[sflag:s12] =	ssyncadd.s32 $0xFFFFFC00  }
0x12f: {  	_ =	swait.ge [sflag:s12], $0x400  }
0x130: {  	[sflag:s12] =	ssyncset.done $0x0  }
0x131: {  	[sflag:s12] =	ssyncadd.s32 $0xFFFFFC00  }
0x132: {  	_ =	swait.ge [sflag:s12], $0x800  }
0x133: {  	[sflag:s12] =	ssyncset.done $0x0  }
0x134: {  	[sflag:s12] =	ssyncadd.s32 $0xFFFFF800  }
0x135: {  	_ =	swait.ge [sflag:s12], $0x800  }
0x136: {  	[sflag:s12] =	ssyncset.done $0x0  }
0x137: {  	[sflag:s12] =	ssyncadd.s32 $0xFFFFF800  }
0x138: {  	_ =	swait.ge [sflag:s12], $0x400  }
0x139: {  	[sflag:s12] =	ssyncset.done $0x0  }
0x13a: {  	[sflag:s12] =	ssyncadd.s32 $0xFFFFFC00  }
0x13b: {  	_ =	swait.ge [sflag:s12], $0x400  }
0x13c: {  	[sflag:s12] =	ssyncset.done $0x0  }
0x13d: {  	[sflag:s12] =	ssyncadd.s32 $0xFFFFFC00  }
0x13e: {  	_ =	swait.ge [sflag:s12], $0x800  }
0x13f: {  	[sflag:s12] =	ssyncset.done $0x0  }
0x140: {  	[sflag:s12] =	ssyncadd.s32 $0xFFFFF800  }
0x141: {  	_ =	swait.ge [sflag:s12], $0x800  }
0x142: {  	[sflag:s12] =	ssyncset.done $0x0  }
0x143: {  	s26 =	rddreg [dreg:$0x6];
	[sflag:s12] =	ssyncadd.s32 $0xFFFFF800  }
0x144: {  	[hbm4b:s26+s9] =	stream.strided.scatter [tilespmem:s8], [sflag:$0x2], $0x2000, s6, s9, $0x38;
	[tilespmem:$0x6400] =	vst v63  }
0x145: {  	_ =	swait.ge [sflag:s3], $0x2000  }
0x146: {  	[sflag:s3] =	ssyncset.done $0x0  }
0x147: {  	s28 =	rddreg [dreg:$0x7];
	[sflag:s3] =	ssyncadd.s32 $0xFFFFE000  }
0x148: {  	[hbm4b:s28+s9] =	stream.strided.scatter [tilespmem:s7], [sflag:$0x2], $0x2000, s6, s9, $0x38;
	[tilespmem:$0x6400] =	vst v63  }
0x149: {  	_ =	swait.ge [sflag:s3], $0x2000  }
0x14a: {  	[sflag:s3] =	ssyncset.done $0x0  }
0x14b: {  	s29 =	rddreg [dreg:$0x8];
	[sflag:s3] =	ssyncadd.s32 $0xFFFFE000  }
0x14c: {  	[hbm4b:s29+s2] =	stream.linear.scatter [tilespmem:s5], [sflag:$0x2], $0x1000, $0x38;
	[tilespmem:$0x6400] =	vst v63  }
0x14d: {  	_ =	swait.ge [sflag:s3], $0x1000  }
0x14e: {  	[sflag:s3] =	ssyncset.done $0x0  }
0x14f: {  	s30 =	rddreg [dreg:$0x9];
	[sflag:s3] =	ssyncadd.s32 $0xFFFFF000  }
0x150: {  	[hbm4b:s30+s2] =	stream.linear.scatter [tilespmem:s4], [sflag:$0x2], $0x1000, $0x38;
	[tilespmem:$0x6400] =	vst v63  }
0x151: {  	_ =	swait.ge [sflag:s3], $0x1000  }
0x152: {  	[sflag:s3] =	ssyncset.done $0x0  }
0x153: {  	[sflag:s3] =	ssyncadd.s32 $0xFFFFF000  }
0x154: {  	_ =	sfence.sel $0x180000  }
0x155: {  	s31 =	stileid.u32;
	[bflag:$0x0] =	sbarrier.arrive $0xFFFF  }
0x156: {  	p0 =	sne.s32 s31, $0x0;
	_ =	strace $0x90000047  }
0x157: {  	s0 =	sadd.s32 @!p0 $0x100000, s17;
	[bflag:$0x2] =	sbarrier.arrive $0xFFFF  }
0x158: {  	[sflag:s0] =	ssyncadd.tile.s32 @!p0 $0x1;
	_ =	shalt  }
.LBB2_1:
.Ltmp3:
0x159: {  	(pc) =	sbr.rel .LBB2_6-.Ltmp3, $4  }
0x15a: {  	s31 =	simm.s32 $0x380;
	s30 =	simm.s32 $0x5C00;
	s29 =	simm.s32 $0x2000  }
0x15b: {  	s28 =	simm.s32 $0x1000;
	s26 =	simm.s32 $0x3400;
	s25 =	simm.s32 $0x300  }
0x15c: {  	s24 =	simm.s32 $0x5400;
	s23 =	simm.s32 $0x1C00;
	s22 =	simm.s32 $0xC00  }
0x15d: {  	s21 =	simm.s32 $0x2C00;
	s19 =	simm.s32 $0x280;
	s18 =	simm.s32 $0x4C00  }
.LBB2_3:
.Ltmp4:
0x15e: {  	s31 =	simm.s32 $0x380;
	(pc) =	sbr.rel .LBB2_6-.Ltmp4, $4  }
0x15f: {  	s30 =	simm.s32 $0x5C00;
	s29 =	simm.s32 $0x2000;
	s28 =	simm.s32 $0x1000  }
0x160: {  	s26 =	simm.s32 $0x3400;
	s25 =	simm.s32 $0x300;
	s24 =	simm.s32 $0x5400  }
0x161: {  	s23 =	simm.s32 $0x1C00;
	s22 =	simm.s32 $0xC00;
	s21 =	simm.s32 $0x2C00  }
0x162: {  	s19 =	simm.s32 $0x280;
	s18 =	simm.s32 $0x4C00;
	s17 =	rddreg [dreg:$0x3]  }
.Lfunc_end2:
_tile_overlayer_lowered:
.L_overlay_start_2:
0x163: {  	(tag) =	ssettag $0x2  }
0x164: {  	s0 =	rddreg [dreg:$0x0];
	s2 =	stileid.u32  }
0x165: {  	s1 =	rddreg [dreg:$0x1];
	p0 =	sne.s32 s2, $0x0  }
0x166: {  	s3 =	rddreg [dreg:$0x2];
	[bflag:$0x3] =	sbarrier.arrive $0xFFFF;
	s2 =	simm.s32 @!p0 $0x1C02  }
0x167: {  	[timem:s3], [sflag:s2] =	dma.local @!p0 [hbm:s0], s1  }
0x168: {  	s0 =	simm.s32 @!p0 $0x2  }
0x169: {  	_ =	swait.ge @!p0 [sflag:s0], s1  }
0x16a: {  	s1 =	ssub.s32 @!p0 $0x0, s1;
	[sflag:s0] =	ssyncset.done @!p0 $0x0  }
0x16b: {  	[sflag:s0] =	ssyncadd.s32 @!p0 s1  }
0x16c: {  	[bflag:$0x3] =	sbarrier.arrive $0xFFFF  }
0x16d: {  	_ =	shalt  }

// kernel: kernel.9.cloned.1.call-start
scs
__scs_entry_jumppad:
0x0: {  	(pc) =	sbr.rel $0x88, $3  }
0x1: {  	(tag) =	ssettag $0x0;
	lr =	simm.s32 $0x1  }
0x2: {  	[smem:$0x3F97] =	sst lr;
	_ =	strace $0xD0000000  }
0x3: {  	_ = 	snop  }
0x4: {  	_ = 	snop  }
0x5: {  	_ = 	snop  }
0x6: {  	_ = 	snop  }
0x7: {  	_ = 	snop  }
__scs_overlays_trampoline_lowered:
0x8: {  	[smem:$0x3FA6] =	sst s0  }
0x9: {  	[smem:$0x3FA7] =	sst s1  }
0xa: {  	[smem:$0x3FA8] =	sst s2  }
0xb: {  	[smem:$0x3FA9] =	sst s3  }
0xc: {  	[smem:$0x3FAA] =	sst s4  }
0xd: {  	[smem:$0x3FAB] =	sst s5  }
0xe: {  	[smem:$0x3FAC] =	sst s6  }
0xf: {  	[smem:$0x3FAD] =	sst s7  }
0x10: {  	[smem:$0x3FAE] =	sst s8  }
0x11: {  	[smem:$0x3FAF] =	sst s9;
	s0 =	simm.s32 @!p0 $0x0  }
0x12: {  	s1 =	sld [smem:$0x3F95];
	s0 =	simm.s32 @p0 $0x1  }
0x13: {  	[smem:$0x3FB0] =	sst s0;
	s0 =	simm.s32 @!p1 $0x0  }
0x14: {  	s2 =	sld [smem:$0x3F94];
	s0 =	simm.s32 @p1 $0x1  }
0x15: {  	[smem:$0x3FB1] =	sst s0;
	s0 =	simm.s32 @!p2 $0x0  }
0x16: {  	s3 =	sld [smem:$0x3FDB];
	s0 =	simm.s32 @p2 $0x1  }
0x17: {  	s4 =	simm.s32 $0x1BF5;
	[smem:$0x3FB3] =	sst s0  }
0x18: {  	s0 =	sld [smem:$0x3F96];
	_ =	swait.ge [sflag:s4], $0x0  }
0x19: {  	s7 =	sld [smem:$0x3F97]  }
0x1a: {  	s8 =	sadd.s32 $0xFFFFE003, lr  }
0x1b: {  	s9 =	sadd.s32 $0xFFFFFEF7, lr;
	s5 =	simm.s32 $0xFFFFFFFF;
	p2 =	slt.u32 s8, $0xFFFFF086  }
0x1c: {  	p1 =	slt.u32 s9, $0xF7A;
	s5 =	simm.s32 @!p2 $0x0  }
0x1d: {  	s5 =	simm.s32 @p1 $0x1;
	p0 =	seq.s32 s7, s2  }
0x1e: {  	s7 =	smul.u32 @!p0 $0xF7A, s2;
	p2 =	seq.s32 @!p0 s5, $0x0  }
0x1f: {  	s9 =	smul.u32 $0xF7A, s1;
	s8 =	simm.s32 @!p0 $0x1BF5;
	p2 =	por !p2, p0  }
0x20: {  	[sflag:s8] =	ssyncset.s32 @!p0 $0xFFFFF086;
	s6 =	sadd.s32 @!p0 s3, s7;
	s7 =	simm.s32 @!p0 $0x108  }
0x21: {  	s3 =	sadd.s32 s3, s9;
	s6 =	sadd.s32 @!p0 $0x88, s6;
	s7 =	simm.s32 @p2 $0x1082  }
0x22: {  	[simem:s7], [sflag:s8] =	dma.local @!p0 [hbm:s6], $0xF7A  }
0x23: {  	s9 =	sor.u32 $0xD0000000, s2;
	s6 =	simm.s32 $0x108;
	_ =	swait.ge @!p0 [sflag:s8], $0x0  }
0x24: {  	s3 =	sadd.s32 $0x88, s3;
	s6 =	simm.s32 @!p1 $0x1082;
	[sflag:s4] =	ssyncset.s32 $0xFFFFF086  }
0x25: {  	[simem:s6], [sflag:s4] =	dma.local [hbm:s3], $0xF7A  }
0x26: {  	[smem:$0x3F97] =	sst s1;
	(tag) =	ssettag s2;
	_ =	strace s9  }
0x27: {  	s1 =	sld [smem:$0x3FA7]  }
0x28: {  	s2 =	sld [smem:$0x3FA8]  }
0x29: {  	s4 =	sld [smem:$0x3FAA]  }
0x2a: {  	p0 =	seq.s32 s5, $0x0;
	s5 =	sld [smem:$0x3FAB]  }
0x2b: {  	s6 =	sld [smem:$0x3FAC]  }
0x2c: {  	s7 =	sld [smem:$0x3FAD]  }
0x2d: {  	s3 =	simm.s32 $0x108;
	s8 =	sld [smem:$0x3FAE]  }
0x2e: {  	s3 =	simm.s32 @!p0 $0x1082;
	s9 =	sld [smem:$0x3FAF]  }
0x2f: {  	lr =	sadd.s32 s0, s3;
	s0 =	sld [smem:$0x3FA6]  }
0x30: {  	s3 =	sld [smem:$0x3FA9]  }
0x31: {  	[smem:$0x3FB2] =	sst s10  }
0x32: {  	s10 =	sld [smem:$0x3FB0];
	_ =	sdelay $0x3  }
0x33: {  	p0 =	seq.s32 s10, $0x1;
	s10 =	sld [smem:$0x3FB2];
	_ =	sdelay $0x3  }
0x34: {  	[smem:$0x3FB2] =	sst s10  }
0x35: {  	s10 =	sld [smem:$0x3FB1];
	_ =	sdelay $0x3  }
0x36: {  	p1 =	seq.s32 s10, $0x1;
	s10 =	sld [smem:$0x3FB2];
	_ =	sdelay $0x3  }
0x37: {  	[smem:$0x3FB2] =	sst s10  }
0x38: {  	s10 =	sld [smem:$0x3FB3]  }
0x39: {  	_ = 	snop;
	(pc) =	sbr.ind lr, $3  }
0x3a: {  	_ = 	snop  }
0x3b: {  	_ = 	snop  }
0x3c: {  	p2 =	seq.s32 s10, $0x1;
	s10 =	sld [smem:$0x3FB2]  }
0x3d: {  	_ =	shalt  }
0x3e: {  	_ =	shalt  }
0x3f: {  	_ =	shalt  }
0x40: {  	_ =	shalt  }
0x41: {  	_ =	shalt  }
0x42: {  	_ =	shalt  }
0x43: {  	_ =	shalt  }
0x44: {  	_ =	shalt  }
0x45: {  	_ =	shalt  }
0x46: {  	_ =	shalt  }
0x47: {  	_ =	shalt  }
0x48: {  	_ =	shalt  }
0x49: {  	_ =	shalt  }
0x4a: {  	_ =	shalt  }
0x4b: {  	_ =	shalt  }
0x4c: {  	_ =	shalt  }
0x4d: {  	_ =	shalt  }
0x4e: {  	_ =	shalt  }
0x4f: {  	_ =	shalt  }
0x50: {  	_ =	shalt  }
0x51: {  	_ =	shalt  }
0x52: {  	_ =	shalt  }
0x53: {  	_ =	shalt  }
0x54: {  	_ =	shalt  }
0x55: {  	_ =	shalt  }
0x56: {  	_ =	shalt  }
0x57: {  	_ =	shalt  }
0x58: {  	_ =	shalt  }
0x59: {  	_ =	shalt  }
0x5a: {  	_ =	shalt  }
0x5b: {  	_ =	shalt  }
0x5c: {  	_ =	shalt  }
0x5d: {  	_ =	shalt  }
0x5e: {  	_ =	shalt  }
0x5f: {  	_ =	shalt  }
0x60: {  	_ =	shalt  }
0x61: {  	_ =	shalt  }
0x62: {  	_ =	shalt  }
0x63: {  	_ =	shalt  }
0x64: {  	_ =	shalt  }
0x65: {  	_ =	shalt  }
0x66: {  	_ =	shalt  }
0x67: {  	_ =	shalt  }
0x68: {  	_ =	shalt  }
0x69: {  	_ =	shalt  }
0x6a: {  	_ =	shalt  }
0x6b: {  	_ =	shalt  }
0x6c: {  	_ =	shalt  }
0x6d: {  	_ =	shalt  }
0x6e: {  	_ =	shalt  }
0x6f: {  	_ =	shalt  }
0x70: {  	_ =	shalt  }
0x71: {  	_ =	shalt  }
0x72: {  	_ =	shalt  }
0x73: {  	_ =	shalt  }
0x74: {  	_ =	shalt  }
0x75: {  	_ =	shalt  }
0x76: {  	_ =	shalt  }
0x77: {  	_ =	shalt  }
0x78: {  	_ =	shalt  }
0x79: {  	_ =	shalt  }
0x7a: {  	_ =	shalt  }
0x7b: {  	_ =	shalt  }
0x7c: {  	_ =	shalt  }
0x7d: {  	_ =	shalt  }
0x7e: {  	_ =	shalt  }
0x7f: {  	_ =	shalt  }
0x80: {  	_ =	shalt  }
0x81: {  	_ =	shalt  }
0x82: {  	_ =	shalt  }
0x83: {  	_ =	shalt  }
0x84: {  	_ =	shalt  }
0x85: {  	_ =	shalt  }
0x86: {  	_ =	shalt  }
0x87: {  	_ =	shalt  }
.Lfunc_end0:
.L_simem_size_0:
called_computation.1_lowered:
.L_overlay_start_0:
0x88: {  	s2 =	sld [smem:$0x3FD9]  }
0x89: {  	s3 =	sld [smem:$0x3FFE];
	_ =	sdelay $0x1  }
0x8a: {  	s1 =	srdreg.scid  }
0x8b: {  	s0 =	sand.u32 $0x1, s1  }
0x8c: {  	s16 =	sshll.u32 s0, $0xA;
	s2 =	sadd.s32 s3, s2  }
0x8d: {  	s2 =	sadd.s32 s2, s16  }
0x8e: {  	[smem:$0x3FBE] =	sst s2  }
0x8f: {  	_ = 	snop  }
0x90: {  	(tm) =	ssettm $0x1  }
0x91: {  	s17 =	sld [smem:$0x3FFB];
	_ =	sdelay $0x3  }
0x92: {  	_ =	strace s17  }
0x93: {  	s2 =	sld [smem:$0x3FFC];
	_ =	sdelay $0x3  }
0x94: {  	_ =	strace s2  }
0x95: {  	s2 =	sld [smem:$0x3FFD];
	_ =	sdelay $0x3  }
0x96: {  	_ =	strace s2  }
0x97: {  	_ =	strace $0x8FFFFFFF  }
0x98: {  	s18 =	sld [smem:$0x3FDB];
	_ =	sdelay $0x1  }
0x99: {  	s19 =	simm.s32 $_scs_section_size  }
0x9a: {  	s4 =	simm.s32 $_size__tile_overlayer_lowered;
	s5 =	simm.s32 $_tile_overlayer_lowered  }
0x9b: {  	s22 =	simm.s32 $0x1BFF;
	s21 =	sshll.u32 s5, $0x1;
	s2 =	sadd.s32 s19, s18  }
0x9c: {  	s6 =	simm.s32 $0x0;
	s20 =	sshll.u32 s4, $0x1;
	s4 =	sadd.s32 s21, s2  }
0x9d: {  	[timem:s6], [sflag:s22] =	dma.local [hbm:s4], s20  }
0x9e: {  	_ =	swait.ge [sflag:s22], s20  }
0x9f: {  	s3 =	ssub.s32 $0x0, s20;
	[sflag:s22] =	ssyncset.done $0x0  }
0xa0: {  	[sflag:s22] =	ssyncadd.s32 s3;
	_ =	sdelay $0x1  }
0xa1: {  	s23 =	simm.s32 $0x1B8B  }
0xa2: {  	_ =	swait.ge [sflag:s23], $0x1  }
0xa3: {  	[sflag:s23] =	ssyncset.done $0x0  }
0xa4: {  	s25 =	simm.s32 $0x1B8E;
	s24 =	sld [smem:$0x3FFE];
	[sflag:s23] =	ssyncadd.s32 $0xFFFFFFFF  }
0xa5: {  	s26 =	simm.s32 $execute0_lowered;
	[smem:$0x3FD2] =	sst s25  }
0xa6: {  	s4 =	sshll.u32 s26, $0x1;
	_ =	strace $0x80000049;
	[dreg:$0x1] =	wrdreg $0xFFFFFFFF  }
0xa7: {  	s28 =	simm.s32 $_size_execute0_lowered;
	s2 =	sadd.s32 s2, s4;
	[dreg:$0x0] =	wrdreg $0x0  }
0xa8: {  	s4 =	sshll.u32 s28, $0x1;
	[dreg:$0x2] =	wrdreg s2  }
0xa9: {  	[dreg:$0x3] =	wrdreg s4  }
0xaa: {  	[dreg:$0x4] =	wrdreg $0xC0  }
0xab: {  	_ =	task [dreg:s6], $0x5FFFF  }
0xac: {  	[dreg:$0x1] =	wrdreg $0xFFFFFFFF  }
0xad: {  	[dreg:$0x0] =	wrdreg $0x60  }
0xae: {  	[dreg:$0x2] =	wrdreg s24  }
0xaf: {  	[dreg:$0x3] =	wrdreg $0x9  }
0xb0: {  	_ =	task.clear_ibuf [dreg:s6], $0x4FFFF;
	_ =	strace $0x90000049  }
0xb1: {  	s29 =	simm.s32 $0x9;
	_ =	strace $0x8000004B  }
0xb2: {  	_ =	swait.ge [sflag:s29], $0x1  }
0xb3: {  	[sflag:s29] =	ssyncadd.s32 $0xFFFFFFFF  }
0xb4: {  	_ =	strace $0x9000004B  }
0xb5: {  	_ =	sfence  }
0xb6: {  	s30 =	sld [smem:$0x0];
	_ =	sdelay $0x2  }
0xb7: {  	s31 =	sshll.u32 s1, $0xD;
	s1 =	sshrl.u32 s1, $0x2  }
0xb8: {  	s3 =	sand.u32 $0x4000, s31;
	s1 =	sadd.s32 s1, s30  }
0xb9: {  	s0 =	sor.u32 s3, s0;
	s1 =	sshll.u32 s1, $0x11  }
0xba: {  	s0 =	sor.u32 s1, s0  }
0xbb: {  	s0 =	sadd.s32 $0x8F2B, s0  }
0xbc: {  	[sflag:s0] =	ssyncadd.remote.s32 $0x1  }
0xbd: {  	_ =	sfence.sel $0xFFFF  }
0xbe: {  	[dreg:$0x0] =	wrdreg $0xFFFFFFFF;
	(pc) =	sbr.abs _section_cstart, $3  }
0xbf: {  	[dreg:$0x1] =	wrdreg $0xFFFFFFFF  }
0xc0: {  	_ =	task.clear_ibuf [dreg:s6], $0x2FFFF;
	_ =	strace $0x9FFFFFFF  }
0xc1: {  	(tm) =	ssettm $0x7FFFFFFF  }
tec
execute0_lowered:
.L_overlay_start_1:
0x0: {  	(tag) =	ssettag $0x1  }
0x1: {  	s0 =	srdreg.scid  }
0x2: {  	s2 =	stileid.u32;
	s1 =	sand.u32 $0x1, s0  }
0x3: {  	s2 =	sshll.u32 s2, $0xD;
	s3 =	sshll.u32 s1, $0xC  }
0x4: {  	s0 =	rddreg [dreg:$0x0];
	s3 =	sor.u32 s3, s2;
	s2 =	simm.s32 $0x0  }
0x5: {  	s10 =	simm.s32 $0x1800;
	[smem:$0x7FF] =	sst s2  }
0x6: {  	s11 =	simm.s32 $0x100;
	_ =	strace $0x8000004A;
	[dreg:$0x4] =	wrdreg s10  }
0x7: {  	s12 =	simm.s32 $0x2000;
	[dreg:$0x5] =	wrdreg s11  }
0x8: {  	s13 =	simm.s32 $0x180;
	[dreg:$0x6] =	wrdreg s12  }
0x9: {  	s14 =	simm.s32 $0x2800;
	[dreg:$0x7] =	wrdreg s13  }
0xa: {  	s15 =	simm.s32 $0x200;
	[dreg:$0x8] =	wrdreg s14  }
0xb: {  	s16 =	simm.s32 $0x3000;
	[dreg:$0x9] =	wrdreg s15  }
0xc: {  	s17 =	simm.s32 $0x280;
	[dreg:$0xa] =	wrdreg s16  }
0xd: {  	s18 =	simm.s32 $0x3800;
	[dreg:$0xb] =	wrdreg s17  }
0xe: {  	s19 =	simm.s32 $0x300;
	[dreg:$0xc] =	wrdreg s18  }
0xf: {  	s20 =	simm.s32 $0x4000;
	[dreg:$0xd] =	wrdreg s19  }
0x10: {  	s21 =	simm.s32 $0x380;
	[dreg:$0xe] =	wrdreg s20  }
0x11: {  	s22 =	simm.s32 $0x4800;
	[dreg:$0xf] =	wrdreg s21  }
0x12: {  	s23 =	simm.s32 $0x400;
	[dreg:$0x10] =	wrdreg s22  }
0x13: {  	s24 =	simm.s32 $0x5000;
	[dreg:$0x11] =	wrdreg s23  }
0x14: {  	s25 =	simm.s32 $0x480;
	[dreg:$0x12] =	wrdreg s24  }
0x15: {  	s26 =	simm.s32 $0x5800;
	[dreg:$0x13] =	wrdreg s25  }
0x16: {  	s5 =	simm.s32 $0x6000;
	[dreg:$0x14] =	wrdreg s26  }
0x17: {  	s6 =	simm.s32 $0x580;
	[dreg:$0x16] =	wrdreg s5  }
0x18: {  	s7 =	simm.s32 $0x6800;
	[dreg:$0x17] =	wrdreg s6  }
0x19: {  	s8 =	simm.s32 $0x600;
	[dreg:$0x18] =	wrdreg s7  }
0x1a: {  	s9 =	simm.s32 $0x7000;
	[dreg:$0x19] =	wrdreg s8  }
0x1b: {  	[dreg:$0x1a] =	wrdreg s9;
	s10 =	simm.s32 $0x680  }
0x1c: {  	s11 =	simm.s32 $0x7800;
	[dreg:$0x1b] =	wrdreg s10  }
0x1d: {  	s12 =	simm.s32 $0x700;
	[dreg:$0x1c] =	wrdreg s11  }
0x1e: {  	s13 =	simm.s32 $0x8000;
	[dreg:$0x1d] =	wrdreg s12  }
0x1f: {  	s14 =	simm.s32 $0x780;
	[dreg:$0x1e] =	wrdreg s13  }
0x20: {  	s15 =	simm.s32 $0x8800;
	[dreg:$0x1f] =	wrdreg s14  }
0x21: {  	s16 =	simm.s32 $0x800;
	[smem:$0x7F8] =	sst s15  }
0x22: {  	s17 =	simm.s32 $0x9000;
	[smem:$0x7F9] =	sst s16  }
0x23: {  	s18 =	simm.s32 $0x880;
	[smem:$0x7F7] =	sst s17  }
0x24: {  	s19 =	simm.s32 $0x9800;
	[smem:$0x7FA] =	sst s18  }
0x25: {  	s20 =	simm.s32 $0x900;
	[smem:$0x7F6] =	sst s19  }
0x26: {  	s21 =	simm.s32 $0xA000;
	[smem:$0x7FB] =	sst s20  }
0x27: {  	s4 =	sshrl.u32 s3, $0x3;
	s22 =	simm.s32 $0x980;
	[smem:$0x7F5] =	sst s21  }
0x28: {  	s3 =	sshll.u32 s3, $0x1;
	s23 =	simm.s32 $0xA800;
	[smem:$0x7FC] =	sst s22  }
0x29: {  	s4 =	sadd.s32 s4, s0;
	s5 =	simm.s32 $0xA00;
	[smem:$0x7F4] =	sst s23  }
0x2a: {  	s3 =	sadd.s32 s3, s0;
	s4 =	sadd.s32 $0x12E8000, s4;
	[smem:$0x7FD] =	sst s5  }
0x2b: {  	s3 =	sadd.s32 $0x132C000, s3;
	[dreg:$0x2] =	wrdreg s4  }
0x2c: {  	[dreg:$0x3] =	wrdreg s3;
	s4 =	simm.s32 $0x500  }
0x2d: {  	[dreg:$0x15] =	wrdreg s4  }
0x2e: {  	s3 =	simm.s32 $0x2;
	s4 =	rddreg [dreg:$0x2]  }
0x2f: {  	[tilespmem:s2], [sflag:$0x2] =	stream.linear.gather [hbm4b:s4+s2], $0x1000, $0x38;
	[tilespmem:$0x11000] =	vst v63  }
0x30: {  	_ =	swait.ge [sflag:s3], $0x1000  }
0x31: {  	s7 =	sld [smem:$0x7F4]  }
0x32: {  	s8 =	sld [smem:$0x7F5]  }
0x33: {  	s9 =	sld [smem:$0x7F6]  }
0x34: {  	s10 =	sld [smem:$0x7F7]  }
0x35: {  	s11 =	sld [smem:$0x7F8]  }
0x36: {  	s12 =	rddreg [dreg:$0x1e]  }
0x37: {  	s13 =	rddreg [dreg:$0x1c]  }
0x38: {  	s14 =	rddreg [dreg:$0x1a]  }
0x39: {  	s15 =	rddreg [dreg:$0x18]  }
0x3a: {  	s16 =	rddreg [dreg:$0x16]  }
0x3b: {  	s17 =	rddreg [dreg:$0x14]  }
0x3c: {  	s18 =	rddreg [dreg:$0x12]  }
0x3d: {  	s19 =	rddreg [dreg:$0x10]  }
0x3e: {  	s20 =	rddreg [dreg:$0xe]  }
0x3f: {  	s24 =	rddreg [dreg:$0x5]  }
0x40: {  	s21 =	rddreg [dreg:$0x4]  }
0x41: {  	s6 =	simm.s32 $0x80;
	s22 =	rddreg [dreg:$0x6]  }
0x42: {  	s5 =	sadd.s32 $0x10FBA00, s0;
	[sflag:s3] =	ssyncset.done $0x0;
	s23 =	rddreg [dreg:$0x8]  }
0x43: {  	s4 =	simm.s32 $0x1000;
	s25 =	rddreg [dreg:$0x7];
	[sflag:s3] =	ssyncadd.s32 $0xFFFFF000  }
0x44: {  	[tilespmem:s4], [sflag:$0x1] =	stream.indirect.gather [hbm4b:s5+s6], $0x10, s2, s6, $0xb8;
	[tilespmem:$0x11000] =	vst v63  }
0x45: {  	s26 =	rddreg [dreg:$0x9]  }
0x46: {  	[tilespmem:s21], [sflag:$0x1] =	stream.indirect.gather [hbm4b:s5+s6], $0x10, s6, s6, $0xb8;
	[tilespmem:$0x11000] =	vst v63  }
0x47: {  	s21 =	sld [smem:$0x7F9]  }
0x48: {  	[tilespmem:s22], [sflag:$0x1] =	stream.indirect.gather [hbm4b:s5+s6], $0x10, s24, s6, $0xb8;
	[tilespmem:$0x11000] =	vst v63  }
0x49: {  	s22 =	rddreg [dreg:$0xa]  }
0x4a: {  	[tilespmem:s23], [sflag:$0x1] =	stream.indirect.gather [hbm4b:s5+s6], $0x10, s25, s6, $0xb8;
	[tilespmem:$0x11000] =	vst v63  }
0x4b: {  	s24 =	rddreg [dreg:$0xc]  }
0x4c: {  	[tilespmem:s22], [sflag:$0x1] =	stream.indirect.gather [hbm4b:s5+s6], $0x10, s26, s6, $0xb8;
	[tilespmem:$0x11000] =	vst v63  }
0x4d: {  	s25 =	rddreg [dreg:$0xb]  }
0x4e: {  	[tilespmem:s24], [sflag:$0x1] =	stream.indirect.gather [hbm4b:s5+s6], $0x10, s25, s6, $0xb8;
	[tilespmem:$0x11000] =	vst v63  }
0x4f: {  	s26 =	rddreg [dreg:$0xd]  }
0x50: {  	[tilespmem:s20], [sflag:$0x1] =	stream.indirect.gather [hbm4b:s5+s6], $0x10, s26, s6, $0xb8;
	[tilespmem:$0x11000] =	vst v63  }
0x51: {  	s22 =	rddreg [dreg:$0xf]  }
0x52: {  	[tilespmem:s19], [sflag:$0x1] =	stream.indirect.gather [hbm4b:s5+s6], $0x10, s22, s6, $0xb8;
	[tilespmem:$0x11000] =	vst v63  }
0x53: {  	s23 =	rddreg [dreg:$0x11]  }
0x54: {  	[tilespmem:s18], [sflag:$0x1] =	stream.indirect.gather [hbm4b:s5+s6], $0x10, s23, s6, $0xb8;
	[tilespmem:$0x11000] =	vst v63  }
0x55: {  	s24 =	rddreg [dreg:$0x13]  }
0x56: {  	[tilespmem:s17], [sflag:$0x1] =	stream.indirect.gather [hbm4b:s5+s6], $0x10, s24, s6, $0xb8;
	[tilespmem:$0x11000] =	vst v63  }
0x57: {  	s25 =	rddreg [dreg:$0x15]  }
0x58: {  	[tilespmem:s16], [sflag:$0x1] =	stream.indirect.gather [hbm4b:s5+s6], $0x10, s25, s6, $0xb8;
	[tilespmem:$0x11000] =	vst v63  }
0x59: {  	s26 =	rddreg [dreg:$0x17]  }
0x5a: {  	[tilespmem:s15], [sflag:$0x1] =	stream.indirect.gather [hbm4b:s5+s6], $0x10, s26, s6, $0xb8;
	[tilespmem:$0x11000] =	vst v63  }
0x5b: {  	s16 =	rddreg [dreg:$0x19]  }
0x5c: {  	[tilespmem:s14], [sflag:$0x1] =	stream.indirect.gather [hbm4b:s5+s6], $0x10, s16, s6, $0xb8;
	[tilespmem:$0x11000] =	vst v63  }
0x5d: {  	s18 =	rddreg [dreg:$0x1b]  }
0x5e: {  	[tilespmem:s13], [sflag:$0x1] =	stream.indirect.gather [hbm4b:s5+s6], $0x10, s18, s6, $0xb8;
	[tilespmem:$0x11000] =	vst v63  }
0x5f: {  	s19 =	rddreg [dreg:$0x1d]  }
0x60: {  	[tilespmem:s12], [sflag:$0x1] =	stream.indirect.gather [hbm4b:s5+s6], $0x10, s19, s6, $0xb8;
	[tilespmem:$0x11000] =	vst v63  }
0x61: {  	s20 =	rddreg [dreg:$0x1f]  }
0x62: {  	[tilespmem:s11], [sflag:$0x1] =	stream.indirect.gather [hbm4b:s5+s6], $0x10, s20, s6, $0xb8;
	[tilespmem:$0x11000] =	vst v63  }
0x63: {  	s22 =	sld [smem:$0x7FA]  }
0x64: {  	[tilespmem:s10], [sflag:$0x1] =	stream.indirect.gather [hbm4b:s5+s6], $0x10, s21, s6, $0xb8;
	[tilespmem:$0x11000] =	vst v63  }
0x65: {  	s23 =	sld [smem:$0x7FB]  }
0x66: {  	[tilespmem:s9], [sflag:$0x1] =	stream.indirect.gather [hbm4b:s5+s6], $0x10, s22, s6, $0xb8;
	[tilespmem:$0x11000] =	vst v63  }
0x67: {  	s24 =	sld [smem:$0x7FC]  }
0x68: {  	[tilespmem:s8], [sflag:$0x1] =	stream.indirect.gather [hbm4b:s5+s6], $0x10, s23, s6, $0xb8;
	[tilespmem:$0x11000] =	vst v63  }
0x69: {  	s25 =	sld [smem:$0x7FD]  }
0x6a: {  	[tilespmem:s7], [sflag:$0x1] =	stream.indirect.gather [hbm4b:s5+s6], $0x10, s24, s6, $0xb8;
	[tilespmem:$0x11000] =	vst v63  }
0x6b: {  	s26 =	simm.s32 $0xB000  }
0x6c: {  	[tilespmem:s26], [sflag:$0x1] =	stream.indirect.gather [hbm4b:s5+s6], $0x10, s25, s6, $0xb8;
	[tilespmem:$0x11000] =	vst v63  }
0x6d: {  	s9 =	simm.s32 $0xB800;
	s8 =	simm.s32 $0xA80  }
0x6e: {  	[tilespmem:s9], [sflag:$0x1] =	stream.indirect.gather [hbm4b:s5+s6], $0x10, s8, s6, $0xb8;
	[tilespmem:$0x11000] =	vst v63  }
0x6f: {  	s11 =	simm.s32 $0xC000;
	s10 =	simm.s32 $0xB00  }
0x70: {  	[tilespmem:s11], [sflag:$0x1] =	stream.indirect.gather [hbm4b:s5+s6], $0x10, s10, s6, $0xb8;
	[tilespmem:$0x11000] =	vst v63  }
0x71: {  	s13 =	simm.s32 $0xC800;
	s12 =	simm.s32 $0xB80  }
0x72: {  	[tilespmem:s13], [sflag:$0x1] =	stream.indirect.gather [hbm4b:s5+s6], $0x10, s12, s6, $0xb8;
	[tilespmem:$0x11000] =	vst v63  }
0x73: {  	s15 =	simm.s32 $0xD000;
	s14 =	simm.s32 $0xC00  }
0x74: {  	[tilespmem:s15], [sflag:$0x1] =	stream.indirect.gather [hbm4b:s5+s6], $0x10, s14, s6, $0xb8;
	[tilespmem:$0x11000] =	vst v63  }
0x75: {  	s17 =	simm.s32 $0xD800;
	s16 =	simm.s32 $0xC80  }
0x76: {  	[tilespmem:s17], [sflag:$0x1] =	stream.indirect.gather [hbm4b:s5+s6], $0x10, s16, s6, $0xb8;
	[tilespmem:$0x11000] =	vst v63  }
0x77: {  	s18 =	simm.s32 $0xD00;
	s19 =	simm.s32 $0xE000  }
0x78: {  	[tilespmem:s19], [sflag:$0x1] =	stream.indirect.gather [hbm4b:s5+s6], $0x10, s18, s6, $0xb8;
	[tilespmem:$0x11000] =	vst v63  }
0x79: {  	s20 =	simm.s32 $0xD80;
	s21 =	simm.s32 $0xE800  }
0x7a: {  	[tilespmem:s21], [sflag:$0x1] =	stream.indirect.gather [hbm4b:s5+s6], $0x10, s20, s6, $0xb8;
	[tilespmem:$0x11000] =	vst v63  }
0x7b: {  	s22 =	simm.s32 $0xE00;
	s23 =	simm.s32 $0xF000  }
0x7c: {  	[tilespmem:s23], [sflag:$0x1] =	stream.indirect.gather [hbm4b:s5+s6], $0x10, s22, s6, $0xb8;
	[tilespmem:$0x11000] =	vst v63  }
0x7d: {  	s24 =	simm.s32 $0xE80;
	s25 =	simm.s32 $0xF800  }
0x7e: {  	[tilespmem:s25], [sflag:$0x1] =	stream.indirect.gather [hbm4b:s5+s6], $0x10, s24, s6, $0xb8;
	[tilespmem:$0x11000] =	vst v63  }
0x7f: {  	s28 =	simm.s32 $0xF00;
	s29 =	simm.s32 $0x10000  }
0x80: {  	[tilespmem:s29], [sflag:$0x1] =	stream.indirect.gather [hbm4b:s5+s6], $0x10, s28, s6, $0xb8;
	[tilespmem:$0x11000] =	vst v63  }
0x81: {  	s30 =	simm.s32 $0xF80;
	s31 =	simm.s32 $0x10800;
	s20 =	simm.s32 $0x1  }
0x82: {  	[tilespmem:s31], [sflag:$0x1] =	stream.indirect.gather [hbm4b:s5+s6], $0x10, s30, s6, $0xb8;
	[tilespmem:$0x11000] =	vst v63  }
0x83: {  	_ =	swait.ge [sflag:s20], $0x800  }
0x84: {  	[sflag:s20] =	ssyncset.done $0x0  }
0x85: {  	[sflag:s20] =	ssyncadd.s32 $0xFFFFF800  }
0x86: {  	_ =	swait.ge [sflag:s20], $0x800  }
0x87: {  	[sflag:s20] =	ssyncset.done $0x0  }
0x88: {  	[sflag:s20] =	ssyncadd.s32 $0xFFFFF800  }
0x89: {  	_ =	swait.ge [sflag:s20], $0x800  }
0x8a: {  	[sflag:s20] =	ssyncset.done $0x0  }
0x8b: {  	[sflag:s20] =	ssyncadd.s32 $0xFFFFF800  }
0x8c: {  	_ =	swait.ge [sflag:s20], $0x800  }
0x8d: {  	[sflag:s20] =	ssyncset.done $0x0  }
0x8e: {  	[sflag:s20] =	ssyncadd.s32 $0xFFFFF800  }
0x8f: {  	_ =	swait.ge [sflag:s20], $0x800  }
0x90: {  	[sflag:s20] =	ssyncset.done $0x0  }
0x91: {  	[sflag:s20] =	ssyncadd.s32 $0xFFFFF800  }
0x92: {  	_ =	swait.ge [sflag:s20], $0x800  }
0x93: {  	[sflag:s20] =	ssyncset.done $0x0  }
0x94: {  	[sflag:s20] =	ssyncadd.s32 $0xFFFFF800  }
0x95: {  	_ =	swait.ge [sflag:s20], $0x800  }
0x96: {  	[sflag:s20] =	ssyncset.done $0x0  }
0x97: {  	[sflag:s20] =	ssyncadd.s32 $0xFFFFF800  }
0x98: {  	_ =	swait.ge [sflag:s20], $0x800  }
0x99: {  	[sflag:s20] =	ssyncset.done $0x0  }
0x9a: {  	[sflag:s20] =	ssyncadd.s32 $0xFFFFF800  }
0x9b: {  	_ =	swait.ge [sflag:s20], $0x800  }
0x9c: {  	[sflag:s20] =	ssyncset.done $0x0  }
0x9d: {  	[sflag:s20] =	ssyncadd.s32 $0xFFFFF800  }
0x9e: {  	_ =	swait.ge [sflag:s20], $0x800  }
0x9f: {  	[sflag:s20] =	ssyncset.done $0x0  }
0xa0: {  	[sflag:s20] =	ssyncadd.s32 $0xFFFFF800  }
0xa1: {  	_ =	swait.ge [sflag:s20], $0x800  }
0xa2: {  	[sflag:s20] =	ssyncset.done $0x0  }
0xa3: {  	[sflag:s20] =	ssyncadd.s32 $0xFFFFF800  }
0xa4: {  	_ =	swait.ge [sflag:s20], $0x800  }
0xa5: {  	[sflag:s20] =	ssyncset.done $0x0  }
0xa6: {  	[sflag:s20] =	ssyncadd.s32 $0xFFFFF800  }
0xa7: {  	_ =	swait.ge [sflag:s20], $0x800  }
0xa8: {  	[sflag:s20] =	ssyncset.done $0x0  }
0xa9: {  	[sflag:s20] =	ssyncadd.s32 $0xFFFFF800  }
0xaa: {  	_ =	swait.ge [sflag:s20], $0x800  }
0xab: {  	[sflag:s20] =	ssyncset.done $0x0  }
0xac: {  	[sflag:s20] =	ssyncadd.s32 $0xFFFFF800  }
0xad: {  	_ =	swait.ge [sflag:s20], $0x800  }
0xae: {  	[sflag:s20] =	ssyncset.done $0x0  }
0xaf: {  	[sflag:s20] =	ssyncadd.s32 $0xFFFFF800  }
0xb0: {  	_ =	swait.ge [sflag:s20], $0x800  }
0xb1: {  	[sflag:s20] =	ssyncset.done $0x0  }
0xb2: {  	[sflag:s20] =	ssyncadd.s32 $0xFFFFF800  }
0xb3: {  	_ =	swait.ge [sflag:s20], $0x800  }
0xb4: {  	[sflag:s20] =	ssyncset.done $0x0  }
0xb5: {  	[sflag:s20] =	ssyncadd.s32 $0xFFFFF800  }
0xb6: {  	_ =	swait.ge [sflag:s20], $0x800  }
0xb7: {  	[sflag:s20] =	ssyncset.done $0x0  }
0xb8: {  	[sflag:s20] =	ssyncadd.s32 $0xFFFFF800  }
0xb9: {  	_ =	swait.ge [sflag:s20], $0x800  }
0xba: {  	[sflag:s20] =	ssyncset.done $0x0  }
0xbb: {  	[sflag:s20] =	ssyncadd.s32 $0xFFFFF800  }
0xbc: {  	_ =	swait.ge [sflag:s20], $0x800  }
0xbd: {  	[sflag:s20] =	ssyncset.done $0x0  }
0xbe: {  	[sflag:s20] =	ssyncadd.s32 $0xFFFFF800  }
0xbf: {  	_ =	swait.ge [sflag:s20], $0x800  }
0xc0: {  	[sflag:s20] =	ssyncset.done $0x0  }
0xc1: {  	[sflag:s20] =	ssyncadd.s32 $0xFFFFF800  }
0xc2: {  	_ =	swait.ge [sflag:s20], $0x800  }
0xc3: {  	[sflag:s20] =	ssyncset.done $0x0  }
0xc4: {  	[sflag:s20] =	ssyncadd.s32 $0xFFFFF800  }
0xc5: {  	_ =	swait.ge [sflag:s20], $0x800  }
0xc6: {  	[sflag:s20] =	ssyncset.done $0x0  }
0xc7: {  	[sflag:s20] =	ssyncadd.s32 $0xFFFFF800  }
0xc8: {  	_ =	swait.ge [sflag:s20], $0x800  }
0xc9: {  	[sflag:s20] =	ssyncset.done $0x0  }
0xca: {  	[sflag:s20] =	ssyncadd.s32 $0xFFFFF800  }
0xcb: {  	s26 =	ssub.s32 $0x2, s1;
	_ =	swait.ge [sflag:s20], $0x800  }
0xcc: {  	s1 =	sshrl.u32 s26, $0x1;
	[sflag:s20] =	ssyncset.done $0x0  }
0xcd: {  	s0 =	ssub.s32 s26, s1;
	[sflag:s20] =	ssyncadd.s32 $0xFFFFF800  }
0xce: {  	s0 =	smax.u32 s0, $0x1;
	_ =	swait.ge [sflag:s20], $0x800  }
0xcf: {  	p0 =	sne.s32 s0, $0x1;
	[sflag:s20] =	ssyncset.done $0x0  }
.Ltmp0:
0xd0: {  	[sflag:s20] =	ssyncadd.s32 $0xFFFFF800;
	(pc) =	sbr.rel @!p0 .LBB2_2-.Ltmp0, $4  }
0xd1: {  	_ =	swait.ge [sflag:s20], $0x800  }
0xd2: {  	[sflag:s20] =	ssyncset.done $0x0  }
0xd3: {  	[sflag:s20] =	ssyncadd.s32 $0xFFFFF800  }
0xd4: {  	s1 =	sadd.s32 $0xFFFFFFFF, s0;
	_ =	swait.ge [sflag:s20], $0x800  }
.LBB2_1:
0xd5: {  	[sflag:s20] =	ssyncset.done $0x0  }
0xd6: {  	[sflag:s20] =	ssyncadd.s32 $0xFFFFF800  }
0xd7: {  	_ =	swait.ge [sflag:s20], $0x800  }
0xd8: {  	[sflag:s20] =	ssyncset.done $0x0  }
0xd9: {  	[sflag:s20] =	ssyncadd.s32 $0xFFFFF800  }
0xda: {  	_ =	swait.ge [sflag:s20], $0x800  }
0xdb: {  	[sflag:s20] =	ssyncset.done $0x0  }
0xdc: {  	[sflag:s20] =	ssyncadd.s32 $0xFFFFF800  }
0xdd: {  	_ =	swait.ge [sflag:s20], $0x800  }
0xde: {  	[sflag:s20] =	ssyncset.done $0x0  }
0xdf: {  	[sflag:s20] =	ssyncadd.s32 $0xFFFFF800  }
0xe0: {  	_ =	swait.ge [sflag:s20], $0x800  }
0xe1: {  	[sflag:s20] =	ssyncset.done $0x0  }
0xe2: {  	s0 =	rddreg [dreg:$0x3];
	[sflag:s20] =	ssyncadd.s32 $0xFFFFF800  }
0xe3: {  	[hbm4b:s0+s2] =	stream.linear.scatter [tilespmem:s4], [sflag:$0x2], $0x10000, $0x38;
	[tilespmem:$0x11000] =	vst v63  }
0xe4: {  	_ =	swait.ge [sflag:s3], $0x10000  }
0xe5: {  	[sflag:s3] =	ssyncset.done $0x0  }
0xe6: {  	s24 =	rddreg [dreg:$0x2];
	[sflag:s3] =	ssyncadd.s32 $0xFFFF0000  }
0xe7: {  	[tilespmem:s2], [sflag:$0x2] =	stream.linear.gather [hbm4b:s24+s2], $0x1000, $0x38;
	[tilespmem:$0x11000] =	vst v63  }
0xe8: {  	_ =	swait.ge [sflag:s3], $0x1000  }
0xe9: {  	s0 =	sld [smem:$0x7F4]  }
0xea: {  	s7 =	sld [smem:$0x7F5]  }
0xeb: {  	s8 =	sld [smem:$0x7F6]  }
0xec: {  	s9 =	sld [smem:$0x7F7]  }
0xed: {  	s10 =	sld [smem:$0x7F8]  }
0xee: {  	s11 =	rddreg [dreg:$0x1e]  }
0xef: {  	s12 =	rddreg [dreg:$0x1c]  }
0xf0: {  	s13 =	rddreg [dreg:$0x1a]  }
0xf1: {  	s14 =	rddreg [dreg:$0x18]  }
0xf2: {  	s15 =	rddreg [dreg:$0x16]  }
0xf3: {  	s16 =	rddreg [dreg:$0x14]  }
0xf4: {  	s17 =	rddreg [dreg:$0x12]  }
0xf5: {  	s18 =	rddreg [dreg:$0x10]  }
0xf6: {  	s19 =	rddreg [dreg:$0xe]  }
0xf7: {  	s21 =	rddreg [dreg:$0xc]  }
0xf8: {  	s22 =	rddreg [dreg:$0xa]  }
0xf9: {  	s23 =	rddreg [dreg:$0x5]  }
0xfa: {  	[sflag:s3] =	ssyncset.done $0x0;
	s24 =	rddreg [dreg:$0x4]  }
0xfb: {  	s25 =	rddreg [dreg:$0x6];
	[sflag:s3] =	ssyncadd.s32 $0xFFFFF000  }
0xfc: {  	[tilespmem:s4], [sflag:$0x1] =	stream.indirect.gather [hbm4b:s5+s6], $0x10, s2, s6, $0xb8;
	[tilespmem:$0x11000] =	vst v63  }
0xfd: {  	s26 =	rddreg [dreg:$0x8]  }
0xfe: {  	[tilespmem:s24], [sflag:$0x1] =	stream.indirect.gather [hbm4b:s5+s6], $0x10, s6, s6, $0xb8;
	[tilespmem:$0x11000] =	vst v63  }
0xff: {  	s24 =	rddreg [dreg:$0x7]  }
0x100: {  	[tilespmem:s25], [sflag:$0x1] =	stream.indirect.gather [hbm4b:s5+s6], $0x10, s23, s6, $0xb8;
	[tilespmem:$0x11000] =	vst v63  }
0x101: {  	s25 =	rddreg [dreg:$0x9]  }
0x102: {  	[tilespmem:s26], [sflag:$0x1] =	stream.indirect.gather [hbm4b:s5+s6], $0x10, s24, s6, $0xb8;
	[tilespmem:$0x11000] =	vst v63  }
0x103: {  	s23 =	rddreg [dreg:$0x13]  }
0x104: {  	[tilespmem:s22], [sflag:$0x1] =	stream.indirect.gather [hbm4b:s5+s6], $0x10, s25, s6, $0xb8;
	[tilespmem:$0x11000] =	vst v63  }
0x105: {  	s26 =	rddreg [dreg:$0xb]  }
0x106: {  	[tilespmem:s21], [sflag:$0x1] =	stream.indirect.gather [hbm4b:s5+s6], $0x10, s26, s6, $0xb8;
	[tilespmem:$0x11000] =	vst v63  }
0x107: {  	s25 =	rddreg [dreg:$0xd]  }
0x108: {  	[tilespmem:s19], [sflag:$0x1] =	stream.indirect.gather [hbm4b:s5+s6], $0x10, s25, s6, $0xb8;
	[tilespmem:$0x11000] =	vst v63  }
0x109: {  	s26 =	rddreg [dreg:$0xf]  }
0x10a: {  	[tilespmem:s18], [sflag:$0x1] =	stream.indirect.gather [hbm4b:s5+s6], $0x10, s26, s6, $0xb8;
	[tilespmem:$0x11000] =	vst v63  }
0x10b: {  	s22 =	rddreg [dreg:$0x11]  }
0x10c: {  	[tilespmem:s17], [sflag:$0x1] =	stream.indirect.gather [hbm4b:s5+s6], $0x10, s22, s6, $0xb8;
	[tilespmem:$0x11000] =	vst v63  }
0x10d: {  	s24 =	rddreg [dreg:$0x15]  }
0x10e: {  	[tilespmem:s16], [sflag:$0x1] =	stream.indirect.gather [hbm4b:s5+s6], $0x10, s23, s6, $0xb8;
	[tilespmem:$0x11000] =	vst v63  }
0x10f: {  	s21 =	sld [smem:$0x7F9]  }
0x110: {  	[tilespmem:s15], [sflag:$0x1] =	stream.indirect.gather [hbm4b:s5+s6], $0x10, s24, s6, $0xb8;
	[tilespmem:$0x11000] =	vst v63  }
0x111: {  	s25 =	rddreg [dreg:$0x17]  }
0x112: {  	[tilespmem:s14], [sflag:$0x1] =	stream.indirect.gather [hbm4b:s5+s6], $0x10, s25, s6, $0xb8;
	[tilespmem:$0x11000] =	vst v63  }
0x113: {  	s26 =	rddreg [dreg:$0x19]  }
0x114: {  	[tilespmem:s13], [sflag:$0x1] =	stream.indirect.gather [hbm4b:s5+s6], $0x10, s26, s6, $0xb8;
	[tilespmem:$0x11000] =	vst v63  }
0x115: {  	s17 =	rddreg [dreg:$0x1b]  }
0x116: {  	[tilespmem:s12], [sflag:$0x1] =	stream.indirect.gather [hbm4b:s5+s6], $0x10, s17, s6, $0xb8;
	[tilespmem:$0x11000] =	vst v63  }
0x117: {  	s18 =	rddreg [dreg:$0x1d]  }
0x118: {  	[tilespmem:s11], [sflag:$0x1] =	stream.indirect.gather [hbm4b:s5+s6], $0x10, s18, s6, $0xb8;
	[tilespmem:$0x11000] =	vst v63  }
0x119: {  	s19 =	rddreg [dreg:$0x1f]  }
0x11a: {  	[tilespmem:s10], [sflag:$0x1] =	stream.indirect.gather [hbm4b:s5+s6], $0x10, s19, s6, $0xb8;
	[tilespmem:$0x11000] =	vst v63  }
0x11b: {  	s22 =	sld [smem:$0x7FA]  }
0x11c: {  	[tilespmem:s9], [sflag:$0x1] =	stream.indirect.gather [hbm4b:s5+s6], $0x10, s21, s6, $0xb8;
	[tilespmem:$0x11000] =	vst v63  }
0x11d: {  	s23 =	sld [smem:$0x7FB]  }
0x11e: {  	[tilespmem:s8], [sflag:$0x1] =	stream.indirect.gather [hbm4b:s5+s6], $0x10, s22, s6, $0xb8;
	[tilespmem:$0x11000] =	vst v63  }
0x11f: {  	s24 =	sld [smem:$0x7FC]  }
0x120: {  	[tilespmem:s7], [sflag:$0x1] =	stream.indirect.gather [hbm4b:s5+s6], $0x10, s23, s6, $0xb8;
	[tilespmem:$0x11000] =	vst v63  }
0x121: {  	s25 =	sld [smem:$0x7FD]  }
0x122: {  	[tilespmem:s0], [sflag:$0x1] =	stream.indirect.gather [hbm4b:s5+s6], $0x10, s24, s6, $0xb8;
	[tilespmem:$0x11000] =	vst v63  }
0x123: {  	s26 =	simm.s32 $0xB000  }
0x124: {  	[tilespmem:s26], [sflag:$0x1] =	stream.indirect.gather [hbm4b:s5+s6], $0x10, s25, s6, $0xb8;
	[tilespmem:$0x11000] =	vst v63  }
0x125: {  	s9 =	simm.s32 $0xB800;
	s8 =	simm.s32 $0xA80  }
0x126: {  	[tilespmem:s9], [sflag:$0x1] =	stream.indirect.gather [hbm4b:s5+s6], $0x10, s8, s6, $0xb8;
	[tilespmem:$0x11000] =	vst v63  }
0x127: {  	s11 =	simm.s32 $0xC000;
	s10 =	simm.s32 $0xB00  }
0x128: {  	[tilespmem:s11], [sflag:$0x1] =	stream.indirect.gather [hbm4b:s5+s6], $0x10, s10, s6, $0xb8;
	[tilespmem:$0x11000] =	vst v63  }
0x129: {  	s13 =	simm.s32 $0xC800;
	s12 =	simm.s32 $0xB80  }
0x12a: {  	[tilespmem:s13], [sflag:$0x1] =	stream.indirect.gather [hbm4b:s5+s6], $0x10, s12, s6, $0xb8;
	[tilespmem:$0x11000] =	vst v63  }
0x12b: {  	s15 =	simm.s32 $0xD000;
	s14 =	simm.s32 $0xC00  }
0x12c: {  	[tilespmem:s15], [sflag:$0x1] =	stream.indirect.gather [hbm4b:s5+s6], $0x10, s14, s6, $0xb8;
	[tilespmem:$0x11000] =	vst v63  }
0x12d: {  	s16 =	simm.s32 $0xC80;
	s17 =	simm.s32 $0xD800  }
0x12e: {  	[tilespmem:s17], [sflag:$0x1] =	stream.indirect.gather [hbm4b:s5+s6], $0x10, s16, s6, $0xb8;
	[tilespmem:$0x11000] =	vst v63  }
0x12f: {  	s18 =	simm.s32 $0xD00;
	s19 =	simm.s32 $0xE000  }
0x130: {  	[tilespmem:s19], [sflag:$0x1] =	stream.indirect.gather [hbm4b:s5+s6], $0x10, s18, s6, $0xb8;
	[tilespmem:$0x11000] =	vst v63  }
0x131: {  	s21 =	simm.s32 $0xD80;
	s22 =	simm.s32 $0xE800  }
0x132: {  	[tilespmem:s22], [sflag:$0x1] =	stream.indirect.gather [hbm4b:s5+s6], $0x10, s21, s6, $0xb8;
	[tilespmem:$0x11000] =	vst v63  }
0x133: {  	s23 =	simm.s32 $0xE00;
	s24 =	simm.s32 $0xF000  }
0x134: {  	[tilespmem:s24], [sflag:$0x1] =	stream.indirect.gather [hbm4b:s5+s6], $0x10, s23, s6, $0xb8;
	[tilespmem:$0x11000] =	vst v63  }
0x135: {  	s25 =	simm.s32 $0xE80;
	s26 =	simm.s32 $0xF800  }
0x136: {  	[tilespmem:s26], [sflag:$0x1] =	stream.indirect.gather [hbm4b:s5+s6], $0x10, s25, s6, $0xb8;
	[tilespmem:$0x11000] =	vst v63  }
0x137: {  	_ = 	snop  }
0x138: {  	[tilespmem:s29], [sflag:$0x1] =	stream.indirect.gather [hbm4b:s5+s6], $0x10, s28, s6, $0xb8;
	[tilespmem:$0x11000] =	vst v63  }
0x139: {  	_ = 	snop  }
0x13a: {  	[tilespmem:s31], [sflag:$0x1] =	stream.indirect.gather [hbm4b:s5+s6], $0x10, s30, s6, $0xb8;
	[tilespmem:$0x11000] =	vst v63  }
0x13b: {  	_ =	swait.ge [sflag:s20], $0x800  }
0x13c: {  	[sflag:s20] =	ssyncset.done $0x0  }
0x13d: {  	[sflag:s20] =	ssyncadd.s32 $0xFFFFF800  }
0x13e: {  	_ =	swait.ge [sflag:s20], $0x800  }
0x13f: {  	[sflag:s20] =	ssyncset.done $0x0  }
0x140: {  	[sflag:s20] =	ssyncadd.s32 $0xFFFFF800  }
0x141: {  	_ =	swait.ge [sflag:s20], $0x800  }
0x142: {  	[sflag:s20] =	ssyncset.done $0x0  }
0x143: {  	[sflag:s20] =	ssyncadd.s32 $0xFFFFF800  }
0x144: {  	_ =	swait.ge [sflag:s20], $0x800  }
0x145: {  	[sflag:s20] =	ssyncset.done $0x0  }
0x146: {  	[sflag:s20] =	ssyncadd.s32 $0xFFFFF800  }
0x147: {  	_ =	swait.ge [sflag:s20], $0x800  }
0x148: {  	[sflag:s20] =	ssyncset.done $0x0  }
0x149: {  	[sflag:s20] =	ssyncadd.s32 $0xFFFFF800  }
0x14a: {  	_ =	swait.ge [sflag:s20], $0x800  }
0x14b: {  	[sflag:s20] =	ssyncset.done $0x0  }
0x14c: {  	[sflag:s20] =	ssyncadd.s32 $0xFFFFF800  }
0x14d: {  	_ =	swait.ge [sflag:s20], $0x800  }
0x14e: {  	[sflag:s20] =	ssyncset.done $0x0  }
0x14f: {  	[sflag:s20] =	ssyncadd.s32 $0xFFFFF800  }
0x150: {  	_ =	swait.ge [sflag:s20], $0x800  }
0x151: {  	[sflag:s20] =	ssyncset.done $0x0  }
0x152: {  	[sflag:s20] =	ssyncadd.s32 $0xFFFFF800  }
0x153: {  	_ =	swait.ge [sflag:s20], $0x800  }
0x154: {  	[sflag:s20] =	ssyncset.done $0x0  }
0x155: {  	[sflag:s20] =	ssyncadd.s32 $0xFFFFF800  }
0x156: {  	_ =	swait.ge [sflag:s20], $0x800  }
0x157: {  	[sflag:s20] =	ssyncset.done $0x0  }
0x158: {  	[sflag:s20] =	ssyncadd.s32 $0xFFFFF800  }
0x159: {  	_ =	swait.ge [sflag:s20], $0x800  }
0x15a: {  	[sflag:s20] =	ssyncset.done $0x0  }
0x15b: {  	[sflag:s20] =	ssyncadd.s32 $0xFFFFF800  }
0x15c: {  	_ =	swait.ge [sflag:s20], $0x800  }
0x15d: {  	[sflag:s20] =	ssyncset.done $0x0  }
0x15e: {  	[sflag:s20] =	ssyncadd.s32 $0xFFFFF800  }
0x15f: {  	_ =	swait.ge [sflag:s20], $0x800  }
0x160: {  	[sflag:s20] =	ssyncset.done $0x0  }
0x161: {  	[sflag:s20] =	ssyncadd.s32 $0xFFFFF800  }
0x162: {  	_ =	swait.ge [sflag:s20], $0x800  }
0x163: {  	[sflag:s20] =	ssyncset.done $0x0  }
0x164: {  	[sflag:s20] =	ssyncadd.s32 $0xFFFFF800  }
0x165: {  	_ =	swait.ge [sflag:s20], $0x800  }
0x166: {  	[sflag:s20] =	ssyncset.done $0x0  }
0x167: {  	[sflag:s20] =	ssyncadd.s32 $0xFFFFF800  }
0x168: {  	_ =	swait.ge [sflag:s20], $0x800  }
0x169: {  	[sflag:s20] =	ssyncset.done $0x0  }
0x16a: {  	[sflag:s20] =	ssyncadd.s32 $0xFFFFF800  }
0x16b: {  	_ =	swait.ge [sflag:s20], $0x800  }
0x16c: {  	[sflag:s20] =	ssyncset.done $0x0  }
0x16d: {  	[sflag:s20] =	ssyncadd.s32 $0xFFFFF800  }
0x16e: {  	_ =	swait.ge [sflag:s20], $0x800  }
0x16f: {  	[sflag:s20] =	ssyncset.done $0x0  }
0x170: {  	[sflag:s20] =	ssyncadd.s32 $0xFFFFF800  }
0x171: {  	_ =	swait.ge [sflag:s20], $0x800  }
0x172: {  	[sflag:s20] =	ssyncset.done $0x0  }
0x173: {  	[sflag:s20] =	ssyncadd.s32 $0xFFFFF800  }
0x174: {  	_ =	swait.ge [sflag:s20], $0x800  }
0x175: {  	[sflag:s20] =	ssyncset.done $0x0  }
0x176: {  	[sflag:s20] =	ssyncadd.s32 $0xFFFFF800  }
0x177: {  	_ =	swait.ge [sflag:s20], $0x800  }
0x178: {  	[sflag:s20] =	ssyncset.done $0x0  }
0x179: {  	[sflag:s20] =	ssyncadd.s32 $0xFFFFF800  }
0x17a: {  	_ =	swait.ge [sflag:s20], $0x800  }
0x17b: {  	[sflag:s20] =	ssyncset.done $0x0  }
0x17c: {  	[sflag:s20] =	ssyncadd.s32 $0xFFFFF800  }
0x17d: {  	_ =	swait.ge [sflag:s20], $0x800  }
0x17e: {  	[sflag:s20] =	ssyncset.done $0x0  }
0x17f: {  	[sflag:s20] =	ssyncadd.s32 $0xFFFFF800  }
0x180: {  	_ =	swait.ge [sflag:s20], $0x800  }
0x181: {  	[sflag:s20] =	ssyncset.done $0x0  }
0x182: {  	[sflag:s20] =	ssyncadd.s32 $0xFFFFF800  }
0x183: {  	_ =	swait.ge [sflag:s20], $0x800  }
0x184: {  	[sflag:s20] =	ssyncset.done $0x0  }
0x185: {  	[sflag:s20] =	ssyncadd.s32 $0xFFFFF800  }
0x186: {  	_ =	swait.ge [sflag:s20], $0x800  }
0x187: {  	p0 =	sne.s32 s1, $0x1;
	[sflag:s20] =	ssyncset.done $0x0  }
.Ltmp1:
0x188: {  	[sflag:s20] =	ssyncadd.s32 $0xFFFFF800;
	(pc) =	sbr.rel @p0 .LBB2_1-.Ltmp1, $4  }
0x189: {  	_ =	swait.ge [sflag:s20], $0x800  }
0x18a: {  	[sflag:s20] =	ssyncset.done $0x0  }
0x18b: {  	[sflag:s20] =	ssyncadd.s32 $0xFFFFF800  }
0x18c: {  	s1 =	sadd.s32 $0xFFFFFFFF, s1;
	_ =	swait.ge [sflag:s20], $0x800  }
.LBB2_2:
0x18d: {  	[sflag:s20] =	ssyncset.done $0x0  }
0x18e: {  	[sflag:s20] =	ssyncadd.s32 $0xFFFFF800  }
0x18f: {  	_ =	swait.ge [sflag:s20], $0x800  }
0x190: {  	[sflag:s20] =	ssyncset.done $0x0  }
0x191: {  	[sflag:s20] =	ssyncadd.s32 $0xFFFFF800  }
0x192: {  	_ =	swait.ge [sflag:s20], $0x800  }
0x193: {  	[sflag:s20] =	ssyncset.done $0x0  }
0x194: {  	[sflag:s20] =	ssyncadd.s32 $0xFFFFF800  }
0x195: {  	_ =	swait.ge [sflag:s20], $0x800  }
0x196: {  	[sflag:s20] =	ssyncset.done $0x0  }
0x197: {  	[sflag:s20] =	ssyncadd.s32 $0xFFFFF800  }
0x198: {  	_ =	swait.ge [sflag:s20], $0x800  }
0x199: {  	[sflag:s20] =	ssyncset.done $0x0  }
0x19a: {  	s0 =	rddreg [dreg:$0x3];
	[sflag:s20] =	ssyncadd.s32 $0xFFFFF800  }
0x19b: {  	[hbm4b:s0+s2] =	stream.linear.scatter [tilespmem:s4], [sflag:$0x2], $0x10000, $0x38;
	[tilespmem:$0x11000] =	vst v63  }
0x19c: {  	_ =	swait.ge [sflag:s3], $0x10000  }
0x19d: {  	[sflag:s3] =	ssyncset.done $0x0  }
0x19e: {  	[sflag:s3] =	ssyncadd.s32 $0xFFFF0000  }
0x19f: {  	_ =	sfence.sel $0x180000  }
0x1a0: {  	[bflag:$0x0] =	sbarrier.arrive $0xFFFF  }
0x1a1: {  	_ =	strace $0x9000004A  }
0x1a2: {  	s31 =	stileid.u32;
	[bflag:$0x2] =	sbarrier.arrive $0xFFFF  }
0x1a3: {  	p0 =	sne.s32 s31, $0x0;
	s0 =	rddreg [dreg:$0x1]  }
0x1a4: {  	s0 =	sadd.s32 @!p0 $0x100000, s0  }
0x1a5: {  	[sflag:s0] =	ssyncadd.tile.s32 @!p0 $0x1;
	_ =	shalt  }
.Lfunc_end2:
_tile_overlayer_lowered:
.L_overlay_start_2:
0x1a6: {  	(tag) =	ssettag $0x2  }
0x1a7: {  	s0 =	rddreg [dreg:$0x0];
	s2 =	stileid.u32  }
0x1a8: {  	s1 =	rddreg [dreg:$0x1];
	p0 =	sne.s32 s2, $0x0  }
0x1a9: {  	s3 =	rddreg [dreg:$0x2];
	[bflag:$0x3] =	sbarrier.arrive $0xFFFF;
	s2 =	simm.s32 @!p0 $0x1C02  }
0x1aa: {  	[timem:s3], [sflag:s2] =	dma.local @!p0 [hbm:s0], s1  }
0x1ab: {  	s0 =	simm.s32 @!p0 $0x2  }
0x1ac: {  	_ =	swait.ge @!p0 [sflag:s0], s1  }
0x1ad: {  	s1 =	ssub.s32 @!p0 $0x0, s1;
	[sflag:s0] =	ssyncset.done @!p0 $0x0  }
0x1ae: {  	[sflag:s0] =	ssyncadd.s32 @!p0 s1  }
0x1af: {  	[bflag:$0x3] =	sbarrier.arrive $0xFFFF  }
0x1b0: {  	_ =	shalt  }

</sc_bundles>
